<compile_context>
chip_gen: v7x
topology: tpu7x:2x2x1
jax: 0.10.2.dev20260603
libtpu: 0.0.44.dev20260713+nightly
codegen_flags: <defaults>
</compile_context>

<pallas_src>
import functools

import numpy as np
import jax
import jax.numpy as jnp
from jax import lax
from jax.experimental import pallas as pl
from jax.experimental.pallas import tpu as pltpu
from jax.experimental.pallas import tpu_sc as plsc

NC, NS, L = 2, 16, 16
NW = NC * NS
B = 1048576
N = 512
P = B // NW
T = P // N
R = N // L
NQ = 4194304

_VOFF = (0, 256, 65536, 65792)

_ILV_ROWS = 262144
_ILV_BK = 1024


@functools.lru_cache(maxsize=None)
def _ilv_perms():
    pe = np.zeros((256, 256), np.float32)
    po = np.zeros((256, 256), np.float32)
    for j in range(128):
        zl, ch = j >> 1, j & 1
        pe[(128 if ch else 0) + zl, j] = 1.0
        po[(128 if ch else 0) + 64 + zl, j] = 1.0
    return jnp.asarray(pe[:, :128]), jnp.asarray(po[:, :128])


def _ilv_body(i_ref, pe_ref, po_ref, o_ref):
    x = i_ref[...]
    xm1 = jnp.concatenate([x[1:], x[:1]], 0)
    xp1 = jnp.concatenate([x[-1:], x[:-1]], 0)
    even = jax.lax.dot(jnp.concatenate([x, xm1], 1), pe_ref[...])
    odd = jax.lax.dot(jnp.concatenate([xp1, x], 1), po_ref[...])
    par = lax.broadcasted_iota(jnp.int32, (_ILV_BK, 128), 0)
    o_ref[...] = jnp.where(lax.bitwise_and(par, 1) == 0, even, odd)


def _interleave(gn2d):
    pm = pl.BlockSpec((256, 128), lambda i: (0, 0))
    return pl.pallas_call(
        _ilv_body,
        grid=(_ILV_ROWS // _ILV_BK,),
        in_specs=[pl.BlockSpec((_ILV_BK, 128), lambda i: (i, 0)),
                  pm, pm],
        out_specs=pl.BlockSpec((_ILV_BK, 128), lambda i: (i, 0)),
        out_shape=jax.ShapeDtypeStruct((_ILV_ROWS, 128), jnp.float32),
    )(gn2d, *_ilv_perms())


def _phase1(t, buf, x0_hbm, x1_hbm, x2_hbm, grid_hbm, base0):
    (x0v, x1v, x2v, fxv, fyv, fzv, vmv, izmv, idxv, rowsv,
     sigv, alpv, sem) = buf
    base = base0 + t * N
    pltpu.sync_copy(x0_hbm.at[pl.ds(base, N)], x0v)
    pltpu.sync_copy(x1_hbm.at[pl.ds(base, N)], x1v)
    pltpu.sync_copy(x2_hbm.at[pl.ds(base, N)], x2v)
    lane = lax.iota(jnp.int32, L)
    zero = lane * 0
    col0 = lane * 8

    def body(j, carry):
        comps = []
        for xcv in (x0v, x1v, x2v):
            xc = xcv[pl.ds(j * L, L)]
            tc = xc * jnp.float32(255.0)
            tcl = jnp.minimum(jnp.maximum(tc, jnp.float32(0.0)),
                              jnp.float32(254.0))
            ic = tcl.astype(jnp.int32)
            fc = tc - ic.astype(jnp.float32)
            comps.append((tc, ic, fc))
        (t0, i0, f0), (t1, i1, f1), (t2, i2, f2) = comps
        valid = ((t0 >= 0.0) & (t0 <= 255.0)
                 & (t1 >= 0.0) & (t1 <= 255.0)
                 & (t2 >= 0.0) & (t2 <= 255.0))
        fxv[pl.ds(j * L, L)] = f0
        fyv[pl.ds(j * L, L)] = f1
        fzv[pl.ds(j * L, L)] = f2
        vmv[pl.ds(j * L, L)] = jnp.where(valid, jnp.float32(1.0),
                                         jnp.float32(0.0))
        izmv[pl.ds(j * L, L)] = lax.bitwise_and(i2, 3)
        vbase = lax.shift_left(i0, 16) + lax.shift_left(i1, 8) + i2
        rowvec = zero + j
        for q, off in enumerate(_VOFF):
            r0 = lax.shift_right_logical(vbase + off, 2)
            r1 = jnp.minimum(r0 + 1, NQ - 1)
            plsc.store_scatter(idxv, [rowvec, col0 + 2 * q], r0)
            plsc.store_scatter(idxv, [rowvec, col0 + 2 * q + 1], r1)
        pltpu.async_copy(grid_hbm.at[idxv.at[j]],
                         rowsv.at[pl.ds(j * 128, 128)], sem)
        return carry

    lax.fori_loop(0, R, body, 0, unroll=False)


def _phase2(t, buf, grid_hbm, sig_hbm, alp_hbm, base0):
    (x0v, x1v, x2v, fxv, fyv, fzv, vmv, izmv, idxv, rowsv,
     sigv, alpv, sem) = buf
    base = base0 + t * N
    pltpu.make_async_copy(grid_hbm.at[pl.ds(0, 8 * N)], rowsv, sem).wait()
    lane = lax.iota(jnp.int32, L)

    def body(j, carry):
        f0 = fxv[pl.ds(j * L, L)]
        f1 = fyv[pl.ds(j * L, L)]
        f2 = fzv[pl.ds(j * L, L)]
        vm = vmv[pl.ds(j * L, L)]
        izm = izmv[pl.ds(j * L, L)]
        izp = izm + 1
        qz0 = 2 * izm
        qz1 = 2 * lax.bitwise_and(izp, 3)
        rsel = lax.shift_right_logical(izp, 2)
        wx = (jnp.float32(1.0) - f0, f0)
        wy = (jnp.float32(1.0) - f1, f1)
        wz = (jnp.float32(1.0) - f2, f2)
        rbase = j * 128 + lane * 8
        sig = jnp.zeros((L,), jnp.float32)
        alp = jnp.zeros((L,), jnp.float32)
        for dx in range(2):
            for dy in range(2):
                wxy = wx[dx] * wy[dy]
                q2 = (dx * 2 + dy) * 2
                for dz in range(2):
                    w = wxy * wz[dz]
                    ridx = rbase + q2 + (rsel if dz else 0)
                    colz = qz1 if dz else qz0
                    g0 = plsc.load_gather(rowsv, [ridx, colz])
                    g1 = plsc.load_gather(rowsv, [ridx, colz + 1])
                    sig = sig + w * g0
                    alp = alp + w * g1
        sigv[pl.ds(j * L, L)] = sig * vm
        alpv[pl.ds(j * L, L)] = alp * vm
        return carry

    lax.fori_loop(0, R, body, 0, unroll=False)
    pltpu.sync_copy(sigv, sig_hbm.at[pl.ds(base, N)])
    pltpu.sync_copy(alpv, alp_hbm.at[pl.ds(base, N)])


def _tri_body(x0_hbm, x1_hbm, x2_hbm, grid_hbm, sig_hbm, alp_hbm, *scr):
    bufs = (scr[0:13], scr[13:26])
    wid = lax.axis_index("s") * NC + lax.axis_index("c")
    base0 = wid * P

    _phase1(0, bufs[0], x0_hbm, x1_hbm, x2_hbm, grid_hbm, base0)

    def outer(tt, carry):
        c0 = 2 * tt
        _phase1(c0 + 1, bufs[1], x0_hbm, x1_hbm, x2_hbm, grid_hbm, base0)
        _phase2(c0, bufs[0], grid_hbm, sig_hbm, alp_hbm, base0)

        @pl.when(tt < T // 2 - 1)
        def _():
            _phase1(c0 + 2, bufs[0], x0_hbm, x1_hbm, x2_hbm, grid_hbm, base0)

        _phase2(c0 + 1, bufs[1], grid_hbm, sig_hbm, alp_hbm, base0)
        return carry

    lax.fori_loop(0, T // 2, outer, 0, unroll=False)


def _scratch_block():
    return [
        pltpu.VMEM((N,), jnp.float32),
        pltpu.VMEM((N,), jnp.float32),
        pltpu.VMEM((N,), jnp.float32),
        pltpu.VMEM((N,), jnp.float32),
        pltpu.VMEM((N,), jnp.float32),
        pltpu.VMEM((N,), jnp.float32),
        pltpu.VMEM((N,), jnp.float32),
        pltpu.VMEM((N,), jnp.int32),
        pltpu.VMEM((R, 128), jnp.int32),
        pltpu.VMEM((8 * N, 8), jnp.float32),
        pltpu.VMEM((N,), jnp.float32),
        pltpu.VMEM((N,), jnp.float32),
        pltpu.SemaphoreType.DMA,
    ]


@functools.lru_cache(maxsize=None)
def _build():
    return functools.partial(
        pl.kernel,
        out_type=(jax.ShapeDtypeStruct((B,), jnp.float32),
                  jax.ShapeDtypeStruct((B,), jnp.float32)),
        mesh=plsc.VectorSubcoreMesh(core_axis_name="c", subcore_axis_name="s",
                                    num_cores=NC, num_subcores=NS),
        compiler_params=pltpu.CompilerParams(needs_layout_passes=False,
                                             use_tc_tiling_on_sc=False),
        scratch_types=_scratch_block() + _scratch_block(),
    )(_tri_body)


def kernel(x, grid):
    x0 = x[:, 0]
    x1 = x[:, 1]
    x2 = x[:, 2]
    g5 = grid.reshape(256, 256, 2, 128, 2).transpose(0, 1, 2, 4, 3)
    gn2d = g5.reshape(_ILV_ROWS, 128)
    g8 = _interleave(gn2d).reshape(NQ, 8)
    return _build()(x0, x1, x2, g8)

# --- scband reference (transcript-rebuilt; emitter-appended) ---
"""Pipeline reference for scband-simple-grid-60687887892817 (READ-ONLY COPY).

The authoritative reference and input builder live on the scoring server;
editing this copy changes nothing except your own understanding.
"""

import jax, jax.numpy as jnp
import numpy as np

SIZE = (256, 256, 256)
LOWER = jnp.asarray([0.0, 0.0, 0.0], dtype=jnp.float32)
RESOLUTION = jnp.float32(255.0)


def _interpolate(index, grid):
    # Trilinear interpolation of grid[..., 2] at fractional coordinate `index` (shape [3]).
    size = jnp.asarray(grid.shape[:3], dtype=jnp.int32)
    i0 = jnp.clip(jnp.floor(index).astype(jnp.int32), 0, size - 2)
    f = index - i0.astype(jnp.float32)
    out = jnp.zeros((grid.shape[-1],), dtype=grid.dtype)
    for dx in (0, 1):
        for dy in (0, 1):
            for dz in (0, 1):
                w = ((f[0] if dx else 1.0 - f[0])
                     * (f[1] if dy else 1.0 - f[1])
                     * (f[2] if dz else 1.0 - f[2]))
                out = out + w * grid[i0[0] + dx, i0[1] + dy, i0[2] + dz]
    return out


def _call_single(x, grid):
    # Faithful translation of SimpleGrid.__call__ for a single point x: [3].
    index = (x - LOWER) * RESOLUTION
    size_f = jnp.asarray(SIZE, dtype=jnp.float32)
    valid = jnp.all((0 <= index) & (index <= size_f - 1))
    vals = jnp.where(valid, _interpolate(index, grid), jnp.zeros((2,), dtype=jnp.float32))
    return vals[0], vals[1]


def setup_inputs(seed: int = 0) -> dict:
    key = jax.random.key(seed)
    k1, k2 = jax.random.split(key)
    x = jax.random.uniform(k1, (1048576, 3), dtype=jnp.float32)  # world coords in [0,1)
    # Learned parameter: grid of shape (*size, 2). hk init is zeros; use random values
    # in [0,1] (consistent with SimpleGrid.project's clip range) for a meaningful test.
    grid = jax.random.uniform(k2, (256, 256, 256, 2), dtype=jnp.float32)
    return {"x": x, "grid": grid}


def reference(x, grid):
    # Module is written per-point; production usage vmaps over the query batch.
    sigma, alpha = jax.vmap(_call_single, in_axes=(0, None))(x, grid)
    return sigma, alpha

if __name__ == "__main__":
    import jax
    _d = setup_inputs()
    print(jax.jit(kernel)(*tuple(_d.values())))

</pallas_src>

<mosaic_0001>
#map = affine_map<(d0, d1) -> (0)>
#map1 = affine_map<(d0, d1) -> (0, 0)>
module attributes {stable_mosaic.version = 14 : i64} {
  func.func @_tri_body(%arg0: i32, %arg1: i32, %arg2: memref<1048576xf32, #tpu.memory_space<hbm>>, %arg3: memref<1048576xf32, #tpu.memory_space<hbm>>, %arg4: memref<1048576xf32, #tpu.memory_space<hbm>>, %arg5: memref<4194304x8xf32, #tpu.memory_space<hbm>>, %arg6: memref<1048576xf32, #tpu.memory_space<hbm>>, %arg7: memref<1048576xf32, #tpu.memory_space<hbm>>, %arg8: memref<512xf32, #tpu.memory_space<vmem>>, %arg9: memref<512xf32, #tpu.memory_space<vmem>>, %arg10: memref<512xf32, #tpu.memory_space<vmem>>, %arg11: memref<512xf32, #tpu.memory_space<vmem>>, %arg12: memref<512xf32, #tpu.memory_space<vmem>>, %arg13: memref<512xf32, #tpu.memory_space<vmem>>, %arg14: memref<512xf32, #tpu.memory_space<vmem>>, %arg15: memref<512xi32, #tpu.memory_space<vmem>>, %arg16: memref<32x128xi32, #tpu.memory_space<vmem>>, %arg17: memref<4096x8xf32, #tpu.memory_space<vmem>>, %arg18: memref<512xf32, #tpu.memory_space<vmem>>, %arg19: memref<512xf32, #tpu.memory_space<vmem>>, %arg20: memref<!tpu.dma_semaphore, #tpu.memory_space<semaphore_mem>>, %arg21: memref<512xf32, #tpu.memory_space<vmem>>, %arg22: memref<512xf32, #tpu.memory_space<vmem>>, %arg23: memref<512xf32, #tpu.memory_space<vmem>>, %arg24: memref<512xf32, #tpu.memory_space<vmem>>, %arg25: memref<512xf32, #tpu.memory_space<vmem>>, %arg26: memref<512xf32, #tpu.memory_space<vmem>>, %arg27: memref<512xf32, #tpu.memory_space<vmem>>, %arg28: memref<512xi32, #tpu.memory_space<vmem>>, %arg29: memref<32x128xi32, #tpu.memory_space<vmem>>, %arg30: memref<4096x8xf32, #tpu.memory_space<vmem>>, %arg31: memref<512xf32, #tpu.memory_space<vmem>>, %arg32: memref<512xf32, #tpu.memory_space<vmem>>, %arg33: memref<!tpu.dma_semaphore, #tpu.memory_space<semaphore_mem>>) attributes {dimension_semantics = [#tpu.dimension_semantics<core_parallel>, #tpu.dimension_semantics<subcore_parallel>], iteration_bounds = array<i64: 2, 16>, scalar_prefetch = 0 : i64, scratch_operands = 26 : i64, tpu.core_type = #tpu.core_type<sc_vector_subcore>, window_params = [{transform_indices = #map}, {transform_indices = #map}, {transform_indices = #map}, {transform_indices = #map1}, {transform_indices = #map}, {transform_indices = #map}]} {
    %mul3A = arith.constant 2 : i32
    %mul3A_0 = arith.muli %arg1, %mul3A : i32
    %add3A = arith.addi %mul3A_0, %arg0 : i32
    %mul3A_1 = arith.constant 32768 : i32
    %mul3A_2 = arith.muli %add3A, %mul3A_1 : i32
    %add3A_3 = arith.constant 0 : i32
    %add3A_4 = arith.addi %mul3A_2, %add3A_3 : i32
    "tpu.region"() ({
      %run_scoped3A = tpu.sem_alloc : memref<!tpu.dma_semaphore, #tpu.memory_space<semaphore_mem>>
      %dma_start3A = tpu.memref_slice %arg2[%add3A_4] : memref<1048576xf32, #tpu.memory_space<hbm>> -> memref<512xf32, #tpu.memory_space<hbm>>
      %dma_start3A_22 = tpu.memref_slice %arg2[%add3A_4] : memref<1048576xf32, #tpu.memory_space<hbm>> -> memref<512xf32, #tpu.memory_space<hbm>>
      tpu.enqueue_dma source(%dma_start3A_22 : memref<512xf32, #tpu.memory_space<hbm>>) target(%arg8 : memref<512xf32, #tpu.memory_space<vmem>>) target_semaphore(%run_scoped3A : memref<!tpu.dma_semaphore, #tpu.memory_space<semaphore_mem>>)
      %dma_wait3A = tpu.memref_slice %arg2[%add3A_4] : memref<1048576xf32, #tpu.memory_space<hbm>> -> memref<512xf32, #tpu.memory_space<hbm>>
      %dma_wait3A_23 = tpu.memref_slice %arg2[%add3A_4] : memref<1048576xf32, #tpu.memory_space<hbm>> -> memref<512xf32, #tpu.memory_space<hbm>>
      tpu.wait_dma2 semaphore(%run_scoped3A : memref<!tpu.dma_semaphore, #tpu.memory_space<semaphore_mem>>) src(%dma_wait3A_23 : memref<512xf32, #tpu.memory_space<hbm>>) dst(%arg8 : memref<512xf32, #tpu.memory_space<vmem>>)
      tpu.yield
    }) : () -> ()
    "tpu.region"() ({
      %run_scoped3A = tpu.sem_alloc : memref<!tpu.dma_semaphore, #tpu.memory_space<semaphore_mem>>
      %dma_start3A = tpu.memref_slice %arg3[%add3A_4] : memref<1048576xf32, #tpu.memory_space<hbm>> -> memref<512xf32, #tpu.memory_space<hbm>>
      %dma_start3A_22 = tpu.memref_slice %arg3[%add3A_4] : memref<1048576xf32, #tpu.memory_space<hbm>> -> memref<512xf32, #tpu.memory_space<hbm>>
      tpu.enqueue_dma source(%dma_start3A_22 : memref<512xf32, #tpu.memory_space<hbm>>) target(%arg9 : memref<512xf32, #tpu.memory_space<vmem>>) target_semaphore(%run_scoped3A : memref<!tpu.dma_semaphore, #tpu.memory_space<semaphore_mem>>)
      %dma_wait3A = tpu.memref_slice %arg3[%add3A_4] : memref<1048576xf32, #tpu.memory_space<hbm>> -> memref<512xf32, #tpu.memory_space<hbm>>
      %dma_wait3A_23 = tpu.memref_slice %arg3[%add3A_4] : memref<1048576xf32, #tpu.memory_space<hbm>> -> memref<512xf32, #tpu.memory_space<hbm>>
      tpu.wait_dma2 semaphore(%run_scoped3A : memref<!tpu.dma_semaphore, #tpu.memory_space<semaphore_mem>>) src(%dma_wait3A_23 : memref<512xf32, #tpu.memory_space<hbm>>) dst(%arg9 : memref<512xf32, #tpu.memory_space<vmem>>)
      tpu.yield
    }) : () -> ()
    "tpu.region"() ({
      %run_scoped3A = tpu.sem_alloc : memref<!tpu.dma_semaphore, #tpu.memory_space<semaphore_mem>>
      %dma_start3A = tpu.memref_slice %arg4[%add3A_4] : memref<1048576xf32, #tpu.memory_space<hbm>> -> memref<512xf32, #tpu.memory_space<hbm>>
      %dma_start3A_22 = tpu.memref_slice %arg4[%add3A_4] : memref<1048576xf32, #tpu.memory_space<hbm>> -> memref<512xf32, #tpu.memory_space<hbm>>
      tpu.enqueue_dma source(%dma_start3A_22 : memref<512xf32, #tpu.memory_space<hbm>>) target(%arg10 : memref<512xf32, #tpu.memory_space<vmem>>) target_semaphore(%run_scoped3A : memref<!tpu.dma_semaphore, #tpu.memory_space<semaphore_mem>>)
      %dma_wait3A = tpu.memref_slice %arg4[%add3A_4] : memref<1048576xf32, #tpu.memory_space<hbm>> -> memref<512xf32, #tpu.memory_space<hbm>>
      %dma_wait3A_23 = tpu.memref_slice %arg4[%add3A_4] : memref<1048576xf32, #tpu.memory_space<hbm>> -> memref<512xf32, #tpu.memory_space<hbm>>
      tpu.wait_dma2 semaphore(%run_scoped3A : memref<!tpu.dma_semaphore, #tpu.memory_space<semaphore_mem>>) src(%dma_wait3A_23 : memref<512xf32, #tpu.memory_space<hbm>>) dst(%arg10 : memref<512xf32, #tpu.memory_space<vmem>>)
      tpu.yield
    }) : () -> ()
    %iota3A = tpu.iota {dimensions = array<i32: 0>} : vector<16xi32>
    %mul3A_5 = arith.constant 0 : i32
    %mul3A_6 = vector.broadcast %mul3A_5 : i32 to vector<16xi32>
    %mul3A_7 = arith.muli %iota3A, %mul3A_6 : vector<16xi32>
    %mul3A_8 = arith.constant 8 : i32
    %mul3A_9 = vector.broadcast %mul3A_8 : i32 to vector<16xi32>
    %mul3A_10 = arith.muli %iota3A, %mul3A_9 : vector<16xi32>
    %scan3A = arith.constant 0 : i32
    %scan3A_11 = arith.constant 0 : i32
    %scan3A_12 = arith.constant 32 : i32
    %scan3A_13 = arith.addi %scan3A_11, %scan3A_12 : i32
    %scan3A_14 = arith.constant 1 : i32
    scf.for %scan3A_22 = %scan3A_11 to %scan3A_13 step %scan3A_14  : i32 {
      %mul3A_23 = arith.constant 16 : i32
      %mul3A_24 = arith.muli %scan3A_22, %mul3A_23 : i32
      %get3A = arith.index_cast %mul3A_24 : i32 to index
      %get3A_25 = tpu.vector_load %arg8[%get3A] {strides = array<i32>} : memref<512xf32, #tpu.memory_space<vmem>>, vector<16xf32>,
      %mul3A_26 = arith.constant 2.550000e+02 : f32
      %mul3A_27 = vector.broadcast %mul3A_26 : f32 to vector<16xf32>
      %mul3A_28 = arith.mulf %get3A_25, %mul3A_27 : vector<16xf32>
      %max3A = arith.constant 0.000000e+00 : f32
      %max3A_29 = vector.broadcast %max3A : f32 to vector<16xf32>
      %max3A_30 = arith.maximumf %mul3A_28, %max3A_29 : vector<16xf32>
      %min3A = arith.constant 2.540000e+02 : f32
      %min3A_31 = vector.broadcast %min3A : f32 to vector<16xf32>
      %min3A_32 = arith.minimumf %max3A_30, %min3A_31 : vector<16xf32>
      %convert_element_type3A = arith.fptosi %min3A_32 : vector<16xf32> to vector<16xi32>
      %convert_element_type3A_33 = arith.sitofp %convert_element_type3A : vector<16xi32> to vector<16xf32>
      %sub3A = arith.subf %mul3A_28, %convert_element_type3A_33 : vector<16xf32>
      %mul3A_34 = arith.constant 16 : i32
      %mul3A_35 = arith.muli %scan3A_22, %mul3A_34 : i32
      %get3A_36 = arith.index_cast %mul3A_35 : i32 to index
      %get3A_37 = tpu.vector_load %arg9[%get3A_36] {strides = array<i32>} : memref<512xf32, #tpu.memory_space<vmem>>, vector<16xf32>,
      %mul3A_38 = arith.constant 2.550000e+02 : f32
      %mul3A_39 = vector.broadcast %mul3A_38 : f32 to vector<16xf32>
      %mul3A_40 = arith.mulf %get3A_37, %mul3A_39 : vector<16xf32>
      %max3A_41 = arith.constant 0.000000e+00 : f32
      %max3A_42 = vector.broadcast %max3A_41 : f32 to vector<16xf32>
      %max3A_43 = arith.maximumf %mul3A_40, %max3A_42 : vector<16xf32>
      %min3A_44 = arith.constant 2.540000e+02 : f32
      %min3A_45 = vector.broadcast %min3A_44 : f32 to vector<16xf32>
      %min3A_46 = arith.minimumf %max3A_43, %min3A_45 : vector<16xf32>
      %convert_element_type3A_47 = arith.fptosi %min3A_46 : vector<16xf32> to vector<16xi32>
      %convert_element_type3A_48 = arith.sitofp %convert_element_type3A_47 : vector<16xi32> to vector<16xf32>
      %sub3A_49 = arith.subf %mul3A_40, %convert_element_type3A_48 : vector<16xf32>
      %mul3A_50 = arith.constant 16 : i32
      %mul3A_51 = arith.muli %scan3A_22, %mul3A_50 : i32
      %get3A_52 = arith.index_cast %mul3A_51 : i32 to index
      %get3A_53 = tpu.vector_load %arg10[%get3A_52] {strides = array<i32>} : memref<512xf32, #tpu.memory_space<vmem>>, vector<16xf32>,
      %mul3A_54 = arith.constant 2.550000e+02 : f32
      %mul3A_55 = vector.broadcast %mul3A_54 : f32 to vector<16xf32>
      %mul3A_56 = arith.mulf %get3A_53, %mul3A_55 : vector<16xf32>
      %max3A_57 = arith.constant 0.000000e+00 : f32
      %max3A_58 = vector.broadcast %max3A_57 : f32 to vector<16xf32>
      %max3A_59 = arith.maximumf %mul3A_56, %max3A_58 : vector<16xf32>
      %min3A_60 = arith.constant 2.540000e+02 : f32
      %min3A_61 = vector.broadcast %min3A_60 : f32 to vector<16xf32>
      %min3A_62 = arith.minimumf %max3A_59, %min3A_61 : vector<16xf32>
      %convert_element_type3A_63 = arith.fptosi %min3A_62 : vector<16xf32> to vector<16xi32>
      %convert_element_type3A_64 = arith.sitofp %convert_element_type3A_63 : vector<16xi32> to vector<16xf32>
      %sub3A_65 = arith.subf %mul3A_56, %convert_element_type3A_64 : vector<16xf32>
      %ge3A = arith.constant 0.000000e+00 : f32
      %ge3A_66 = vector.broadcast %ge3A : f32 to vector<16xf32>
      %ge3A_67 = arith.cmpf oge, %mul3A_28, %ge3A_66 : vector<16xf32>
      %le3A = arith.constant 2.550000e+02 : f32
      %le3A_68 = vector.broadcast %le3A : f32 to vector<16xf32>
      %le3A_69 = arith.cmpf ole, %mul3A_28, %le3A_68 : vector<16xf32>
      %and3A = arith.andi %ge3A_67, %le3A_69 : vector<16xi1>
      %ge3A_70 = arith.constant 0.000000e+00 : f32
      %ge3A_71 = vector.broadcast %ge3A_70 : f32 to vector<16xf32>
      %ge3A_72 = arith.cmpf oge, %mul3A_40, %ge3A_71 : vector<16xf32>
      %and3A_73 = arith.andi %and3A, %ge3A_72 : vector<16xi1>
      %le3A_74 = arith.constant 2.550000e+02 : f32
      %le3A_75 = vector.broadcast %le3A_74 : f32 to vector<16xf32>
      %le3A_76 = arith.cmpf ole, %mul3A_40, %le3A_75 : vector<16xf32>
      %and3A_77 = arith.andi %and3A_73, %le3A_76 : vector<16xi1>
      %ge3A_78 = arith.constant 0.000000e+00 : f32
      %ge3A_79 = vector.broadcast %ge3A_78 : f32 to vector<16xf32>
      %ge3A_80 = arith.cmpf oge, %mul3A_56, %ge3A_79 : vector<16xf32>
      %and3A_81 = arith.andi %and3A_77, %ge3A_80 : vector<16xi1>
      %le3A_82 = arith.constant 2.550000e+02 : f32
      %le3A_83 = vector.broadcast %le3A_82 : f32 to vector<16xf32>
      %le3A_84 = arith.cmpf ole, %mul3A_56, %le3A_83 : vector<16xf32>
      %and3A_85 = arith.andi %and3A_81, %le3A_84 : vector<16xi1>
      %mul3A_86 = arith.constant 16 : i32
      %mul3A_87 = arith.muli %scan3A_22, %mul3A_86 : i32
      %swap3A = arith.index_cast %mul3A_87 : i32 to index
      %swap3A_88 = tpu.vector_load %arg11[%swap3A] {strides = array<i32>} : memref<512xf32, #tpu.memory_space<vmem>>, vector<16xf32>,
      tpu.vector_store %arg11[%swap3A], %sub3A {strides = array<i32>} : memref<512xf32, #tpu.memory_space<vmem>>, vector<16xf32>,
      %mul3A_89 = arith.constant 16 : i32
      %mul3A_90 = arith.muli %scan3A_22, %mul3A_89 : i32
      %swap3A_91 = arith.index_cast %mul3A_90 : i32 to index
      %swap3A_92 = tpu.vector_load %arg12[%swap3A_91] {strides = array<i32>} : memref<512xf32, #tpu.memory_space<vmem>>, vector<16xf32>,
      tpu.vector_store %arg12[%swap3A_91], %sub3A_49 {strides = array<i32>} : memref<512xf32, #tpu.memory_space<vmem>>, vector<16xf32>,
      %mul3A_93 = arith.constant 16 : i32
      %mul3A_94 = arith.muli %scan3A_22, %mul3A_93 : i32
      %swap3A_95 = arith.index_cast %mul3A_94 : i32 to index
      %swap3A_96 = tpu.vector_load %arg13[%swap3A_95] {strides = array<i32>} : memref<512xf32, #tpu.memory_space<vmem>>, vector<16xf32>,
      tpu.vector_store %arg13[%swap3A_95], %sub3A_65 {strides = array<i32>} : memref<512xf32, #tpu.memory_space<vmem>>, vector<16xf32>,
      %jit3A = arith.constant 1.000000e+00 : f32
      %jit3A_97 = arith.constant 0.000000e+00 : f32
      %broadcast_in_dim3A = vector.broadcast %jit3A : f32 to vector<16xf32>
      %broadcast_in_dim3A_98 = vector.broadcast %jit3A_97 : f32 to vector<16xf32>
      %select_n3A = arith.select %and3A_85, %broadcast_in_dim3A, %broadcast_in_dim3A_98 : vector<16xi1>, vector<16xf32>
      %mul3A_99 = arith.constant 16 : i32
      %mul3A_100 = arith.muli %scan3A_22, %mul3A_99 : i32
      %swap3A_101 = arith.index_cast %mul3A_100 : i32 to index
      %swap3A_102 = tpu.vector_load %arg14[%swap3A_101] {strides = array<i32>} : memref<512xf32, #tpu.memory_space<vmem>>, vector<16xf32>,
      tpu.vector_store %arg14[%swap3A_101], %select_n3A {strides = array<i32>} : memref<512xf32, #tpu.memory_space<vmem>>, vector<16xf32>,
      %and3A_103 = arith.constant 3 : i32
      %and3A_104 = vector.broadcast %and3A_103 : i32 to vector<16xi32>
      %and3A_105 = arith.andi %convert_element_type3A_63, %and3A_104 : vector<16xi32>
      %mul3A_106 = arith.constant 16 : i32
      %mul3A_107 = arith.muli %scan3A_22, %mul3A_106 : i32
      %swap3A_108 = arith.index_cast %mul3A_107 : i32 to index
      %swap3A_109 = tpu.vector_load %arg15[%swap3A_108] {strides = array<i32>} : memref<512xi32, #tpu.memory_space<vmem>>, vector<16xi32>,
      tpu.vector_store %arg15[%swap3A_108], %and3A_105 {strides = array<i32>} : memref<512xi32, #tpu.memory_space<vmem>>, vector<16xi32>,
      %shift_left3A = arith.constant 16 : i32
      %shift_left3A_110 = vector.broadcast %shift_left3A : i32 to vector<16xi32>
      %shift_left3A_111 = arith.shli %convert_element_type3A, %shift_left3A_110 : vector<16xi32>
      %shift_left3A_112 = arith.constant 8 : i32
      %shift_left3A_113 = vector.broadcast %shift_left3A_112 : i32 to vector<16xi32>
      %shift_left3A_114 = arith.shli %convert_element_type3A_47, %shift_left3A_113 : vector<16xi32>
      %add3A_115 = arith.addi %shift_left3A_111, %shift_left3A_114 : vector<16xi32>
      %add3A_116 = arith.addi %add3A_115, %convert_element_type3A_63 : vector<16xi32>
      %add3A_117 = vector.broadcast %scan3A_22 : i32 to vector<16xi32>
      %add3A_118 = arith.addi %mul3A_7, %add3A_117 : vector<16xi32>
      %add3A_119 = arith.constant 0 : i32
      %add3A_120 = vector.broadcast %add3A_119 : i32 to vector<16xi32>
      %add3A_121 = arith.addi %add3A_116, %add3A_120 : vector<16xi32>
      %shift_right_logical3A = arith.constant 2 : i32
      %shift_right_logical3A_122 = vector.broadcast %shift_right_logical3A : i32 to vector<16xi32>
      %shift_right_logical3A_123 = arith.shrui %add3A_121, %shift_right_logical3A_122 : vector<16xi32>
      %add3A_124 = arith.constant 1 : i32
      %add3A_125 = vector.broadcast %add3A_124 : i32 to vector<16xi32>
      %add3A_126 = arith.addi %shift_right_logical3A_123, %add3A_125 : vector<16xi32>
      %min3A_127 = arith.constant 4194303 : i32
      %min3A_128 = vector.broadcast %min3A_127 : i32 to vector<16xi32>
      %min3A_129 = arith.minsi %add3A_126, %min3A_128 : vector<16xi32>
      %add3A_130 = arith.constant 0 : i32
      %add3A_131 = vector.broadcast %add3A_130 : i32 to vector<16xi32>
      %add3A_132 = arith.addi %mul3A_10, %add3A_131 : vector<16xi32>
      tpu.vector_store_idx %arg16[%add3A_118, %add3A_132], %shift_right_logical3A_123 : memref<32x128xi32, #tpu.memory_space<vmem>>[vector<16xi32>, vector<16xi32>], vector<16xi32>,
      %add3A_133 = arith.constant 0 : i32
      %add3A_134 = vector.broadcast %add3A_133 : i32 to vector<16xi32>
      %add3A_135 = arith.addi %mul3A_10, %add3A_134 : vector<16xi32>
      %add3A_136 = arith.constant 1 : i32
      %add3A_137 = vector.broadcast %add3A_136 : i32 to vector<16xi32>
      %add3A_138 = arith.addi %add3A_135, %add3A_137 : vector<16xi32>
      tpu.vector_store_idx %arg16[%add3A_118, %add3A_138], %min3A_129 : memref<32x128xi32, #tpu.memory_space<vmem>>[vector<16xi32>, vector<16xi32>], vector<16xi32>,
      %add3A_139 = arith.constant 256 : i32
      %add3A_140 = vector.broadcast %add3A_139 : i32 to vector<16xi32>
      %add3A_141 = arith.addi %add3A_116, %add3A_140 : vector<16xi32>
      %shift_right_logical3A_142 = arith.constant 2 : i32
      %shift_right_logical3A_143 = vector.broadcast %shift_right_logical3A_142 : i32 to vector<16xi32>
      %shift_right_logical3A_144 = arith.shrui %add3A_141, %shift_right_logical3A_143 : vector<16xi32>
      %add3A_145 = arith.constant 1 : i32
      %add3A_146 = vector.broadcast %add3A_145 : i32 to vector<16xi32>
      %add3A_147 = arith.addi %shift_right_logical3A_144, %add3A_146 : vector<16xi32>
      %min3A_148 = arith.constant 4194303 : i32
      %min3A_149 = vector.broadcast %min3A_148 : i32 to vector<16xi32>
      %min3A_150 = arith.minsi %add3A_147, %min3A_149 : vector<16xi32>
      %add3A_151 = arith.constant 2 : i32
      %add3A_152 = vector.broadcast %add3A_151 : i32 to vector<16xi32>
      %add3A_153 = arith.addi %mul3A_10, %add3A_152 : vector<16xi32>
      tpu.vector_store_idx %arg16[%add3A_118, %add3A_153], %shift_right_logical3A_144 : memref<32x128xi32, #tpu.memory_space<vmem>>[vector<16xi32>, vector<16xi32>], vector<16xi32>,
      %add3A_154 = arith.constant 2 : i32
      %add3A_155 = vector.broadcast %add3A_154 : i32 to vector<16xi32>
      %add3A_156 = arith.addi %mul3A_10, %add3A_155 : vector<16xi32>
      %add3A_157 = arith.constant 1 : i32
      %add3A_158 = vector.broadcast %add3A_157 : i32 to vector<16xi32>
      %add3A_159 = arith.addi %add3A_156, %add3A_158 : vector<16xi32>
      tpu.vector_store_idx %arg16[%add3A_118, %add3A_159], %min3A_150 : memref<32x128xi32, #tpu.memory_space<vmem>>[vector<16xi32>, vector<16xi32>], vector<16xi32>,
      %add3A_160 = arith.constant 65536 : i32
      %add3A_161 = vector.broadcast %add3A_160 : i32 to vector<16xi32>
      %add3A_162 = arith.addi %add3A_116, %add3A_161 : vector<16xi32>
      %shift_right_logical3A_163 = arith.constant 2 : i32
      %shift_right_logical3A_164 = vector.broadcast %shift_right_logical3A_163 : i32 to vector<16xi32>
      %shift_right_logical3A_165 = arith.shrui %add3A_162, %shift_right_logical3A_164 : vector<16xi32>
      %add3A_166 = arith.constant 1 : i32
      %add3A_167 = vector.broadcast %add3A_166 : i32 to vector<16xi32>
      %add3A_168 = arith.addi %shift_right_logical3A_165, %add3A_167 : vector<16xi32>
      %min3A_169 = arith.constant 4194303 : i32
      %min3A_170 = vector.broadcast %min3A_169 : i32 to vector<16xi32>
      %min3A_171 = arith.minsi %add3A_168, %min3A_170 : vector<16xi32>
      %add3A_172 = arith.constant 4 : i32
      %add3A_173 = vector.broadcast %add3A_172 : i32 to vector<16xi32>
      %add3A_174 = arith.addi %mul3A_10, %add3A_173 : vector<16xi32>
      tpu.vector_store_idx %arg16[%add3A_118, %add3A_174], %shift_right_logical3A_165 : memref<32x128xi32, #tpu.memory_space<vmem>>[vector<16xi32>, vector<16xi32>], vector<16xi32>,
      %add3A_175 = arith.constant 4 : i32
      %add3A_176 = vector.broadcast %add3A_175 : i32 to vector<16xi32>
      %add3A_177 = arith.addi %mul3A_10, %add3A_176 : vector<16xi32>
      %add3A_178 = arith.constant 1 : i32
      %add3A_179 = vector.broadcast %add3A_178 : i32 to vector<16xi32>
      %add3A_180 = arith.addi %add3A_177, %add3A_179 : vector<16xi32>
      tpu.vector_store_idx %arg16[%add3A_118, %add3A_180], %min3A_171 : memref<32x128xi32, #tpu.memory_space<vmem>>[vector<16xi32>, vector<16xi32>], vector<16xi32>,
      %add3A_181 = arith.constant 65792 : i32
      %add3A_182 = vector.broadcast %add3A_181 : i32 to vector<16xi32>
      %add3A_183 = arith.addi %add3A_116, %add3A_182 : vector<16xi32>
      %shift_right_logical3A_184 = arith.constant 2 : i32
      %shift_right_logical3A_185 = vector.broadcast %shift_right_logical3A_184 : i32 to vector<16xi32>
      %shift_right_logical3A_186 = arith.shrui %add3A_183, %shift_right_logical3A_185 : vector<16xi32>
      %add3A_187 = arith.constant 1 : i32
      %add3A_188 = vector.broadcast %add3A_187 : i32 to vector<16xi32>
      %add3A_189 = arith.addi %shift_right_logical3A_186, %add3A_188 : vector<16xi32>
      %min3A_190 = arith.constant 4194303 : i32
      %min3A_191 = vector.broadcast %min3A_190 : i32 to vector<16xi32>
      %min3A_192 = arith.minsi %add3A_189, %min3A_191 : vector<16xi32>
      %add3A_193 = arith.constant 6 : i32
      %add3A_194 = vector.broadcast %add3A_193 : i32 to vector<16xi32>
      %add3A_195 = arith.addi %mul3A_10, %add3A_194 : vector<16xi32>
      tpu.vector_store_idx %arg16[%add3A_118, %add3A_195], %shift_right_logical3A_186 : memref<32x128xi32, #tpu.memory_space<vmem>>[vector<16xi32>, vector<16xi32>], vector<16xi32>,
      %add3A_196 = arith.constant 6 : i32
      %add3A_197 = vector.broadcast %add3A_196 : i32 to vector<16xi32>
      %add3A_198 = arith.addi %mul3A_10, %add3A_197 : vector<16xi32>
      %add3A_199 = arith.constant 1 : i32
      %add3A_200 = vector.broadcast %add3A_199 : i32 to vector<16xi32>
      %add3A_201 = arith.addi %add3A_198, %add3A_200 : vector<16xi32>
      tpu.vector_store_idx %arg16[%add3A_118, %add3A_201], %min3A_192 : memref<32x128xi32, #tpu.memory_space<vmem>>[vector<16xi32>, vector<16xi32>], vector<16xi32>,
      %mul3A_202 = arith.constant 128 : i32
      %mul3A_203 = arith.muli %scan3A_22, %mul3A_202 : i32
      %dma_start3A = arith.constant 0 : i32
      %dma_start3A_204 = tpu.memref_slice %arg17[%mul3A_203, %dma_start3A] : memref<4096x8xf32, #tpu.memory_space<vmem>> -> memref<128x8xf32, #tpu.memory_space<vmem>>
      %dma_start3A_205 = arith.constant 0 : i32
      %dma_start3A_206 = tpu.memref_slice %arg16[%scan3A_22, %dma_start3A_205] : memref<32x128xi32, #tpu.memory_space<vmem>> -> memref<1x128xi32, #tpu.memory_space<vmem>>
      %dma_start3A_207 = tpu.memref_squeeze %dma_start3A_206 : memref<1x128xi32, #tpu.memory_space<vmem>> -> memref<128xi32, #tpu.memory_space<vmem>>
      %dma_start3A_208 = arith.constant 0 : i32
      %dma_start3A_209 = arith.constant 0 : i32
      %dma_start3A_210 = tpu.memref_slice %arg5[%dma_start3A_208, %dma_start3A_209] : memref<4194304x8xf32, #tpu.memory_space<hbm>> -> memref<4194304x8xf32, #tpu.memory_space<hbm>>
      tpu.enqueue_indirect_dma source(%dma_start3A_210 : memref<4194304x8xf32, #tpu.memory_space<hbm>>) target(%dma_start3A_204 : memref<128x8xf32, #tpu.memory_space<vmem>>) offsets(%dma_start3A_207 : memref<128xi32, #tpu.memory_space<vmem>>) semaphore(%arg20 : memref<!tpu.dma_semaphore, #tpu.memory_space<semaphore_mem>>)
    }
    %scan3A_15 = arith.constant 32 : i32
    %scan3A_16 = arith.constant 0 : i32
    %scan3A_17 = arith.constant 0 : i32
    %scan3A_18 = arith.constant 32 : i32
    %scan3A_19 = arith.addi %scan3A_17, %scan3A_18 : i32
    %scan3A_20 = arith.constant 1 : i32
    scf.for %scan3A_22 = %scan3A_17 to %scan3A_19 step %scan3A_20  : i32 {
      %mul3A_23 = arith.constant 2 : i32
      %mul3A_24 = arith.muli %mul3A_23, %scan3A_22 : i32
      %add3A_25 = arith.constant 1 : i32
      %add3A_26 = arith.addi %mul3A_24, %add3A_25 : i32
      %mul3A_27 = arith.constant 512 : i32
      %mul3A_28 = arith.muli %add3A_26, %mul3A_27 : i32
      %add3A_29 = arith.addi %mul3A_2, %mul3A_28 : i32
      "tpu.region"() ({
        %run_scoped3A = tpu.sem_alloc : memref<!tpu.dma_semaphore, #tpu.memory_space<semaphore_mem>>
        %dma_start3A = tpu.memref_slice %arg2[%add3A_29] : memref<1048576xf32, #tpu.memory_space<hbm>> -> memref<512xf32, #tpu.memory_space<hbm>>
        %dma_start3A_78 = tpu.memref_slice %arg2[%add3A_29] : memref<1048576xf32, #tpu.memory_space<hbm>> -> memref<512xf32, #tpu.memory_space<hbm>>
        tpu.enqueue_dma source(%dma_start3A_78 : memref<512xf32, #tpu.memory_space<hbm>>) target(%arg21 : memref<512xf32, #tpu.memory_space<vmem>>) target_semaphore(%run_scoped3A : memref<!tpu.dma_semaphore, #tpu.memory_space<semaphore_mem>>)
        %dma_wait3A_79 = tpu.memref_slice %arg2[%add3A_29] : memref<1048576xf32, #tpu.memory_space<hbm>> -> memref<512xf32, #tpu.memory_space<hbm>>
        %dma_wait3A_80 = tpu.memref_slice %arg2[%add3A_29] : memref<1048576xf32, #tpu.memory_space<hbm>> -> memref<512xf32, #tpu.memory_space<hbm>>
        tpu.wait_dma2 semaphore(%run_scoped3A : memref<!tpu.dma_semaphore, #tpu.memory_space<semaphore_mem>>) src(%dma_wait3A_80 : memref<512xf32, #tpu.memory_space<hbm>>) dst(%arg21 : memref<512xf32, #tpu.memory_space<vmem>>)
        tpu.yield
      }) : () -> ()
      "tpu.region"() ({
        %run_scoped3A = tpu.sem_alloc : memref<!tpu.dma_semaphore, #tpu.memory_space<semaphore_mem>>
        %dma_start3A = tpu.memref_slice %arg3[%add3A_29] : memref<1048576xf32, #tpu.memory_space<hbm>> -> memref<512xf32, #tpu.memory_space<hbm>>
        %dma_start3A_78 = tpu.memref_slice %arg3[%add3A_29] : memref<1048576xf32, #tpu.memory_space<hbm>> -> memref<512xf32, #tpu.memory_space<hbm>>
        tpu.enqueue_dma source(%dma_start3A_78 : memref<512xf32, #tpu.memory_space<hbm>>) target(%arg22 : memref<512xf32, #tpu.memory_space<vmem>>) target_semaphore(%run_scoped3A : memref<!tpu.dma_semaphore, #tpu.memory_space<semaphore_mem>>)
        %dma_wait3A_79 = tpu.memref_slice %arg3[%add3A_29] : memref<1048576xf32, #tpu.memory_space<hbm>> -> memref<512xf32, #tpu.memory_space<hbm>>
        %dma_wait3A_80 = tpu.memref_slice %arg3[%add3A_29] : memref<1048576xf32, #tpu.memory_space<hbm>> -> memref<512xf32, #tpu.memory_space<hbm>>
        tpu.wait_dma2 semaphore(%run_scoped3A : memref<!tpu.dma_semaphore, #tpu.memory_space<semaphore_mem>>) src(%dma_wait3A_80 : memref<512xf32, #tpu.memory_space<hbm>>) dst(%arg22 : memref<512xf32, #tpu.memory_space<vmem>>)
        tpu.yield
      }) : () -> ()
      "tpu.region"() ({
        %run_scoped3A = tpu.sem_alloc : memref<!tpu.dma_semaphore, #tpu.memory_space<semaphore_mem>>
        %dma_start3A = tpu.memref_slice %arg4[%add3A_29] : memref<1048576xf32, #tpu.memory_space<hbm>> -> memref<512xf32, #tpu.memory_space<hbm>>
        %dma_start3A_78 = tpu.memref_slice %arg4[%add3A_29] : memref<1048576xf32, #tpu.memory_space<hbm>> -> memref<512xf32, #tpu.memory_space<hbm>>
        tpu.enqueue_dma source(%dma_start3A_78 : memref<512xf32, #tpu.memory_space<hbm>>) target(%arg23 : memref<512xf32, #tpu.memory_space<vmem>>) target_semaphore(%run_scoped3A : memref<!tpu.dma_semaphore, #tpu.memory_space<semaphore_mem>>)
        %dma_wait3A_79 = tpu.memref_slice %arg4[%add3A_29] : memref<1048576xf32, #tpu.memory_space<hbm>> -> memref<512xf32, #tpu.memory_space<hbm>>
        %dma_wait3A_80 = tpu.memref_slice %arg4[%add3A_29] : memref<1048576xf32, #tpu.memory_space<hbm>> -> memref<512xf32, #tpu.memory_space<hbm>>
        tpu.wait_dma2 semaphore(%run_scoped3A : memref<!tpu.dma_semaphore, #tpu.memory_space<semaphore_mem>>) src(%dma_wait3A_80 : memref<512xf32, #tpu.memory_space<hbm>>) dst(%arg23 : memref<512xf32, #tpu.memory_space<vmem>>)
        tpu.yield
      }) : () -> ()
      %iota3A_30 = tpu.iota {dimensions = array<i32: 0>} : vector<16xi32>
      %mul3A_31 = arith.constant 0 : i32
      %mul3A_32 = vector.broadcast %mul3A_31 : i32 to vector<16xi32>
      %mul3A_33 = arith.muli %iota3A_30, %mul3A_32 : vector<16xi32>
      %mul3A_34 = arith.constant 8 : i32
      %mul3A_35 = vector.broadcast %mul3A_34 : i32 to vector<16xi32>
      %mul3A_36 = arith.muli %iota3A_30, %mul3A_35 : vector<16xi32>
      %scan3A_37 = arith.constant 0 : i32
      %scan3A_38 = arith.constant 0 : i32
      %scan3A_39 = arith.constant 32 : i32
      %scan3A_40 = arith.addi %scan3A_38, %scan3A_39 : i32
      %scan3A_41 = arith.constant 1 : i32
      scf.for %scan3A_78 = %scan3A_38 to %scan3A_40 step %scan3A_41  : i32 {
        %mul3A_79 = arith.constant 16 : i32
        %mul3A_80 = arith.muli %scan3A_78, %mul3A_79 : i32
        %get3A = arith.index_cast %mul3A_80 : i32 to index
        %get3A_81 = tpu.vector_load %arg21[%get3A] {strides = array<i32>} : memref<512xf32, #tpu.memory_space<vmem>>, vector<16xf32>,
        %mul3A_82 = arith.constant 2.550000e+02 : f32
        %mul3A_83 = vector.broadcast %mul3A_82 : f32 to vector<16xf32>
        %mul3A_84 = arith.mulf %get3A_81, %mul3A_83 : vector<16xf32>
        %max3A = arith.constant 0.000000e+00 : f32
        %max3A_85 = vector.broadcast %max3A : f32 to vector<16xf32>
        %max3A_86 = arith.maximumf %mul3A_84, %max3A_85 : vector<16xf32>
        %min3A = arith.constant 2.540000e+02 : f32
        %min3A_87 = vector.broadcast %min3A : f32 to vector<16xf32>
        %min3A_88 = arith.minimumf %max3A_86, %min3A_87 : vector<16xf32>
        %convert_element_type3A_89 = arith.fptosi %min3A_88 : vector<16xf32> to vector<16xi32>
        %convert_element_type3A_90 = arith.sitofp %convert_element_type3A_89 : vector<16xi32> to vector<16xf32>
        %sub3A = arith.subf %mul3A_84, %convert_element_type3A_90 : vector<16xf32>
        %mul3A_91 = arith.constant 16 : i32
        %mul3A_92 = arith.muli %scan3A_78, %mul3A_91 : i32
        %get3A_93 = arith.index_cast %mul3A_92 : i32 to index
        %get3A_94 = tpu.vector_load %arg22[%get3A_93] {strides = array<i32>} : memref<512xf32, #tpu.memory_space<vmem>>, vector<16xf32>,
        %mul3A_95 = arith.constant 2.550000e+02 : f32
        %mul3A_96 = vector.broadcast %mul3A_95 : f32 to vector<16xf32>
        %mul3A_97 = arith.mulf %get3A_94, %mul3A_96 : vector<16xf32>
        %max3A_98 = arith.constant 0.000000e+00 : f32
        %max3A_99 = vector.broadcast %max3A_98 : f32 to vector<16xf32>
        %max3A_100 = arith.maximumf %mul3A_97, %max3A_99 : vector<16xf32>
        %min3A_101 = arith.constant 2.540000e+02 : f32
        %min3A_102 = vector.broadcast %min3A_101 : f32 to vector<16xf32>
        %min3A_103 = arith.minimumf %max3A_100, %min3A_102 : vector<16xf32>
        %convert_element_type3A_104 = arith.fptosi %min3A_103 : vector<16xf32> to vector<16xi32>
        %convert_element_type3A_105 = arith.sitofp %convert_element_type3A_104 : vector<16xi32> to vector<16xf32>
        %sub3A_106 = arith.subf %mul3A_97, %convert_element_type3A_105 : vector<16xf32>
        %mul3A_107 = arith.constant 16 : i32
        %mul3A_108 = arith.muli %scan3A_78, %mul3A_107 : i32
        %get3A_109 = arith.index_cast %mul3A_108 : i32 to index
        %get3A_110 = tpu.vector_load %arg23[%get3A_109] {strides = array<i32>} : memref<512xf32, #tpu.memory_space<vmem>>, vector<16xf32>,
        %mul3A_111 = arith.constant 2.550000e+02 : f32
        %mul3A_112 = vector.broadcast %mul3A_111 : f32 to vector<16xf32>
        %mul3A_113 = arith.mulf %get3A_110, %mul3A_112 : vector<16xf32>
        %max3A_114 = arith.constant 0.000000e+00 : f32
        %max3A_115 = vector.broadcast %max3A_114 : f32 to vector<16xf32>
        %max3A_116 = arith.maximumf %mul3A_113, %max3A_115 : vector<16xf32>
        %min3A_117 = arith.constant 2.540000e+02 : f32
        %min3A_118 = vector.broadcast %min3A_117 : f32 to vector<16xf32>
        %min3A_119 = arith.minimumf %max3A_116, %min3A_118 : vector<16xf32>
        %convert_element_type3A_120 = arith.fptosi %min3A_119 : vector<16xf32> to vector<16xi32>
        %convert_element_type3A_121 = arith.sitofp %convert_element_type3A_120 : vector<16xi32> to vector<16xf32>
        %sub3A_122 = arith.subf %mul3A_113, %convert_element_type3A_121 : vector<16xf32>
        %ge3A = arith.constant 0.000000e+00 : f32
        %ge3A_123 = vector.broadcast %ge3A : f32 to vector<16xf32>
        %ge3A_124 = arith.cmpf oge, %mul3A_84, %ge3A_123 : vector<16xf32>
        %le3A = arith.constant 2.550000e+02 : f32
        %le3A_125 = vector.broadcast %le3A : f32 to vector<16xf32>
        %le3A_126 = arith.cmpf ole, %mul3A_84, %le3A_125 : vector<16xf32>
        %and3A = arith.andi %ge3A_124, %le3A_126 : vector<16xi1>
        %ge3A_127 = arith.constant 0.000000e+00 : f32
        %ge3A_128 = vector.broadcast %ge3A_127 : f32 to vector<16xf32>
        %ge3A_129 = arith.cmpf oge, %mul3A_97, %ge3A_128 : vector<16xf32>
        %and3A_130 = arith.andi %and3A, %ge3A_129 : vector<16xi1>
        %le3A_131 = arith.constant 2.550000e+02 : f32
        %le3A_132 = vector.broadcast %le3A_131 : f32 to vector<16xf32>
        %le3A_133 = arith.cmpf ole, %mul3A_97, %le3A_132 : vector<16xf32>
        %and3A_134 = arith.andi %and3A_130, %le3A_133 : vector<16xi1>
        %ge3A_135 = arith.constant 0.000000e+00 : f32
        %ge3A_136 = vector.broadcast %ge3A_135 : f32 to vector<16xf32>
        %ge3A_137 = arith.cmpf oge, %mul3A_113, %ge3A_136 : vector<16xf32>
        %and3A_138 = arith.andi %and3A_134, %ge3A_137 : vector<16xi1>
        %le3A_139 = arith.constant 2.550000e+02 : f32
        %le3A_140 = vector.broadcast %le3A_139 : f32 to vector<16xf32>
        %le3A_141 = arith.cmpf ole, %mul3A_113, %le3A_140 : vector<16xf32>
        %and3A_142 = arith.andi %and3A_138, %le3A_141 : vector<16xi1>
        %mul3A_143 = arith.constant 16 : i32
        %mul3A_144 = arith.muli %scan3A_78, %mul3A_143 : i32
        %swap3A = arith.index_cast %mul3A_144 : i32 to index
        %swap3A_145 = tpu.vector_load %arg24[%swap3A] {strides = array<i32>} : memref<512xf32, #tpu.memory_space<vmem>>, vector<16xf32>,
        tpu.vector_store %arg24[%swap3A], %sub3A {strides = array<i32>} : memref<512xf32, #tpu.memory_space<vmem>>, vector<16xf32>,
        %mul3A_146 = arith.constant 16 : i32
        %mul3A_147 = arith.muli %scan3A_78, %mul3A_146 : i32
        %swap3A_148 = arith.index_cast %mul3A_147 : i32 to index
        %swap3A_149 = tpu.vector_load %arg25[%swap3A_148] {strides = array<i32>} : memref<512xf32, #tpu.memory_space<vmem>>, vector<16xf32>,
        tpu.vector_store %arg25[%swap3A_148], %sub3A_106 {strides = array<i32>} : memref<512xf32, #tpu.memory_space<vmem>>, vector<16xf32>,
        %mul3A_150 = arith.constant 16 : i32
        %mul3A_151 = arith.muli %scan3A_78, %mul3A_150 : i32
        %swap3A_152 = arith.index_cast %mul3A_151 : i32 to index
        %swap3A_153 = tpu.vector_load %arg26[%swap3A_152] {strides = array<i32>} : memref<512xf32, #tpu.memory_space<vmem>>, vector<16xf32>,
        tpu.vector_store %arg26[%swap3A_152], %sub3A_122 {strides = array<i32>} : memref<512xf32, #tpu.memory_space<vmem>>, vector<16xf32>,
        %jit3A = arith.constant 1.000000e+00 : f32
        %jit3A_154 = arith.constant 0.000000e+00 : f32
        %broadcast_in_dim3A = vector.broadcast %jit3A : f32 to vector<16xf32>
        %broadcast_in_dim3A_155 = vector.broadcast %jit3A_154 : f32 to vector<16xf32>
        %select_n3A = arith.select %and3A_142, %broadcast_in_dim3A, %broadcast_in_dim3A_155 : vector<16xi1>, vector<16xf32>
        %mul3A_156 = arith.constant 16 : i32
        %mul3A_157 = arith.muli %scan3A_78, %mul3A_156 : i32
        %swap3A_158 = arith.index_cast %mul3A_157 : i32 to index
        %swap3A_159 = tpu.vector_load %arg27[%swap3A_158] {strides = array<i32>} : memref<512xf32, #tpu.memory_space<vmem>>, vector<16xf32>,
        tpu.vector_store %arg27[%swap3A_158], %select_n3A {strides = array<i32>} : memref<512xf32, #tpu.memory_space<vmem>>, vector<16xf32>,
        %and3A_160 = arith.constant 3 : i32
        %and3A_161 = vector.broadcast %and3A_160 : i32 to vector<16xi32>
        %and3A_162 = arith.andi %convert_element_type3A_120, %and3A_161 : vector<16xi32>
        %mul3A_163 = arith.constant 16 : i32
        %mul3A_164 = arith.muli %scan3A_78, %mul3A_163 : i32
        %swap3A_165 = arith.index_cast %mul3A_164 : i32 to index
        %swap3A_166 = tpu.vector_load %arg28[%swap3A_165] {strides = array<i32>} : memref<512xi32, #tpu.memory_space<vmem>>, vector<16xi32>,
        tpu.vector_store %arg28[%swap3A_165], %and3A_162 {strides = array<i32>} : memref<512xi32, #tpu.memory_space<vmem>>, vector<16xi32>,
        %shift_left3A = arith.constant 16 : i32
        %shift_left3A_167 = vector.broadcast %shift_left3A : i32 to vector<16xi32>
        %shift_left3A_168 = arith.shli %convert_element_type3A_89, %shift_left3A_167 : vector<16xi32>
        %shift_left3A_169 = arith.constant 8 : i32
        %shift_left3A_170 = vector.broadcast %shift_left3A_169 : i32 to vector<16xi32>
        %shift_left3A_171 = arith.shli %convert_element_type3A_104, %shift_left3A_170 : vector<16xi32>
        %add3A_172 = arith.addi %shift_left3A_168, %shift_left3A_171 : vector<16xi32>
        %add3A_173 = arith.addi %add3A_172, %convert_element_type3A_120 : vector<16xi32>
        %add3A_174 = vector.broadcast %scan3A_78 : i32 to vector<16xi32>
        %add3A_175 = arith.addi %mul3A_33, %add3A_174 : vector<16xi32>
        %add3A_176 = arith.constant 0 : i32
        %add3A_177 = vector.broadcast %add3A_176 : i32 to vector<16xi32>
        %add3A_178 = arith.addi %add3A_173, %add3A_177 : vector<16xi32>
        %shift_right_logical3A = arith.constant 2 : i32
        %shift_right_logical3A_179 = vector.broadcast %shift_right_logical3A : i32 to vector<16xi32>
        %shift_right_logical3A_180 = arith.shrui %add3A_178, %shift_right_logical3A_179 : vector<16xi32>
        %add3A_181 = arith.constant 1 : i32
        %add3A_182 = vector.broadcast %add3A_181 : i32 to vector<16xi32>
        %add3A_183 = arith.addi %shift_right_logical3A_180, %add3A_182 : vector<16xi32>
        %min3A_184 = arith.constant 4194303 : i32
        %min3A_185 = vector.broadcast %min3A_184 : i32 to vector<16xi32>
        %min3A_186 = arith.minsi %add3A_183, %min3A_185 : vector<16xi32>
        %add3A_187 = arith.constant 0 : i32
        %add3A_188 = vector.broadcast %add3A_187 : i32 to vector<16xi32>
        %add3A_189 = arith.addi %mul3A_36, %add3A_188 : vector<16xi32>
        tpu.vector_store_idx %arg29[%add3A_175, %add3A_189], %shift_right_logical3A_180 : memref<32x128xi32, #tpu.memory_space<vmem>>[vector<16xi32>, vector<16xi32>], vector<16xi32>,
        %add3A_190 = arith.constant 0 : i32
        %add3A_191 = vector.broadcast %add3A_190 : i32 to vector<16xi32>
        %add3A_192 = arith.addi %mul3A_36, %add3A_191 : vector<16xi32>
        %add3A_193 = arith.constant 1 : i32
        %add3A_194 = vector.broadcast %add3A_193 : i32 to vector<16xi32>
        %add3A_195 = arith.addi %add3A_192, %add3A_194 : vector<16xi32>
        tpu.vector_store_idx %arg29[%add3A_175, %add3A_195], %min3A_186 : memref<32x128xi32, #tpu.memory_space<vmem>>[vector<16xi32>, vector<16xi32>], vector<16xi32>,
        %add3A_196 = arith.constant 256 : i32
        %add3A_197 = vector.broadcast %add3A_196 : i32 to vector<16xi32>
        %add3A_198 = arith.addi %add3A_173, %add3A_197 : vector<16xi32>
        %shift_right_logical3A_199 = arith.constant 2 : i32
        %shift_right_logical3A_200 = vector.broadcast %shift_right_logical3A_199 : i32 to vector<16xi32>
        %shift_right_logical3A_201 = arith.shrui %add3A_198, %shift_right_logical3A_200 : vector<16xi32>
        %add3A_202 = arith.constant 1 : i32
        %add3A_203 = vector.broadcast %add3A_202 : i32 to vector<16xi32>
        %add3A_204 = arith.addi %shift_right_logical3A_201, %add3A_203 : vector<16xi32>
        %min3A_205 = arith.constant 4194303 : i32
        %min3A_206 = vector.broadcast %min3A_205 : i32 to vector<16xi32>
        %min3A_207 = arith.minsi %add3A_204, %min3A_206 : vector<16xi32>
        %add3A_208 = arith.constant 2 : i32
        %add3A_209 = vector.broadcast %add3A_208 : i32 to vector<16xi32>
        %add3A_210 = arith.addi %mul3A_36, %add3A_209 : vector<16xi32>
        tpu.vector_store_idx %arg29[%add3A_175, %add3A_210], %shift_right_logical3A_201 : memref<32x128xi32, #tpu.memory_space<vmem>>[vector<16xi32>, vector<16xi32>], vector<16xi32>,
        %add3A_211 = arith.constant 2 : i32
        %add3A_212 = vector.broadcast %add3A_211 : i32 to vector<16xi32>
        %add3A_213 = arith.addi %mul3A_36, %add3A_212 : vector<16xi32>
        %add3A_214 = arith.constant 1 : i32
        %add3A_215 = vector.broadcast %add3A_214 : i32 to vector<16xi32>
        %add3A_216 = arith.addi %add3A_213, %add3A_215 : vector<16xi32>
        tpu.vector_store_idx %arg29[%add3A_175, %add3A_216], %min3A_207 : memref<32x128xi32, #tpu.memory_space<vmem>>[vector<16xi32>, vector<16xi32>], vector<16xi32>,
        %add3A_217 = arith.constant 65536 : i32
        %add3A_218 = vector.broadcast %add3A_217 : i32 to vector<16xi32>
        %add3A_219 = arith.addi %add3A_173, %add3A_218 : vector<16xi32>
        %shift_right_logical3A_220 = arith.constant 2 : i32
        %shift_right_logical3A_221 = vector.broadcast %shift_right_logical3A_220 : i32 to vector<16xi32>
        %shift_right_logical3A_222 = arith.shrui %add3A_219, %shift_right_logical3A_221 : vector<16xi32>
        %add3A_223 = arith.constant 1 : i32
        %add3A_224 = vector.broadcast %add3A_223 : i32 to vector<16xi32>
        %add3A_225 = arith.addi %shift_right_logical3A_222, %add3A_224 : vector<16xi32>
        %min3A_226 = arith.constant 4194303 : i32
        %min3A_227 = vector.broadcast %min3A_226 : i32 to vector<16xi32>
        %min3A_228 = arith.minsi %add3A_225, %min3A_227 : vector<16xi32>
        %add3A_229 = arith.constant 4 : i32
        %add3A_230 = vector.broadcast %add3A_229 : i32 to vector<16xi32>
        %add3A_231 = arith.addi %mul3A_36, %add3A_230 : vector<16xi32>
        tpu.vector_store_idx %arg29[%add3A_175, %add3A_231], %shift_right_logical3A_222 : memref<32x128xi32, #tpu.memory_space<vmem>>[vector<16xi32>, vector<16xi32>], vector<16xi32>,
        %add3A_232 = arith.constant 4 : i32
        %add3A_233 = vector.broadcast %add3A_232 : i32 to vector<16xi32>
        %add3A_234 = arith.addi %mul3A_36, %add3A_233 : vector<16xi32>
        %add3A_235 = arith.constant 1 : i32
        %add3A_236 = vector.broadcast %add3A_235 : i32 to vector<16xi32>
        %add3A_237 = arith.addi %add3A_234, %add3A_236 : vector<16xi32>
        tpu.vector_store_idx %arg29[%add3A_175, %add3A_237], %min3A_228 : memref<32x128xi32, #tpu.memory_space<vmem>>[vector<16xi32>, vector<16xi32>], vector<16xi32>,
        %add3A_238 = arith.constant 65792 : i32
        %add3A_239 = vector.broadcast %add3A_238 : i32 to vector<16xi32>
        %add3A_240 = arith.addi %add3A_173, %add3A_239 : vector<16xi32>
        %shift_right_logical3A_241 = arith.constant 2 : i32
        %shift_right_logical3A_242 = vector.broadcast %shift_right_logical3A_241 : i32 to vector<16xi32>
        %shift_right_logical3A_243 = arith.shrui %add3A_240, %shift_right_logical3A_242 : vector<16xi32>
        %add3A_244 = arith.constant 1 : i32
        %add3A_245 = vector.broadcast %add3A_244 : i32 to vector<16xi32>
        %add3A_246 = arith.addi %shift_right_logical3A_243, %add3A_245 : vector<16xi32>
        %min3A_247 = arith.constant 4194303 : i32
        %min3A_248 = vector.broadcast %min3A_247 : i32 to vector<16xi32>
        %min3A_249 = arith.minsi %add3A_246, %min3A_248 : vector<16xi32>
        %add3A_250 = arith.constant 6 : i32
        %add3A_251 = vector.broadcast %add3A_250 : i32 to vector<16xi32>
        %add3A_252 = arith.addi %mul3A_36, %add3A_251 : vector<16xi32>
        tpu.vector_store_idx %arg29[%add3A_175, %add3A_252], %shift_right_logical3A_243 : memref<32x128xi32, #tpu.memory_space<vmem>>[vector<16xi32>, vector<16xi32>], vector<16xi32>,
        %add3A_253 = arith.constant 6 : i32
        %add3A_254 = vector.broadcast %add3A_253 : i32 to vector<16xi32>
        %add3A_255 = arith.addi %mul3A_36, %add3A_254 : vector<16xi32>
        %add3A_256 = arith.constant 1 : i32
        %add3A_257 = vector.broadcast %add3A_256 : i32 to vector<16xi32>
        %add3A_258 = arith.addi %add3A_255, %add3A_257 : vector<16xi32>
        tpu.vector_store_idx %arg29[%add3A_175, %add3A_258], %min3A_249 : memref<32x128xi32, #tpu.memory_space<vmem>>[vector<16xi32>, vector<16xi32>], vector<16xi32>,
        %mul3A_259 = arith.constant 128 : i32
        %mul3A_260 = arith.muli %scan3A_78, %mul3A_259 : i32
        %dma_start3A = arith.constant 0 : i32
        %dma_start3A_261 = tpu.memref_slice %arg30[%mul3A_260, %dma_start3A] : memref<4096x8xf32, #tpu.memory_space<vmem>> -> memref<128x8xf32, #tpu.memory_space<vmem>>
        %dma_start3A_262 = arith.constant 0 : i32
        %dma_start3A_263 = tpu.memref_slice %arg29[%scan3A_78, %dma_start3A_262] : memref<32x128xi32, #tpu.memory_space<vmem>> -> memref<1x128xi32, #tpu.memory_space<vmem>>
        %dma_start3A_264 = tpu.memref_squeeze %dma_start3A_263 : memref<1x128xi32, #tpu.memory_space<vmem>> -> memref<128xi32, #tpu.memory_space<vmem>>
        %dma_start3A_265 = arith.constant 0 : i32
        %dma_start3A_266 = arith.constant 0 : i32
        %dma_start3A_267 = tpu.memref_slice %arg5[%dma_start3A_265, %dma_start3A_266] : memref<4194304x8xf32, #tpu.memory_space<hbm>> -> memref<4194304x8xf32, #tpu.memory_space<hbm>>
        tpu.enqueue_indirect_dma source(%dma_start3A_267 : memref<4194304x8xf32, #tpu.memory_space<hbm>>) target(%dma_start3A_261 : memref<128x8xf32, #tpu.memory_space<vmem>>) offsets(%dma_start3A_264 : memref<128xi32, #tpu.memory_space<vmem>>) semaphore(%arg33 : memref<!tpu.dma_semaphore, #tpu.memory_space<semaphore_mem>>)
      }
      %scan3A_42 = arith.constant 32 : i32
      %mul3A_43 = arith.constant 512 : i32
      %mul3A_44 = arith.muli %mul3A_24, %mul3A_43 : i32
      %add3A_45 = arith.addi %mul3A_2, %mul3A_44 : i32
      %dma_wait3A = arith.constant 0 : i32
      %dma_wait3A_46 = arith.constant 0 : i32
      %dma_wait3A_47 = tpu.memref_slice %arg5[%dma_wait3A, %dma_wait3A_46] : memref<4194304x8xf32, #tpu.memory_space<hbm>> -> memref<4096x8xf32, #tpu.memory_space<hbm>>
      %dma_wait3A_48 = arith.constant 0 : i32
      %dma_wait3A_49 = arith.constant 0 : i32
      %dma_wait3A_50 = tpu.memref_slice %arg5[%dma_wait3A_48, %dma_wait3A_49] : memref<4194304x8xf32, #tpu.memory_space<hbm>> -> memref<4096x8xf32, #tpu.memory_space<hbm>>
      tpu.wait_dma2 semaphore(%arg20 : memref<!tpu.dma_semaphore, #tpu.memory_space<semaphore_mem>>) src(%dma_wait3A_50 : memref<4096x8xf32, #tpu.memory_space<hbm>>) dst(%arg17 : memref<4096x8xf32, #tpu.memory_space<vmem>>)
      %iota3A_51 = tpu.iota {dimensions = array<i32: 0>} : vector<16xi32>
      %scan3A_52 = arith.constant 0 : i32
      %scan3A_53 = arith.constant 0 : i32
      %scan3A_54 = arith.constant 32 : i32
      %scan3A_55 = arith.addi %scan3A_53, %scan3A_54 : i32
      %scan3A_56 = arith.constant 1 : i32
      scf.for %scan3A_78 = %scan3A_53 to %scan3A_55 step %scan3A_56  : i32 {
        %mul3A_79 = arith.constant 16 : i32
        %mul3A_80 = arith.muli %scan3A_78, %mul3A_79 : i32
        %get3A = arith.index_cast %mul3A_80 : i32 to index
        %get3A_81 = tpu.vector_load %arg11[%get3A] {strides = array<i32>} : memref<512xf32, #tpu.memory_space<vmem>>, vector<16xf32>,
        %mul3A_82 = arith.constant 16 : i32
        %mul3A_83 = arith.muli %scan3A_78, %mul3A_82 : i32
        %get3A_84 = arith.index_cast %mul3A_83 : i32 to index
        %get3A_85 = tpu.vector_load %arg12[%get3A_84] {strides = array<i32>} : memref<512xf32, #tpu.memory_space<vmem>>, vector<16xf32>,
        %mul3A_86 = arith.constant 16 : i32
        %mul3A_87 = arith.muli %scan3A_78, %mul3A_86 : i32
        %get3A_88 = arith.index_cast %mul3A_87 : i32 to index
        %get3A_89 = tpu.vector_load %arg13[%get3A_88] {strides = array<i32>} : memref<512xf32, #tpu.memory_space<vmem>>, vector<16xf32>,
        %mul3A_90 = arith.constant 16 : i32
        %mul3A_91 = arith.muli %scan3A_78, %mul3A_90 : i32
        %get3A_92 = arith.index_cast %mul3A_91 : i32 to index
        %get3A_93 = tpu.vector_load %arg14[%get3A_92] {strides = array<i32>} : memref<512xf32, #tpu.memory_space<vmem>>, vector<16xf32>,
        %mul3A_94 = arith.constant 16 : i32
        %mul3A_95 = arith.muli %scan3A_78, %mul3A_94 : i32
        %get3A_96 = arith.index_cast %mul3A_95 : i32 to index
        %get3A_97 = tpu.vector_load %arg15[%get3A_96] {strides = array<i32>} : memref<512xi32, #tpu.memory_space<vmem>>, vector<16xi32>,
        %add3A_98 = arith.constant 1 : i32
        %add3A_99 = vector.broadcast %add3A_98 : i32 to vector<16xi32>
        %add3A_100 = arith.addi %get3A_97, %add3A_99 : vector<16xi32>
        %mul3A_101 = arith.constant 2 : i32
        %mul3A_102 = vector.broadcast %mul3A_101 : i32 to vector<16xi32>
        %mul3A_103 = arith.muli %mul3A_102, %get3A_97 : vector<16xi32>
        %and3A = arith.constant 3 : i32
        %and3A_104 = vector.broadcast %and3A : i32 to vector<16xi32>
        %and3A_105 = arith.andi %add3A_100, %and3A_104 : vector<16xi32>
        %mul3A_106 = arith.constant 2 : i32
        %mul3A_107 = vector.broadcast %mul3A_106 : i32 to vector<16xi32>
        %mul3A_108 = arith.muli %mul3A_107, %and3A_105 : vector<16xi32>
        %shift_right_logical3A = arith.constant 2 : i32
        %shift_right_logical3A_109 = vector.broadcast %shift_right_logical3A : i32 to vector<16xi32>
        %shift_right_logical3A_110 = arith.shrui %add3A_100, %shift_right_logical3A_109 : vector<16xi32>
        %sub3A = arith.constant 1.000000e+00 : f32
        %sub3A_111 = vector.broadcast %sub3A : f32 to vector<16xf32>
        %sub3A_112 = arith.subf %sub3A_111, %get3A_81 : vector<16xf32>
        %sub3A_113 = arith.constant 1.000000e+00 : f32
        %sub3A_114 = vector.broadcast %sub3A_113 : f32 to vector<16xf32>
        %sub3A_115 = arith.subf %sub3A_114, %get3A_85 : vector<16xf32>
        %sub3A_116 = arith.constant 1.000000e+00 : f32
        %sub3A_117 = vector.broadcast %sub3A_116 : f32 to vector<16xf32>
        %sub3A_118 = arith.subf %sub3A_117, %get3A_89 : vector<16xf32>
        %mul3A_119 = arith.constant 128 : i32
        %mul3A_120 = arith.muli %scan3A_78, %mul3A_119 : i32
        %mul3A_121 = arith.constant 8 : i32
        %mul3A_122 = vector.broadcast %mul3A_121 : i32 to vector<16xi32>
        %mul3A_123 = arith.muli %iota3A_51, %mul3A_122 : vector<16xi32>
        %add3A_124 = vector.broadcast %mul3A_120 : i32 to vector<16xi32>
        %add3A_125 = arith.addi %add3A_124, %mul3A_123 : vector<16xi32>
        %broadcast_in_dim3A = arith.constant 0.000000e+00 : f32
        %broadcast_in_dim3A_126 = vector.broadcast %broadcast_in_dim3A : f32 to vector<16xf32>
        %broadcast_in_dim3A_127 = arith.constant 0.000000e+00 : f32
        %broadcast_in_dim3A_128 = vector.broadcast %broadcast_in_dim3A_127 : f32 to vector<16xf32>
        %mul3A_129 = arith.mulf %sub3A_112, %sub3A_115 : vector<16xf32>
        %mul3A_130 = arith.mulf %mul3A_129, %sub3A_118 : vector<16xf32>
        %add3A_131 = arith.constant 0 : i32
        %add3A_132 = vector.broadcast %add3A_131 : i32 to vector<16xi32>
        %add3A_133 = arith.addi %add3A_125, %add3A_132 : vector<16xi32>
        %add3A_134 = arith.constant 0 : i32
        %add3A_135 = vector.broadcast %add3A_134 : i32 to vector<16xi32>
        %add3A_136 = arith.addi %add3A_133, %add3A_135 : vector<16xi32>
        %gather3A = tpu.vector_load_idx %arg17[%add3A_136, %mul3A_103] : memref<4096x8xf32, #tpu.memory_space<vmem>>[vector<16xi32>, vector<16xi32>], vector<16xf32>,
        %add3A_137 = arith.constant 1 : i32
        %add3A_138 = vector.broadcast %add3A_137 : i32 to vector<16xi32>
        %add3A_139 = arith.addi %mul3A_103, %add3A_138 : vector<16xi32>
        %gather3A_140 = tpu.vector_load_idx %arg17[%add3A_136, %add3A_139] : memref<4096x8xf32, #tpu.memory_space<vmem>>[vector<16xi32>, vector<16xi32>], vector<16xf32>,
        %mul3A_141 = arith.mulf %mul3A_130, %gather3A : vector<16xf32>
        %add3A_142 = arith.addf %broadcast_in_dim3A_126, %mul3A_141 : vector<16xf32>
        %mul3A_143 = arith.mulf %mul3A_130, %gather3A_140 : vector<16xf32>
        %add3A_144 = arith.addf %broadcast_in_dim3A_128, %mul3A_143 : vector<16xf32>
        %mul3A_145 = arith.mulf %mul3A_129, %get3A_89 : vector<16xf32>
        %add3A_146 = arith.constant 0 : i32
        %add3A_147 = vector.broadcast %add3A_146 : i32 to vector<16xi32>
        %add3A_148 = arith.addi %add3A_125, %add3A_147 : vector<16xi32>
        %add3A_149 = arith.addi %add3A_148, %shift_right_logical3A_110 : vector<16xi32>
        %gather3A_150 = tpu.vector_load_idx %arg17[%add3A_149, %mul3A_108] : memref<4096x8xf32, #tpu.memory_space<vmem>>[vector<16xi32>, vector<16xi32>], vector<16xf32>,
        %add3A_151 = arith.constant 1 : i32
        %add3A_152 = vector.broadcast %add3A_151 : i32 to vector<16xi32>
        %add3A_153 = arith.addi %mul3A_108, %add3A_152 : vector<16xi32>
        %gather3A_154 = tpu.vector_load_idx %arg17[%add3A_149, %add3A_153] : memref<4096x8xf32, #tpu.memory_space<vmem>>[vector<16xi32>, vector<16xi32>], vector<16xf32>,
        %mul3A_155 = arith.mulf %mul3A_145, %gather3A_150 : vector<16xf32>
        %add3A_156 = arith.addf %add3A_142, %mul3A_155 : vector<16xf32>
        %mul3A_157 = arith.mulf %mul3A_145, %gather3A_154 : vector<16xf32>
        %add3A_158 = arith.addf %add3A_144, %mul3A_157 : vector<16xf32>
        %mul3A_159 = arith.mulf %sub3A_112, %get3A_85 : vector<16xf32>
        %mul3A_160 = arith.mulf %mul3A_159, %sub3A_118 : vector<16xf32>
        %add3A_161 = arith.constant 2 : i32
        %add3A_162 = vector.broadcast %add3A_161 : i32 to vector<16xi32>
        %add3A_163 = arith.addi %add3A_125, %add3A_162 : vector<16xi32>
        %add3A_164 = arith.constant 0 : i32
        %add3A_165 = vector.broadcast %add3A_164 : i32 to vector<16xi32>
        %add3A_166 = arith.addi %add3A_163, %add3A_165 : vector<16xi32>
        %gather3A_167 = tpu.vector_load_idx %arg17[%add3A_166, %mul3A_103] : memref<4096x8xf32, #tpu.memory_space<vmem>>[vector<16xi32>, vector<16xi32>], vector<16xf32>,
        %add3A_168 = arith.constant 1 : i32
        %add3A_169 = vector.broadcast %add3A_168 : i32 to vector<16xi32>
        %add3A_170 = arith.addi %mul3A_103, %add3A_169 : vector<16xi32>
        %gather3A_171 = tpu.vector_load_idx %arg17[%add3A_166, %add3A_170] : memref<4096x8xf32, #tpu.memory_space<vmem>>[vector<16xi32>, vector<16xi32>], vector<16xf32>,
        %mul3A_172 = arith.mulf %mul3A_160, %gather3A_167 : vector<16xf32>
        %add3A_173 = arith.addf %add3A_156, %mul3A_172 : vector<16xf32>
        %mul3A_174 = arith.mulf %mul3A_160, %gather3A_171 : vector<16xf32>
        %add3A_175 = arith.addf %add3A_158, %mul3A_174 : vector<16xf32>
        %mul3A_176 = arith.mulf %mul3A_159, %get3A_89 : vector<16xf32>
        %add3A_177 = arith.constant 2 : i32
        %add3A_178 = vector.broadcast %add3A_177 : i32 to vector<16xi32>
        %add3A_179 = arith.addi %add3A_125, %add3A_178 : vector<16xi32>
        %add3A_180 = arith.addi %add3A_179, %shift_right_logical3A_110 : vector<16xi32>
        %gather3A_181 = tpu.vector_load_idx %arg17[%add3A_180, %mul3A_108] : memref<4096x8xf32, #tpu.memory_space<vmem>>[vector<16xi32>, vector<16xi32>], vector<16xf32>,
        %add3A_182 = arith.constant 1 : i32
        %add3A_183 = vector.broadcast %add3A_182 : i32 to vector<16xi32>
        %add3A_184 = arith.addi %mul3A_108, %add3A_183 : vector<16xi32>
        %gather3A_185 = tpu.vector_load_idx %arg17[%add3A_180, %add3A_184] : memref<4096x8xf32, #tpu.memory_space<vmem>>[vector<16xi32>, vector<16xi32>], vector<16xf32>,
        %mul3A_186 = arith.mulf %mul3A_176, %gather3A_181 : vector<16xf32>
        %add3A_187 = arith.addf %add3A_173, %mul3A_186 : vector<16xf32>
        %mul3A_188 = arith.mulf %mul3A_176, %gather3A_185 : vector<16xf32>
        %add3A_189 = arith.addf %add3A_175, %mul3A_188 : vector<16xf32>
        %mul3A_190 = arith.mulf %get3A_81, %sub3A_115 : vector<16xf32>
        %mul3A_191 = arith.mulf %mul3A_190, %sub3A_118 : vector<16xf32>
        %add3A_192 = arith.constant 4 : i32
        %add3A_193 = vector.broadcast %add3A_192 : i32 to vector<16xi32>
        %add3A_194 = arith.addi %add3A_125, %add3A_193 : vector<16xi32>
        %add3A_195 = arith.constant 0 : i32
        %add3A_196 = vector.broadcast %add3A_195 : i32 to vector<16xi32>
        %add3A_197 = arith.addi %add3A_194, %add3A_196 : vector<16xi32>
        %gather3A_198 = tpu.vector_load_idx %arg17[%add3A_197, %mul3A_103] : memref<4096x8xf32, #tpu.memory_space<vmem>>[vector<16xi32>, vector<16xi32>], vector<16xf32>,
        %add3A_199 = arith.constant 1 : i32
        %add3A_200 = vector.broadcast %add3A_199 : i32 to vector<16xi32>
        %add3A_201 = arith.addi %mul3A_103, %add3A_200 : vector<16xi32>
        %gather3A_202 = tpu.vector_load_idx %arg17[%add3A_197, %add3A_201] : memref<4096x8xf32, #tpu.memory_space<vmem>>[vector<16xi32>, vector<16xi32>], vector<16xf32>,
        %mul3A_203 = arith.mulf %mul3A_191, %gather3A_198 : vector<16xf32>
        %add3A_204 = arith.addf %add3A_187, %mul3A_203 : vector<16xf32>
        %mul3A_205 = arith.mulf %mul3A_191, %gather3A_202 : vector<16xf32>
        %add3A_206 = arith.addf %add3A_189, %mul3A_205 : vector<16xf32>
        %mul3A_207 = arith.mulf %mul3A_190, %get3A_89 : vector<16xf32>
        %add3A_208 = arith.constant 4 : i32
        %add3A_209 = vector.broadcast %add3A_208 : i32 to vector<16xi32>
        %add3A_210 = arith.addi %add3A_125, %add3A_209 : vector<16xi32>
        %add3A_211 = arith.addi %add3A_210, %shift_right_logical3A_110 : vector<16xi32>
        %gather3A_212 = tpu.vector_load_idx %arg17[%add3A_211, %mul3A_108] : memref<4096x8xf32, #tpu.memory_space<vmem>>[vector<16xi32>, vector<16xi32>], vector<16xf32>,
        %add3A_213 = arith.constant 1 : i32
        %add3A_214 = vector.broadcast %add3A_213 : i32 to vector<16xi32>
        %add3A_215 = arith.addi %mul3A_108, %add3A_214 : vector<16xi32>
        %gather3A_216 = tpu.vector_load_idx %arg17[%add3A_211, %add3A_215] : memref<4096x8xf32, #tpu.memory_space<vmem>>[vector<16xi32>, vector<16xi32>], vector<16xf32>,
        %mul3A_217 = arith.mulf %mul3A_207, %gather3A_212 : vector<16xf32>
        %add3A_218 = arith.addf %add3A_204, %mul3A_217 : vector<16xf32>
        %mul3A_219 = arith.mulf %mul3A_207, %gather3A_216 : vector<16xf32>
        %add3A_220 = arith.addf %add3A_206, %mul3A_219 : vector<16xf32>
        %mul3A_221 = arith.mulf %get3A_81, %get3A_85 : vector<16xf32>
        %mul3A_222 = arith.mulf %mul3A_221, %sub3A_118 : vector<16xf32>
        %add3A_223 = arith.constant 6 : i32
        %add3A_224 = vector.broadcast %add3A_223 : i32 to vector<16xi32>
        %add3A_225 = arith.addi %add3A_125, %add3A_224 : vector<16xi32>
        %add3A_226 = arith.constant 0 : i32
        %add3A_227 = vector.broadcast %add3A_226 : i32 to vector<16xi32>
        %add3A_228 = arith.addi %add3A_225, %add3A_227 : vector<16xi32>
        %gather3A_229 = tpu.vector_load_idx %arg17[%add3A_228, %mul3A_103] : memref<4096x8xf32, #tpu.memory_space<vmem>>[vector<16xi32>, vector<16xi32>], vector<16xf32>,
        %add3A_230 = arith.constant 1 : i32
        %add3A_231 = vector.broadcast %add3A_230 : i32 to vector<16xi32>
        %add3A_232 = arith.addi %mul3A_103, %add3A_231 : vector<16xi32>
        %gather3A_233 = tpu.vector_load_idx %arg17[%add3A_228, %add3A_232] : memref<4096x8xf32, #tpu.memory_space<vmem>>[vector<16xi32>, vector<16xi32>], vector<16xf32>,
        %mul3A_234 = arith.mulf %mul3A_222, %gather3A_229 : vector<16xf32>
        %add3A_235 = arith.addf %add3A_218, %mul3A_234 : vector<16xf32>
        %mul3A_236 = arith.mulf %mul3A_222, %gather3A_233 : vector<16xf32>
        %add3A_237 = arith.addf %add3A_220, %mul3A_236 : vector<16xf32>
        %mul3A_238 = arith.mulf %mul3A_221, %get3A_89 : vector<16xf32>
        %add3A_239 = arith.constant 6 : i32
        %add3A_240 = vector.broadcast %add3A_239 : i32 to vector<16xi32>
        %add3A_241 = arith.addi %add3A_125, %add3A_240 : vector<16xi32>
        %add3A_242 = arith.addi %add3A_241, %shift_right_logical3A_110 : vector<16xi32>
        %gather3A_243 = tpu.vector_load_idx %arg17[%add3A_242, %mul3A_108] : memref<4096x8xf32, #tpu.memory_space<vmem>>[vector<16xi32>, vector<16xi32>], vector<16xf32>,
        %add3A_244 = arith.constant 1 : i32
        %add3A_245 = vector.broadcast %add3A_244 : i32 to vector<16xi32>
        %add3A_246 = arith.addi %mul3A_108, %add3A_245 : vector<16xi32>
        %gather3A_247 = tpu.vector_load_idx %arg17[%add3A_242, %add3A_246] : memref<4096x8xf32, #tpu.memory_space<vmem>>[vector<16xi32>, vector<16xi32>], vector<16xf32>,
        %mul3A_248 = arith.mulf %mul3A_238, %gather3A_243 : vector<16xf32>
        %add3A_249 = arith.addf %add3A_235, %mul3A_248 : vector<16xf32>
        %mul3A_250 = arith.mulf %mul3A_238, %gather3A_247 : vector<16xf32>
        %add3A_251 = arith.addf %add3A_237, %mul3A_250 : vector<16xf32>
        %mul3A_252 = arith.mulf %add3A_249, %get3A_93 : vector<16xf32>
        %mul3A_253 = arith.constant 16 : i32
        %mul3A_254 = arith.muli %scan3A_78, %mul3A_253 : i32
        %swap3A = arith.index_cast %mul3A_254 : i32 to index
        %swap3A_255 = tpu.vector_load %arg18[%swap3A] {strides = array<i32>} : memref<512xf32, #tpu.memory_space<vmem>>, vector<16xf32>,
        tpu.vector_store %arg18[%swap3A], %mul3A_252 {strides = array<i32>} : memref<512xf32, #tpu.memory_space<vmem>>, vector<16xf32>,
        %mul3A_256 = arith.mulf %add3A_251, %get3A_93 : vector<16xf32>
        %mul3A_257 = arith.constant 16 : i32
        %mul3A_258 = arith.muli %scan3A_78, %mul3A_257 : i32
        %swap3A_259 = arith.index_cast %mul3A_258 : i32 to index
        %swap3A_260 = tpu.vector_load %arg19[%swap3A_259] {strides = array<i32>} : memref<512xf32, #tpu.memory_space<vmem>>, vector<16xf32>,
        tpu.vector_store %arg19[%swap3A_259], %mul3A_256 {strides = array<i32>} : memref<512xf32, #tpu.memory_space<vmem>>, vector<16xf32>,
      }
      %scan3A_57 = arith.constant 32 : i32
      "tpu.region"() ({
        %run_scoped3A = tpu.sem_alloc : memref<!tpu.dma_semaphore, #tpu.memory_space<semaphore_mem>>
        %dma_start3A = tpu.memref_slice %arg6[%add3A_45] : memref<1048576xf32, #tpu.memory_space<hbm>> -> memref<512xf32, #tpu.memory_space<hbm>>
        %dma_start3A_78 = tpu.memref_slice %arg6[%add3A_45] : memref<1048576xf32, #tpu.memory_space<hbm>> -> memref<512xf32, #tpu.memory_space<hbm>>
        tpu.enqueue_dma source(%arg18 : memref<512xf32, #tpu.memory_space<vmem>>) target(%dma_start3A_78 : memref<512xf32, #tpu.memory_space<hbm>>) target_semaphore(%run_scoped3A : memref<!tpu.dma_semaphore, #tpu.memory_space<semaphore_mem>>)
        %dma_wait3A_79 = tpu.memref_slice %arg6[%add3A_45] : memref<1048576xf32, #tpu.memory_space<hbm>> -> memref<512xf32, #tpu.memory_space<hbm>>
        %dma_wait3A_80 = tpu.memref_slice %arg6[%add3A_45] : memref<1048576xf32, #tpu.memory_space<hbm>> -> memref<512xf32, #tpu.memory_space<hbm>>
        tpu.wait_dma2 semaphore(%run_scoped3A : memref<!tpu.dma_semaphore, #tpu.memory_space<semaphore_mem>>) src(%arg18 : memref<512xf32, #tpu.memory_space<vmem>>) dst(%dma_wait3A_80 : memref<512xf32, #tpu.memory_space<hbm>>)
        tpu.yield
      }) : () -> ()
      "tpu.region"() ({
        %run_scoped3A = tpu.sem_alloc : memref<!tpu.dma_semaphore, #tpu.memory_space<semaphore_mem>>
        %dma_start3A = tpu.memref_slice %arg7[%add3A_45] : memref<1048576xf32, #tpu.memory_space<hbm>> -> memref<512xf32, #tpu.memory_space<hbm>>
        %dma_start3A_78 = tpu.memref_slice %arg7[%add3A_45] : memref<1048576xf32, #tpu.memory_space<hbm>> -> memref<512xf32, #tpu.memory_space<hbm>>
        tpu.enqueue_dma source(%arg19 : memref<512xf32, #tpu.memory_space<vmem>>) target(%dma_start3A_78 : memref<512xf32, #tpu.memory_space<hbm>>) target_semaphore(%run_scoped3A : memref<!tpu.dma_semaphore, #tpu.memory_space<semaphore_mem>>)
        %dma_wait3A_79 = tpu.memref_slice %arg7[%add3A_45] : memref<1048576xf32, #tpu.memory_space<hbm>> -> memref<512xf32, #tpu.memory_space<hbm>>
        %dma_wait3A_80 = tpu.memref_slice %arg7[%add3A_45] : memref<1048576xf32, #tpu.memory_space<hbm>> -> memref<512xf32, #tpu.memory_space<hbm>>
        tpu.wait_dma2 semaphore(%run_scoped3A : memref<!tpu.dma_semaphore, #tpu.memory_space<semaphore_mem>>) src(%arg19 : memref<512xf32, #tpu.memory_space<vmem>>) dst(%dma_wait3A_80 : memref<512xf32, #tpu.memory_space<hbm>>)
        tpu.yield
      }) : () -> ()
      %lt3A = arith.constant 31 : i32
      %lt3A_58 = arith.cmpi slt, %scan3A_22, %lt3A : i32
      %convert_element_type3A = arith.extui %lt3A_58 : i1 to i32
      %cond3A = arith.constant 0 : i32
      %cond3A_59 = arith.cmpi ne, %convert_element_type3A, %cond3A : i32
      scf.if %cond3A_59 {
        %add3A_78 = arith.constant 2 : i32
        %add3A_79 = arith.addi %mul3A_24, %add3A_78 : i32
        %mul3A_80 = arith.constant 512 : i32
        %mul3A_81 = arith.muli %add3A_79, %mul3A_80 : i32
        %add3A_82 = arith.addi %mul3A_2, %mul3A_81 : i32
        "tpu.region"() ({
          %run_scoped3A = tpu.sem_alloc : memref<!tpu.dma_semaphore, #tpu.memory_space<semaphore_mem>>
          %dma_start3A = tpu.memref_slice %arg2[%add3A_82] : memref<1048576xf32, #tpu.memory_space<hbm>> -> memref<512xf32, #tpu.memory_space<hbm>>
          %dma_start3A_96 = tpu.memref_slice %arg2[%add3A_82] : memref<1048576xf32, #tpu.memory_space<hbm>> -> memref<512xf32, #tpu.memory_space<hbm>>
          tpu.enqueue_dma source(%dma_start3A_96 : memref<512xf32, #tpu.memory_space<hbm>>) target(%arg8 : memref<512xf32, #tpu.memory_space<vmem>>) target_semaphore(%run_scoped3A : memref<!tpu.dma_semaphore, #tpu.memory_space<semaphore_mem>>)
          %dma_wait3A_97 = tpu.memref_slice %arg2[%add3A_82] : memref<1048576xf32, #tpu.memory_space<hbm>> -> memref<512xf32, #tpu.memory_space<hbm>>
          %dma_wait3A_98 = tpu.memref_slice %arg2[%add3A_82] : memref<1048576xf32, #tpu.memory_space<hbm>> -> memref<512xf32, #tpu.memory_space<hbm>>
          tpu.wait_dma2 semaphore(%run_scoped3A : memref<!tpu.dma_semaphore, #tpu.memory_space<semaphore_mem>>) src(%dma_wait3A_98 : memref<512xf32, #tpu.memory_space<hbm>>) dst(%arg8 : memref<512xf32, #tpu.memory_space<vmem>>)
          tpu.yield
        }) : () -> ()
        "tpu.region"() ({
          %run_scoped3A = tpu.sem_alloc : memref<!tpu.dma_semaphore, #tpu.memory_space<semaphore_mem>>
          %dma_start3A = tpu.memref_slice %arg3[%add3A_82] : memref<1048576xf32, #tpu.memory_space<hbm>> -> memref<512xf32, #tpu.memory_space<hbm>>
          %dma_start3A_96 = tpu.memref_slice %arg3[%add3A_82] : memref<1048576xf32, #tpu.memory_space<hbm>> -> memref<512xf32, #tpu.memory_space<hbm>>
          tpu.enqueue_dma source(%dma_start3A_96 : memref<512xf32, #tpu.memory_space<hbm>>) target(%arg9 : memref<512xf32, #tpu.memory_space<vmem>>) target_semaphore(%run_scoped3A : memref<!tpu.dma_semaphore, #tpu.memory_space<semaphore_mem>>)
          %dma_wait3A_97 = tpu.memref_slice %arg3[%add3A_82] : memref<1048576xf32, #tpu.memory_space<hbm>> -> memref<512xf32, #tpu.memory_space<hbm>>
          %dma_wait3A_98 = tpu.memref_slice %arg3[%add3A_82] : memref<1048576xf32, #tpu.memory_space<hbm>> -> memref<512xf32, #tpu.memory_space<hbm>>
          tpu.wait_dma2 semaphore(%run_scoped3A : memref<!tpu.dma_semaphore, #tpu.memory_space<semaphore_mem>>) src(%dma_wait3A_98 : memref<512xf32, #tpu.memory_space<hbm>>) dst(%arg9 : memref<512xf32, #tpu.memory_space<vmem>>)
          tpu.yield
        }) : () -> ()
        "tpu.region"() ({
          %run_scoped3A = tpu.sem_alloc : memref<!tpu.dma_semaphore, #tpu.memory_space<semaphore_mem>>
          %dma_start3A = tpu.memref_slice %arg4[%add3A_82] : memref<1048576xf32, #tpu.memory_space<hbm>> -> memref<512xf32, #tpu.memory_space<hbm>>
          %dma_start3A_96 = tpu.memref_slice %arg4[%add3A_82] : memref<1048576xf32, #tpu.memory_space<hbm>> -> memref<512xf32, #tpu.memory_space<hbm>>
          tpu.enqueue_dma source(%dma_start3A_96 : memref<512xf32, #tpu.memory_space<hbm>>) target(%arg10 : memref<512xf32, #tpu.memory_space<vmem>>) target_semaphore(%run_scoped3A : memref<!tpu.dma_semaphore, #tpu.memory_space<semaphore_mem>>)
          %dma_wait3A_97 = tpu.memref_slice %arg4[%add3A_82] : memref<1048576xf32, #tpu.memory_space<hbm>> -> memref<512xf32, #tpu.memory_space<hbm>>
          %dma_wait3A_98 = tpu.memref_slice %arg4[%add3A_82] : memref<1048576xf32, #tpu.memory_space<hbm>> -> memref<512xf32, #tpu.memory_space<hbm>>
          tpu.wait_dma2 semaphore(%run_scoped3A : memref<!tpu.dma_semaphore, #tpu.memory_space<semaphore_mem>>) src(%dma_wait3A_98 : memref<512xf32, #tpu.memory_space<hbm>>) dst(%arg10 : memref<512xf32, #tpu.memory_space<vmem>>)
          tpu.yield
        }) : () -> ()
        %iota3A_83 = tpu.iota {dimensions = array<i32: 0>} : vector<16xi32>
        %mul3A_84 = arith.constant 0 : i32
        %mul3A_85 = vector.broadcast %mul3A_84 : i32 to vector<16xi32>
        %mul3A_86 = arith.muli %iota3A_83, %mul3A_85 : vector<16xi32>
        %mul3A_87 = arith.constant 8 : i32
        %mul3A_88 = vector.broadcast %mul3A_87 : i32 to vector<16xi32>
        %mul3A_89 = arith.muli %iota3A_83, %mul3A_88 : vector<16xi32>
        %scan3A_90 = arith.constant 0 : i32
        %scan3A_91 = arith.constant 0 : i32
        %scan3A_92 = arith.constant 32 : i32
        %scan3A_93 = arith.addi %scan3A_91, %scan3A_92 : i32
        %scan3A_94 = arith.constant 1 : i32
        scf.for %scan3A_96 = %scan3A_91 to %scan3A_93 step %scan3A_94  : i32 {
          %mul3A_97 = arith.constant 16 : i32
          %mul3A_98 = arith.muli %scan3A_96, %mul3A_97 : i32
          %get3A = arith.index_cast %mul3A_98 : i32 to index
          %get3A_99 = tpu.vector_load %arg8[%get3A] {strides = array<i32>} : memref<512xf32, #tpu.memory_space<vmem>>, vector<16xf32>,
          %mul3A_100 = arith.constant 2.550000e+02 : f32
          %mul3A_101 = vector.broadcast %mul3A_100 : f32 to vector<16xf32>
          %mul3A_102 = arith.mulf %get3A_99, %mul3A_101 : vector<16xf32>
          %max3A = arith.constant 0.000000e+00 : f32
          %max3A_103 = vector.broadcast %max3A : f32 to vector<16xf32>
          %max3A_104 = arith.maximumf %mul3A_102, %max3A_103 : vector<16xf32>
          %min3A = arith.constant 2.540000e+02 : f32
          %min3A_105 = vector.broadcast %min3A : f32 to vector<16xf32>
          %min3A_106 = arith.minimumf %max3A_104, %min3A_105 : vector<16xf32>
          %convert_element_type3A_107 = arith.fptosi %min3A_106 : vector<16xf32> to vector<16xi32>
          %convert_element_type3A_108 = arith.sitofp %convert_element_type3A_107 : vector<16xi32> to vector<16xf32>
          %sub3A = arith.subf %mul3A_102, %convert_element_type3A_108 : vector<16xf32>
          %mul3A_109 = arith.constant 16 : i32
          %mul3A_110 = arith.muli %scan3A_96, %mul3A_109 : i32
          %get3A_111 = arith.index_cast %mul3A_110 : i32 to index
          %get3A_112 = tpu.vector_load %arg9[%get3A_111] {strides = array<i32>} : memref<512xf32, #tpu.memory_space<vmem>>, vector<16xf32>,
          %mul3A_113 = arith.constant 2.550000e+02 : f32
          %mul3A_114 = vector.broadcast %mul3A_113 : f32 to vector<16xf32>
          %mul3A_115 = arith.mulf %get3A_112, %mul3A_114 : vector<16xf32>
          %max3A_116 = arith.constant 0.000000e+00 : f32
          %max3A_117 = vector.broadcast %max3A_116 : f32 to vector<16xf32>
          %max3A_118 = arith.maximumf %mul3A_115, %max3A_117 : vector<16xf32>
          %min3A_119 = arith.constant 2.540000e+02 : f32
          %min3A_120 = vector.broadcast %min3A_119 : f32 to vector<16xf32>
          %min3A_121 = arith.minimumf %max3A_118, %min3A_120 : vector<16xf32>
          %convert_element_type3A_122 = arith.fptosi %min3A_121 : vector<16xf32> to vector<16xi32>
          %convert_element_type3A_123 = arith.sitofp %convert_element_type3A_122 : vector<16xi32> to vector<16xf32>
          %sub3A_124 = arith.subf %mul3A_115, %convert_element_type3A_123 : vector<16xf32>
          %mul3A_125 = arith.constant 16 : i32
          %mul3A_126 = arith.muli %scan3A_96, %mul3A_125 : i32
          %get3A_127 = arith.index_cast %mul3A_126 : i32 to index
          %get3A_128 = tpu.vector_load %arg10[%get3A_127] {strides = array<i32>} : memref<512xf32, #tpu.memory_space<vmem>>, vector<16xf32>,
          %mul3A_129 = arith.constant 2.550000e+02 : f32
          %mul3A_130 = vector.broadcast %mul3A_129 : f32 to vector<16xf32>
          %mul3A_131 = arith.mulf %get3A_128, %mul3A_130 : vector<16xf32>
          %max3A_132 = arith.constant 0.000000e+00 : f32
          %max3A_133 = vector.broadcast %max3A_132 : f32 to vector<16xf32>
          %max3A_134 = arith.maximumf %mul3A_131, %max3A_133 : vector<16xf32>
          %min3A_135 = arith.constant 2.540000e+02 : f32
          %min3A_136 = vector.broadcast %min3A_135 : f32 to vector<16xf32>
          %min3A_137 = arith.minimumf %max3A_134, %min3A_136 : vector<16xf32>
          %convert_element_type3A_138 = arith.fptosi %min3A_137 : vector<16xf32> to vector<16xi32>
          %convert_element_type3A_139 = arith.sitofp %convert_element_type3A_138 : vector<16xi32> to vector<16xf32>
          %sub3A_140 = arith.subf %mul3A_131, %convert_element_type3A_139 : vector<16xf32>
          %ge3A = arith.constant 0.000000e+00 : f32
          %ge3A_141 = vector.broadcast %ge3A : f32 to vector<16xf32>
          %ge3A_142 = arith.cmpf oge, %mul3A_102, %ge3A_141 : vector<16xf32>
          %le3A = arith.constant 2.550000e+02 : f32
          %le3A_143 = vector.broadcast %le3A : f32 to vector<16xf32>
          %le3A_144 = arith.cmpf ole, %mul3A_102, %le3A_143 : vector<16xf32>
          %and3A = arith.andi %ge3A_142, %le3A_144 : vector<16xi1>
          %ge3A_145 = arith.constant 0.000000e+00 : f32
          %ge3A_146 = vector.broadcast %ge3A_145 : f32 to vector<16xf32>
          %ge3A_147 = arith.cmpf oge, %mul3A_115, %ge3A_146 : vector<16xf32>
          %and3A_148 = arith.andi %and3A, %ge3A_147 : vector<16xi1>
          %le3A_149 = arith.constant 2.550000e+02 : f32
          %le3A_150 = vector.broadcast %le3A_149 : f32 to vector<16xf32>
          %le3A_151 = arith.cmpf ole, %mul3A_115, %le3A_150 : vector<16xf32>
          %and3A_152 = arith.andi %and3A_148, %le3A_151 : vector<16xi1>
          %ge3A_153 = arith.constant 0.000000e+00 : f32
          %ge3A_154 = vector.broadcast %ge3A_153 : f32 to vector<16xf32>
          %ge3A_155 = arith.cmpf oge, %mul3A_131, %ge3A_154 : vector<16xf32>
          %and3A_156 = arith.andi %and3A_152, %ge3A_155 : vector<16xi1>
          %le3A_157 = arith.constant 2.550000e+02 : f32
          %le3A_158 = vector.broadcast %le3A_157 : f32 to vector<16xf32>
          %le3A_159 = arith.cmpf ole, %mul3A_131, %le3A_158 : vector<16xf32>
          %and3A_160 = arith.andi %and3A_156, %le3A_159 : vector<16xi1>
          %mul3A_161 = arith.constant 16 : i32
          %mul3A_162 = arith.muli %scan3A_96, %mul3A_161 : i32
          %swap3A = arith.index_cast %mul3A_162 : i32 to index
          %swap3A_163 = tpu.vector_load %arg11[%swap3A] {strides = array<i32>} : memref<512xf32, #tpu.memory_space<vmem>>, vector<16xf32>,
          tpu.vector_store %arg11[%swap3A], %sub3A {strides = array<i32>} : memref<512xf32, #tpu.memory_space<vmem>>, vector<16xf32>,
          %mul3A_164 = arith.constant 16 : i32
          %mul3A_165 = arith.muli %scan3A_96, %mul3A_164 : i32
          %swap3A_166 = arith.index_cast %mul3A_165 : i32 to index
          %swap3A_167 = tpu.vector_load %arg12[%swap3A_166] {strides = array<i32>} : memref<512xf32, #tpu.memory_space<vmem>>, vector<16xf32>,
          tpu.vector_store %arg12[%swap3A_166], %sub3A_124 {strides = array<i32>} : memref<512xf32, #tpu.memory_space<vmem>>, vector<16xf32>,
          %mul3A_168 = arith.constant 16 : i32
          %mul3A_169 = arith.muli %scan3A_96, %mul3A_168 : i32
          %swap3A_170 = arith.index_cast %mul3A_169 : i32 to index
          %swap3A_171 = tpu.vector_load %arg13[%swap3A_170] {strides = array<i32>} : memref<512xf32, #tpu.memory_space<vmem>>, vector<16xf32>,
          tpu.vector_store %arg13[%swap3A_170], %sub3A_140 {strides = array<i32>} : memref<512xf32, #tpu.memory_space<vmem>>, vector<16xf32>,
          %jit3A = arith.constant 1.000000e+00 : f32
          %jit3A_172 = arith.constant 0.000000e+00 : f32
          %broadcast_in_dim3A = vector.broadcast %jit3A : f32 to vector<16xf32>
          %broadcast_in_dim3A_173 = vector.broadcast %jit3A_172 : f32 to vector<16xf32>
          %select_n3A = arith.select %and3A_160, %broadcast_in_dim3A, %broadcast_in_dim3A_173 : vector<16xi1>, vector<16xf32>
          %mul3A_174 = arith.constant 16 : i32
          %mul3A_175 = arith.muli %scan3A_96, %mul3A_174 : i32
          %swap3A_176 = arith.index_cast %mul3A_175 : i32 to index
          %swap3A_177 = tpu.vector_load %arg14[%swap3A_176] {strides = array<i32>} : memref<512xf32, #tpu.memory_space<vmem>>, vector<16xf32>,
          tpu.vector_store %arg14[%swap3A_176], %select_n3A {strides = array<i32>} : memref<512xf32, #tpu.memory_space<vmem>>, vector<16xf32>,
          %and3A_178 = arith.constant 3 : i32
          %and3A_179 = vector.broadcast %and3A_178 : i32 to vector<16xi32>
          %and3A_180 = arith.andi %convert_element_type3A_138, %and3A_179 : vector<16xi32>
          %mul3A_181 = arith.constant 16 : i32
          %mul3A_182 = arith.muli %scan3A_96, %mul3A_181 : i32
          %swap3A_183 = arith.index_cast %mul3A_182 : i32 to index
          %swap3A_184 = tpu.vector_load %arg15[%swap3A_183] {strides = array<i32>} : memref<512xi32, #tpu.memory_space<vmem>>, vector<16xi32>,
          tpu.vector_store %arg15[%swap3A_183], %and3A_180 {strides = array<i32>} : memref<512xi32, #tpu.memory_space<vmem>>, vector<16xi32>,
          %shift_left3A = arith.constant 16 : i32
          %shift_left3A_185 = vector.broadcast %shift_left3A : i32 to vector<16xi32>
          %shift_left3A_186 = arith.shli %convert_element_type3A_107, %shift_left3A_185 : vector<16xi32>
          %shift_left3A_187 = arith.constant 8 : i32
          %shift_left3A_188 = vector.broadcast %shift_left3A_187 : i32 to vector<16xi32>
          %shift_left3A_189 = arith.shli %convert_element_type3A_122, %shift_left3A_188 : vector<16xi32>
          %add3A_190 = arith.addi %shift_left3A_186, %shift_left3A_189 : vector<16xi32>
          %add3A_191 = arith.addi %add3A_190, %convert_element_type3A_138 : vector<16xi32>
          %add3A_192 = vector.broadcast %scan3A_96 : i32 to vector<16xi32>
          %add3A_193 = arith.addi %mul3A_86, %add3A_192 : vector<16xi32>
          %add3A_194 = arith.constant 0 : i32
          %add3A_195 = vector.broadcast %add3A_194 : i32 to vector<16xi32>
          %add3A_196 = arith.addi %add3A_191, %add3A_195 : vector<16xi32>
          %shift_right_logical3A = arith.constant 2 : i32
          %shift_right_logical3A_197 = vector.broadcast %shift_right_logical3A : i32 to vector<16xi32>
          %shift_right_logical3A_198 = arith.shrui %add3A_196, %shift_right_logical3A_197 : vector<16xi32>
          %add3A_199 = arith.constant 1 : i32
          %add3A_200 = vector.broadcast %add3A_199 : i32 to vector<16xi32>
          %add3A_201 = arith.addi %shift_right_logical3A_198, %add3A_200 : vector<16xi32>
          %min3A_202 = arith.constant 4194303 : i32
          %min3A_203 = vector.broadcast %min3A_202 : i32 to vector<16xi32>
          %min3A_204 = arith.minsi %add3A_201, %min3A_203 : vector<16xi32>
          %add3A_205 = arith.constant 0 : i32
          %add3A_206 = vector.broadcast %add3A_205 : i32 to vector<16xi32>
          %add3A_207 = arith.addi %mul3A_89, %add3A_206 : vector<16xi32>
          tpu.vector_store_idx %arg16[%add3A_193, %add3A_207], %shift_right_logical3A_198 : memref<32x128xi32, #tpu.memory_space<vmem>>[vector<16xi32>, vector<16xi32>], vector<16xi32>,
          %add3A_208 = arith.constant 0 : i32
          %add3A_209 = vector.broadcast %add3A_208 : i32 to vector<16xi32>
          %add3A_210 = arith.addi %mul3A_89, %add3A_209 : vector<16xi32>
          %add3A_211 = arith.constant 1 : i32
          %add3A_212 = vector.broadcast %add3A_211 : i32 to vector<16xi32>
          %add3A_213 = arith.addi %add3A_210, %add3A_212 : vector<16xi32>
          tpu.vector_store_idx %arg16[%add3A_193, %add3A_213], %min3A_204 : memref<32x128xi32, #tpu.memory_space<vmem>>[vector<16xi32>, vector<16xi32>], vector<16xi32>,
          %add3A_214 = arith.constant 256 : i32
          %add3A_215 = vector.broadcast %add3A_214 : i32 to vector<16xi32>
          %add3A_216 = arith.addi %add3A_191, %add3A_215 : vector<16xi32>
          %shift_right_logical3A_217 = arith.constant 2 : i32
          %shift_right_logical3A_218 = vector.broadcast %shift_right_logical3A_217 : i32 to vector<16xi32>
          %shift_right_logical3A_219 = arith.shrui %add3A_216, %shift_right_logical3A_218 : vector<16xi32>
          %add3A_220 = arith.constant 1 : i32
          %add3A_221 = vector.broadcast %add3A_220 : i32 to vector<16xi32>
          %add3A_222 = arith.addi %shift_right_logical3A_219, %add3A_221 : vector<16xi32>
          %min3A_223 = arith.constant 4194303 : i32
          %min3A_224 = vector.broadcast %min3A_223 : i32 to vector<16xi32>
          %min3A_225 = arith.minsi %add3A_222, %min3A_224 : vector<16xi32>
          %add3A_226 = arith.constant 2 : i32
          %add3A_227 = vector.broadcast %add3A_226 : i32 to vector<16xi32>
          %add3A_228 = arith.addi %mul3A_89, %add3A_227 : vector<16xi32>
          tpu.vector_store_idx %arg16[%add3A_193, %add3A_228], %shift_right_logical3A_219 : memref<32x128xi32, #tpu.memory_space<vmem>>[vector<16xi32>, vector<16xi32>], vector<16xi32>,
          %add3A_229 = arith.constant 2 : i32
          %add3A_230 = vector.broadcast %add3A_229 : i32 to vector<16xi32>
          %add3A_231 = arith.addi %mul3A_89, %add3A_230 : vector<16xi32>
          %add3A_232 = arith.constant 1 : i32
          %add3A_233 = vector.broadcast %add3A_232 : i32 to vector<16xi32>
          %add3A_234 = arith.addi %add3A_231, %add3A_233 : vector<16xi32>
          tpu.vector_store_idx %arg16[%add3A_193, %add3A_234], %min3A_225 : memref<32x128xi32, #tpu.memory_space<vmem>>[vector<16xi32>, vector<16xi32>], vector<16xi32>,
          %add3A_235 = arith.constant 65536 : i32
          %add3A_236 = vector.broadcast %add3A_235 : i32 to vector<16xi32>
          %add3A_237 = arith.addi %add3A_191, %add3A_236 : vector<16xi32>
          %shift_right_logical3A_238 = arith.constant 2 : i32
          %shift_right_logical3A_239 = vector.broadcast %shift_right_logical3A_238 : i32 to vector<16xi32>
          %shift_right_logical3A_240 = arith.shrui %add3A_237, %shift_right_logical3A_239 : vector<16xi32>
          %add3A_241 = arith.constant 1 : i32
          %add3A_242 = vector.broadcast %add3A_241 : i32 to vector<16xi32>
          %add3A_243 = arith.addi %shift_right_logical3A_240, %add3A_242 : vector<16xi32>
          %min3A_244 = arith.constant 4194303 : i32
          %min3A_245 = vector.broadcast %min3A_244 : i32 to vector<16xi32>
          %min3A_246 = arith.minsi %add3A_243, %min3A_245 : vector<16xi32>
          %add3A_247 = arith.constant 4 : i32
          %add3A_248 = vector.broadcast %add3A_247 : i32 to vector<16xi32>
          %add3A_249 = arith.addi %mul3A_89, %add3A_248 : vector<16xi32>
          tpu.vector_store_idx %arg16[%add3A_193, %add3A_249], %shift_right_logical3A_240 : memref<32x128xi32, #tpu.memory_space<vmem>>[vector<16xi32>, vector<16xi32>], vector<16xi32>,
          %add3A_250 = arith.constant 4 : i32
          %add3A_251 = vector.broadcast %add3A_250 : i32 to vector<16xi32>
          %add3A_252 = arith.addi %mul3A_89, %add3A_251 : vector<16xi32>
          %add3A_253 = arith.constant 1 : i32
          %add3A_254 = vector.broadcast %add3A_253 : i32 to vector<16xi32>
          %add3A_255 = arith.addi %add3A_252, %add3A_254 : vector<16xi32>
          tpu.vector_store_idx %arg16[%add3A_193, %add3A_255], %min3A_246 : memref<32x128xi32, #tpu.memory_space<vmem>>[vector<16xi32>, vector<16xi32>], vector<16xi32>,
          %add3A_256 = arith.constant 65792 : i32
          %add3A_257 = vector.broadcast %add3A_256 : i32 to vector<16xi32>
          %add3A_258 = arith.addi %add3A_191, %add3A_257 : vector<16xi32>
          %shift_right_logical3A_259 = arith.constant 2 : i32
          %shift_right_logical3A_260 = vector.broadcast %shift_right_logical3A_259 : i32 to vector<16xi32>
          %shift_right_logical3A_261 = arith.shrui %add3A_258, %shift_right_logical3A_260 : vector<16xi32>
          %add3A_262 = arith.constant 1 : i32
          %add3A_263 = vector.broadcast %add3A_262 : i32 to vector<16xi32>
          %add3A_264 = arith.addi %shift_right_logical3A_261, %add3A_263 : vector<16xi32>
          %min3A_265 = arith.constant 4194303 : i32
          %min3A_266 = vector.broadcast %min3A_265 : i32 to vector<16xi32>
          %min3A_267 = arith.minsi %add3A_264, %min3A_266 : vector<16xi32>
          %add3A_268 = arith.constant 6 : i32
          %add3A_269 = vector.broadcast %add3A_268 : i32 to vector<16xi32>
          %add3A_270 = arith.addi %mul3A_89, %add3A_269 : vector<16xi32>
          tpu.vector_store_idx %arg16[%add3A_193, %add3A_270], %shift_right_logical3A_261 : memref<32x128xi32, #tpu.memory_space<vmem>>[vector<16xi32>, vector<16xi32>], vector<16xi32>,
          %add3A_271 = arith.constant 6 : i32
          %add3A_272 = vector.broadcast %add3A_271 : i32 to vector<16xi32>
          %add3A_273 = arith.addi %mul3A_89, %add3A_272 : vector<16xi32>
          %add3A_274 = arith.constant 1 : i32
          %add3A_275 = vector.broadcast %add3A_274 : i32 to vector<16xi32>
          %add3A_276 = arith.addi %add3A_273, %add3A_275 : vector<16xi32>
          tpu.vector_store_idx %arg16[%add3A_193, %add3A_276], %min3A_267 : memref<32x128xi32, #tpu.memory_space<vmem>>[vector<16xi32>, vector<16xi32>], vector<16xi32>,
          %mul3A_277 = arith.constant 128 : i32
          %mul3A_278 = arith.muli %scan3A_96, %mul3A_277 : i32
          %dma_start3A = arith.constant 0 : i32
          %dma_start3A_279 = tpu.memref_slice %arg17[%mul3A_278, %dma_start3A] : memref<4096x8xf32, #tpu.memory_space<vmem>> -> memref<128x8xf32, #tpu.memory_space<vmem>>
          %dma_start3A_280 = arith.constant 0 : i32
          %dma_start3A_281 = tpu.memref_slice %arg16[%scan3A_96, %dma_start3A_280] : memref<32x128xi32, #tpu.memory_space<vmem>> -> memref<1x128xi32, #tpu.memory_space<vmem>>
          %dma_start3A_282 = tpu.memref_squeeze %dma_start3A_281 : memref<1x128xi32, #tpu.memory_space<vmem>> -> memref<128xi32, #tpu.memory_space<vmem>>
          %dma_start3A_283 = arith.constant 0 : i32
          %dma_start3A_284 = arith.constant 0 : i32
          %dma_start3A_285 = tpu.memref_slice %arg5[%dma_start3A_283, %dma_start3A_284] : memref<4194304x8xf32, #tpu.memory_space<hbm>> -> memref<4194304x8xf32, #tpu.memory_space<hbm>>
          tpu.enqueue_indirect_dma source(%dma_start3A_285 : memref<4194304x8xf32, #tpu.memory_space<hbm>>) target(%dma_start3A_279 : memref<128x8xf32, #tpu.memory_space<vmem>>) offsets(%dma_start3A_282 : memref<128xi32, #tpu.memory_space<vmem>>) semaphore(%arg20 : memref<!tpu.dma_semaphore, #tpu.memory_space<semaphore_mem>>)
        }
        %scan3A_95 = arith.constant 32 : i32
      } else {
      }
      %add3A_60 = arith.constant 1 : i32
      %add3A_61 = arith.addi %mul3A_24, %add3A_60 : i32
      %mul3A_62 = arith.constant 512 : i32
      %mul3A_63 = arith.muli %add3A_61, %mul3A_62 : i32
      %add3A_64 = arith.addi %mul3A_2, %mul3A_63 : i32
      %dma_wait3A_65 = arith.constant 0 : i32
      %dma_wait3A_66 = arith.constant 0 : i32
      %dma_wait3A_67 = tpu.memref_slice %arg5[%dma_wait3A_65, %dma_wait3A_66] : memref<4194304x8xf32, #tpu.memory_space<hbm>> -> memref<4096x8xf32, #tpu.memory_space<hbm>>
      %dma_wait3A_68 = arith.constant 0 : i32
      %dma_wait3A_69 = arith.constant 0 : i32
      %dma_wait3A_70 = tpu.memref_slice %arg5[%dma_wait3A_68, %dma_wait3A_69] : memref<4194304x8xf32, #tpu.memory_space<hbm>> -> memref<4096x8xf32, #tpu.memory_space<hbm>>
      tpu.wait_dma2 semaphore(%arg33 : memref<!tpu.dma_semaphore, #tpu.memory_space<semaphore_mem>>) src(%dma_wait3A_70 : memref<4096x8xf32, #tpu.memory_space<hbm>>) dst(%arg30 : memref<4096x8xf32, #tpu.memory_space<vmem>>)
      %iota3A_71 = tpu.iota {dimensions = array<i32: 0>} : vector<16xi32>
      %scan3A_72 = arith.constant 0 : i32
      %scan3A_73 = arith.constant 0 : i32
      %scan3A_74 = arith.constant 32 : i32
      %scan3A_75 = arith.addi %scan3A_73, %scan3A_74 : i32
      %scan3A_76 = arith.constant 1 : i32
      scf.for %scan3A_78 = %scan3A_73 to %scan3A_75 step %scan3A_76  : i32 {
        %mul3A_79 = arith.constant 16 : i32
        %mul3A_80 = arith.muli %scan3A_78, %mul3A_79 : i32
        %get3A = arith.index_cast %mul3A_80 : i32 to index
        %get3A_81 = tpu.vector_load %arg24[%get3A] {strides = array<i32>} : memref<512xf32, #tpu.memory_space<vmem>>, vector<16xf32>,
        %mul3A_82 = arith.constant 16 : i32
        %mul3A_83 = arith.muli %scan3A_78, %mul3A_82 : i32
        %get3A_84 = arith.index_cast %mul3A_83 : i32 to index
        %get3A_85 = tpu.vector_load %arg25[%get3A_84] {strides = array<i32>} : memref<512xf32, #tpu.memory_space<vmem>>, vector<16xf32>,
        %mul3A_86 = arith.constant 16 : i32
        %mul3A_87 = arith.muli %scan3A_78, %mul3A_86 : i32
        %get3A_88 = arith.index_cast %mul3A_87 : i32 to index
        %get3A_89 = tpu.vector_load %arg26[%get3A_88] {strides = array<i32>} : memref<512xf32, #tpu.memory_space<vmem>>, vector<16xf32>,
        %mul3A_90 = arith.constant 16 : i32
        %mul3A_91 = arith.muli %scan3A_78, %mul3A_90 : i32
        %get3A_92 = arith.index_cast %mul3A_91 : i32 to index
        %get3A_93 = tpu.vector_load %arg27[%get3A_92] {strides = array<i32>} : memref<512xf32, #tpu.memory_space<vmem>>, vector<16xf32>,
        %mul3A_94 = arith.constant 16 : i32
        %mul3A_95 = arith.muli %scan3A_78, %mul3A_94 : i32
        %get3A_96 = arith.index_cast %mul3A_95 : i32 to index
        %get3A_97 = tpu.vector_load %arg28[%get3A_96] {strides = array<i32>} : memref<512xi32, #tpu.memory_space<vmem>>, vector<16xi32>,
        %add3A_98 = arith.constant 1 : i32
        %add3A_99 = vector.broadcast %add3A_98 : i32 to vector<16xi32>
        %add3A_100 = arith.addi %get3A_97, %add3A_99 : vector<16xi32>
        %mul3A_101 = arith.constant 2 : i32
        %mul3A_102 = vector.broadcast %mul3A_101 : i32 to vector<16xi32>
        %mul3A_103 = arith.muli %mul3A_102, %get3A_97 : vector<16xi32>
        %and3A = arith.constant 3 : i32
        %and3A_104 = vector.broadcast %and3A : i32 to vector<16xi32>
        %and3A_105 = arith.andi %add3A_100, %and3A_104 : vector<16xi32>
        %mul3A_106 = arith.constant 2 : i32
        %mul3A_107 = vector.broadcast %mul3A_106 : i32 to vector<16xi32>
        %mul3A_108 = arith.muli %mul3A_107, %and3A_105 : vector<16xi32>
        %shift_right_logical3A = arith.constant 2 : i32
        %shift_right_logical3A_109 = vector.broadcast %shift_right_logical3A : i32 to vector<16xi32>
        %shift_right_logical3A_110 = arith.shrui %add3A_100, %shift_right_logical3A_109 : vector<16xi32>
        %sub3A = arith.constant 1.000000e+00 : f32
        %sub3A_111 = vector.broadcast %sub3A : f32 to vector<16xf32>
        %sub3A_112 = arith.subf %sub3A_111, %get3A_81 : vector<16xf32>
        %sub3A_113 = arith.constant 1.000000e+00 : f32
        %sub3A_114 = vector.broadcast %sub3A_113 : f32 to vector<16xf32>
        %sub3A_115 = arith.subf %sub3A_114, %get3A_85 : vector<16xf32>
        %sub3A_116 = arith.constant 1.000000e+00 : f32
        %sub3A_117 = vector.broadcast %sub3A_116 : f32 to vector<16xf32>
        %sub3A_118 = arith.subf %sub3A_117, %get3A_89 : vector<16xf32>
        %mul3A_119 = arith.constant 128 : i32
        %mul3A_120 = arith.muli %scan3A_78, %mul3A_119 : i32
        %mul3A_121 = arith.constant 8 : i32
        %mul3A_122 = vector.broadcast %mul3A_121 : i32 to vector<16xi32>
        %mul3A_123 = arith.muli %iota3A_71, %mul3A_122 : vector<16xi32>
        %add3A_124 = vector.broadcast %mul3A_120 : i32 to vector<16xi32>
        %add3A_125 = arith.addi %add3A_124, %mul3A_123 : vector<16xi32>
        %broadcast_in_dim3A = arith.constant 0.000000e+00 : f32
        %broadcast_in_dim3A_126 = vector.broadcast %broadcast_in_dim3A : f32 to vector<16xf32>
        %broadcast_in_dim3A_127 = arith.constant 0.000000e+00 : f32
        %broadcast_in_dim3A_128 = vector.broadcast %broadcast_in_dim3A_127 : f32 to vector<16xf32>
        %mul3A_129 = arith.mulf %sub3A_112, %sub3A_115 : vector<16xf32>
        %mul3A_130 = arith.mulf %mul3A_129, %sub3A_118 : vector<16xf32>
        %add3A_131 = arith.constant 0 : i32
        %add3A_132 = vector.broadcast %add3A_131 : i32 to vector<16xi32>
        %add3A_133 = arith.addi %add3A_125, %add3A_132 : vector<16xi32>
        %add3A_134 = arith.constant 0 : i32
        %add3A_135 = vector.broadcast %add3A_134 : i32 to vector<16xi32>
        %add3A_136 = arith.addi %add3A_133, %add3A_135 : vector<16xi32>
        %gather3A = tpu.vector_load_idx %arg30[%add3A_136, %mul3A_103] : memref<4096x8xf32, #tpu.memory_space<vmem>>[vector<16xi32>, vector<16xi32>], vector<16xf32>,
        %add3A_137 = arith.constant 1 : i32
        %add3A_138 = vector.broadcast %add3A_137 : i32 to vector<16xi32>
        %add3A_139 = arith.addi %mul3A_103, %add3A_138 : vector<16xi32>
        %gather3A_140 = tpu.vector_load_idx %arg30[%add3A_136, %add3A_139] : memref<4096x8xf32, #tpu.memory_space<vmem>>[vector<16xi32>, vector<16xi32>], vector<16xf32>,
        %mul3A_141 = arith.mulf %mul3A_130, %gather3A : vector<16xf32>
        %add3A_142 = arith.addf %broadcast_in_dim3A_126, %mul3A_141 : vector<16xf32>
        %mul3A_143 = arith.mulf %mul3A_130, %gather3A_140 : vector<16xf32>
        %add3A_144 = arith.addf %broadcast_in_dim3A_128, %mul3A_143 : vector<16xf32>
        %mul3A_145 = arith.mulf %mul3A_129, %get3A_89 : vector<16xf32>
        %add3A_146 = arith.constant 0 : i32
        %add3A_147 = vector.broadcast %add3A_146 : i32 to vector<16xi32>
        %add3A_148 = arith.addi %add3A_125, %add3A_147 : vector<16xi32>
        %add3A_149 = arith.addi %add3A_148, %shift_right_logical3A_110 : vector<16xi32>
        %gather3A_150 = tpu.vector_load_idx %arg30[%add3A_149, %mul3A_108] : memref<4096x8xf32, #tpu.memory_space<vmem>>[vector<16xi32>, vector<16xi32>], vector<16xf32>,
        %add3A_151 = arith.constant 1 : i32
        %add3A_152 = vector.broadcast %add3A_151 : i32 to vector<16xi32>
        %add3A_153 = arith.addi %mul3A_108, %add3A_152 : vector<16xi32>
        %gather3A_154 = tpu.vector_load_idx %arg30[%add3A_149, %add3A_153] : memref<4096x8xf32, #tpu.memory_space<vmem>>[vector<16xi32>, vector<16xi32>], vector<16xf32>,
        %mul3A_155 = arith.mulf %mul3A_145, %gather3A_150 : vector<16xf32>
        %add3A_156 = arith.addf %add3A_142, %mul3A_155 : vector<16xf32>
        %mul3A_157 = arith.mulf %mul3A_145, %gather3A_154 : vector<16xf32>
        %add3A_158 = arith.addf %add3A_144, %mul3A_157 : vector<16xf32>
        %mul3A_159 = arith.mulf %sub3A_112, %get3A_85 : vector<16xf32>
        %mul3A_160 = arith.mulf %mul3A_159, %sub3A_118 : vector<16xf32>
        %add3A_161 = arith.constant 2 : i32
        %add3A_162 = vector.broadcast %add3A_161 : i32 to vector<16xi32>
        %add3A_163 = arith.addi %add3A_125, %add3A_162 : vector<16xi32>
        %add3A_164 = arith.constant 0 : i32
        %add3A_165 = vector.broadcast %add3A_164 : i32 to vector<16xi32>
        %add3A_166 = arith.addi %add3A_163, %add3A_165 : vector<16xi32>
        %gather3A_167 = tpu.vector_load_idx %arg30[%add3A_166, %mul3A_103] : memref<4096x8xf32, #tpu.memory_space<vmem>>[vector<16xi32>, vector<16xi32>], vector<16xf32>,
        %add3A_168 = arith.constant 1 : i32
        %add3A_169 = vector.broadcast %add3A_168 : i32 to vector<16xi32>
        %add3A_170 = arith.addi %mul3A_103, %add3A_169 : vector<16xi32>
        %gather3A_171 = tpu.vector_load_idx %arg30[%add3A_166, %add3A_170] : memref<4096x8xf32, #tpu.memory_space<vmem>>[vector<16xi32>, vector<16xi32>], vector<16xf32>,
        %mul3A_172 = arith.mulf %mul3A_160, %gather3A_167 : vector<16xf32>
        %add3A_173 = arith.addf %add3A_156, %mul3A_172 : vector<16xf32>
        %mul3A_174 = arith.mulf %mul3A_160, %gather3A_171 : vector<16xf32>
        %add3A_175 = arith.addf %add3A_158, %mul3A_174 : vector<16xf32>
        %mul3A_176 = arith.mulf %mul3A_159, %get3A_89 : vector<16xf32>
        %add3A_177 = arith.constant 2 : i32
        %add3A_178 = vector.broadcast %add3A_177 : i32 to vector<16xi32>
        %add3A_179 = arith.addi %add3A_125, %add3A_178 : vector<16xi32>
        %add3A_180 = arith.addi %add3A_179, %shift_right_logical3A_110 : vector<16xi32>
        %gather3A_181 = tpu.vector_load_idx %arg30[%add3A_180, %mul3A_108] : memref<4096x8xf32, #tpu.memory_space<vmem>>[vector<16xi32>, vector<16xi32>], vector<16xf32>,
        %add3A_182 = arith.constant 1 : i32
        %add3A_183 = vector.broadcast %add3A_182 : i32 to vector<16xi32>
        %add3A_184 = arith.addi %mul3A_108, %add3A_183 : vector<16xi32>
        %gather3A_185 = tpu.vector_load_idx %arg30[%add3A_180, %add3A_184] : memref<4096x8xf32, #tpu.memory_space<vmem>>[vector<16xi32>, vector<16xi32>], vector<16xf32>,
        %mul3A_186 = arith.mulf %mul3A_176, %gather3A_181 : vector<16xf32>
        %add3A_187 = arith.addf %add3A_173, %mul3A_186 : vector<16xf32>
        %mul3A_188 = arith.mulf %mul3A_176, %gather3A_185 : vector<16xf32>
        %add3A_189 = arith.addf %add3A_175, %mul3A_188 : vector<16xf32>
        %mul3A_190 = arith.mulf %get3A_81, %sub3A_115 : vector<16xf32>
        %mul3A_191 = arith.mulf %mul3A_190, %sub3A_118 : vector<16xf32>
        %add3A_192 = arith.constant 4 : i32
        %add3A_193 = vector.broadcast %add3A_192 : i32 to vector<16xi32>
        %add3A_194 = arith.addi %add3A_125, %add3A_193 : vector<16xi32>
        %add3A_195 = arith.constant 0 : i32
        %add3A_196 = vector.broadcast %add3A_195 : i32 to vector<16xi32>
        %add3A_197 = arith.addi %add3A_194, %add3A_196 : vector<16xi32>
        %gather3A_198 = tpu.vector_load_idx %arg30[%add3A_197, %mul3A_103] : memref<4096x8xf32, #tpu.memory_space<vmem>>[vector<16xi32>, vector<16xi32>], vector<16xf32>,
        %add3A_199 = arith.constant 1 : i32
        %add3A_200 = vector.broadcast %add3A_199 : i32 to vector<16xi32>
        %add3A_201 = arith.addi %mul3A_103, %add3A_200 : vector<16xi32>
        %gather3A_202 = tpu.vector_load_idx %arg30[%add3A_197, %add3A_201] : memref<4096x8xf32, #tpu.memory_space<vmem>>[vector<16xi32>, vector<16xi32>], vector<16xf32>,
        %mul3A_203 = arith.mulf %mul3A_191, %gather3A_198 : vector<16xf32>
        %add3A_204 = arith.addf %add3A_187, %mul3A_203 : vector<16xf32>
        %mul3A_205 = arith.mulf %mul3A_191, %gather3A_202 : vector<16xf32>
        %add3A_206 = arith.addf %add3A_189, %mul3A_205 : vector<16xf32>
        %mul3A_207 = arith.mulf %mul3A_190, %get3A_89 : vector<16xf32>
        %add3A_208 = arith.constant 4 : i32
        %add3A_209 = vector.broadcast %add3A_208 : i32 to vector<16xi32>
        %add3A_210 = arith.addi %add3A_125, %add3A_209 : vector<16xi32>
        %add3A_211 = arith.addi %add3A_210, %shift_right_logical3A_110 : vector<16xi32>
        %gather3A_212 = tpu.vector_load_idx %arg30[%add3A_211, %mul3A_108] : memref<4096x8xf32, #tpu.memory_space<vmem>>[vector<16xi32>, vector<16xi32>], vector<16xf32>,
        %add3A_213 = arith.constant 1 : i32
        %add3A_214 = vector.broadcast %add3A_213 : i32 to vector<16xi32>
        %add3A_215 = arith.addi %mul3A_108, %add3A_214 : vector<16xi32>
        %gather3A_216 = tpu.vector_load_idx %arg30[%add3A_211, %add3A_215] : memref<4096x8xf32, #tpu.memory_space<vmem>>[vector<16xi32>, vector<16xi32>], vector<16xf32>,
        %mul3A_217 = arith.mulf %mul3A_207, %gather3A_212 : vector<16xf32>
        %add3A_218 = arith.addf %add3A_204, %mul3A_217 : vector<16xf32>
        %mul3A_219 = arith.mulf %mul3A_207, %gather3A_216 : vector<16xf32>
        %add3A_220 = arith.addf %add3A_206, %mul3A_219 : vector<16xf32>
        %mul3A_221 = arith.mulf %get3A_81, %get3A_85 : vector<16xf32>
        %mul3A_222 = arith.mulf %mul3A_221, %sub3A_118 : vector<16xf32>
        %add3A_223 = arith.constant 6 : i32
        %add3A_224 = vector.broadcast %add3A_223 : i32 to vector<16xi32>
        %add3A_225 = arith.addi %add3A_125, %add3A_224 : vector<16xi32>
        %add3A_226 = arith.constant 0 : i32
        %add3A_227 = vector.broadcast %add3A_226 : i32 to vector<16xi32>
        %add3A_228 = arith.addi %add3A_225, %add3A_227 : vector<16xi32>
        %gather3A_229 = tpu.vector_load_idx %arg30[%add3A_228, %mul3A_103] : memref<4096x8xf32, #tpu.memory_space<vmem>>[vector<16xi32>, vector<16xi32>], vector<16xf32>,
        %add3A_230 = arith.constant 1 : i32
        %add3A_231 = vector.broadcast %add3A_230 : i32 to vector<16xi32>
        %add3A_232 = arith.addi %mul3A_103, %add3A_231 : vector<16xi32>
        %gather3A_233 = tpu.vector_load_idx %arg30[%add3A_228, %add3A_232] : memref<4096x8xf32, #tpu.memory_space<vmem>>[vector<16xi32>, vector<16xi32>], vector<16xf32>,
        %mul3A_234 = arith.mulf %mul3A_222, %gather3A_229 : vector<16xf32>
        %add3A_235 = arith.addf %add3A_218, %mul3A_234 : vector<16xf32>
        %mul3A_236 = arith.mulf %mul3A_222, %gather3A_233 : vector<16xf32>
        %add3A_237 = arith.addf %add3A_220, %mul3A_236 : vector<16xf32>
        %mul3A_238 = arith.mulf %mul3A_221, %get3A_89 : vector<16xf32>
        %add3A_239 = arith.constant 6 : i32
        %add3A_240 = vector.broadcast %add3A_239 : i32 to vector<16xi32>
        %add3A_241 = arith.addi %add3A_125, %add3A_240 : vector<16xi32>
        %add3A_242 = arith.addi %add3A_241, %shift_right_logical3A_110 : vector<16xi32>
        %gather3A_243 = tpu.vector_load_idx %arg30[%add3A_242, %mul3A_108] : memref<4096x8xf32, #tpu.memory_space<vmem>>[vector<16xi32>, vector<16xi32>], vector<16xf32>,
        %add3A_244 = arith.constant 1 : i32
        %add3A_245 = vector.broadcast %add3A_244 : i32 to vector<16xi32>
        %add3A_246 = arith.addi %mul3A_108, %add3A_245 : vector<16xi32>
        %gather3A_247 = tpu.vector_load_idx %arg30[%add3A_242, %add3A_246] : memref<4096x8xf32, #tpu.memory_space<vmem>>[vector<16xi32>, vector<16xi32>], vector<16xf32>,
        %mul3A_248 = arith.mulf %mul3A_238, %gather3A_243 : vector<16xf32>
        %add3A_249 = arith.addf %add3A_235, %mul3A_248 : vector<16xf32>
        %mul3A_250 = arith.mulf %mul3A_238, %gather3A_247 : vector<16xf32>
        %add3A_251 = arith.addf %add3A_237, %mul3A_250 : vector<16xf32>
        %mul3A_252 = arith.mulf %add3A_249, %get3A_93 : vector<16xf32>
        %mul3A_253 = arith.constant 16 : i32
        %mul3A_254 = arith.muli %scan3A_78, %mul3A_253 : i32
        %swap3A = arith.index_cast %mul3A_254 : i32 to index
        %swap3A_255 = tpu.vector_load %arg31[%swap3A] {strides = array<i32>} : memref<512xf32, #tpu.memory_space<vmem>>, vector<16xf32>,
        tpu.vector_store %arg31[%swap3A], %mul3A_252 {strides = array<i32>} : memref<512xf32, #tpu.memory_space<vmem>>, vector<16xf32>,
        %mul3A_256 = arith.mulf %add3A_251, %get3A_93 : vector<16xf32>
        %mul3A_257 = arith.constant 16 : i32
        %mul3A_258 = arith.muli %scan3A_78, %mul3A_257 : i32
        %swap3A_259 = arith.index_cast %mul3A_258 : i32 to index
        %swap3A_260 = tpu.vector_load %arg32[%swap3A_259] {strides = array<i32>} : memref<512xf32, #tpu.memory_space<vmem>>, vector<16xf32>,
        tpu.vector_store %arg32[%swap3A_259], %mul3A_256 {strides = array<i32>} : memref<512xf32, #tpu.memory_space<vmem>>, vector<16xf32>,
      }
      %scan3A_77 = arith.constant 32 : i32
      "tpu.region"() ({
        %run_scoped3A = tpu.sem_alloc : memref<!tpu.dma_semaphore, #tpu.memory_space<semaphore_mem>>
        %dma_start3A = tpu.memref_slice %arg6[%add3A_64] : memref<1048576xf32, #tpu.memory_space<hbm>> -> memref<512xf32, #tpu.memory_space<hbm>>
        %dma_start3A_78 = tpu.memref_slice %arg6[%add3A_64] : memref<1048576xf32, #tpu.memory_space<hbm>> -> memref<512xf32, #tpu.memory_space<hbm>>
        tpu.enqueue_dma source(%arg31 : memref<512xf32, #tpu.memory_space<vmem>>) target(%dma_start3A_78 : memref<512xf32, #tpu.memory_space<hbm>>) target_semaphore(%run_scoped3A : memref<!tpu.dma_semaphore, #tpu.memory_space<semaphore_mem>>)
        %dma_wait3A_79 = tpu.memref_slice %arg6[%add3A_64] : memref<1048576xf32, #tpu.memory_space<hbm>> -> memref<512xf32, #tpu.memory_space<hbm>>
        %dma_wait3A_80 = tpu.memref_slice %arg6[%add3A_64] : memref<1048576xf32, #tpu.memory_space<hbm>> -> memref<512xf32, #tpu.memory_space<hbm>>
        tpu.wait_dma2 semaphore(%run_scoped3A : memref<!tpu.dma_semaphore, #tpu.memory_space<semaphore_mem>>) src(%arg31 : memref<512xf32, #tpu.memory_space<vmem>>) dst(%dma_wait3A_80 : memref<512xf32, #tpu.memory_space<hbm>>)
        tpu.yield
      }) : () -> ()
      "tpu.region"() ({
        %run_scoped3A = tpu.sem_alloc : memref<!tpu.dma_semaphore, #tpu.memory_space<semaphore_mem>>
        %dma_start3A = tpu.memref_slice %arg7[%add3A_64] : memref<1048576xf32, #tpu.memory_space<hbm>> -> memref<512xf32, #tpu.memory_space<hbm>>
        %dma_start3A_78 = tpu.memref_slice %arg7[%add3A_64] : memref<1048576xf32, #tpu.memory_space<hbm>> -> memref<512xf32, #tpu.memory_space<hbm>>
        tpu.enqueue_dma source(%arg32 : memref<512xf32, #tpu.memory_space<vmem>>) target(%dma_start3A_78 : memref<512xf32, #tpu.memory_space<hbm>>) target_semaphore(%run_scoped3A : memref<!tpu.dma_semaphore, #tpu.memory_space<semaphore_mem>>)
        %dma_wait3A_79 = tpu.memref_slice %arg7[%add3A_64] : memref<1048576xf32, #tpu.memory_space<hbm>> -> memref<512xf32, #tpu.memory_space<hbm>>
        %dma_wait3A_80 = tpu.memref_slice %arg7[%add3A_64] : memref<1048576xf32, #tpu.memory_space<hbm>> -> memref<512xf32, #tpu.memory_space<hbm>>
        tpu.wait_dma2 semaphore(%run_scoped3A : memref<!tpu.dma_semaphore, #tpu.memory_space<semaphore_mem>>) src(%arg32 : memref<512xf32, #tpu.memory_space<vmem>>) dst(%dma_wait3A_80 : memref<512xf32, #tpu.memory_space<hbm>>)
        tpu.yield
      }) : () -> ()
    }
    %scan3A_21 = arith.constant 32 : i32
    return
  }
}

module attributes {stable_mosaic.version = 14 : i64} {
  func.func @_ilv_body(%arg0: i32, %arg1: memref<1024x128xf32, #tpu.memory_space<vmem>>, %arg2: memref<256x128xf32, #tpu.memory_space<vmem>>, %arg3: memref<256x128xf32, #tpu.memory_space<vmem>>, %arg4: memref<1024x128xf32, #tpu.memory_space<vmem>>) attributes {dimension_semantics = [#tpu.dimension_semantics<arbitrary>], iteration_bounds = array<i64: 256>, scalar_prefetch = 0 : i64, scratch_operands = 0 : i64, tpu.core_type = #tpu.core_type<tc>, window_params = [{transform_indices = @transform_0, window_bounds = array<i64: 1024, 128>}, {pipeline_mode = #tpu.pipeline_mode<synchronous>, transform_indices = @transform_1, window_bounds = array<i64: 256, 128>}, {pipeline_mode = #tpu.pipeline_mode<synchronous>, transform_indices = @transform_2, window_bounds = array<i64: 256, 128>}, {transform_indices = @transform_3, window_bounds = array<i64: 1024, 128>}]} {
    %get3A = arith.constant 0 : index
    %get3A_0 = arith.constant 0 : index
    %get3A_1 = vector.load %arg1[%get3A, %get3A_0] : memref<1024x128xf32, #tpu.memory_space<vmem>>, vector<1024x128xf32>
    %slice3A = vector.extract_strided_slice %get3A_1 {offsets = [1, 0], sizes = [1023, 128], strides = [1, 1]} : vector<1024x128xf32> to vector<1023x128xf32>
    %slice3A_2 = vector.extract_strided_slice %get3A_1 {offsets = [0, 0], sizes = [1, 128], strides = [1, 1]} : vector<1024x128xf32> to vector<1x128xf32>
    %concatenate3A = tpu.concatenate %slice3A, %slice3A_2 in 0 : vector<1023x128xf32>, vector<1x128xf32> -> vector<1024x128xf32>
    %slice3A_3 = vector.extract_strided_slice %get3A_1 {offsets = [1023, 0], sizes = [1, 128], strides = [1, 1]} : vector<1024x128xf32> to vector<1x128xf32>
    %slice3A_4 = vector.extract_strided_slice %get3A_1 {offsets = [0, 0], sizes = [1023, 128], strides = [1, 1]} : vector<1024x128xf32> to vector<1023x128xf32>
    %concatenate3A_5 = tpu.concatenate %slice3A_3, %slice3A_4 in 0 : vector<1x128xf32>, vector<1023x128xf32> -> vector<1024x128xf32>
    %concatenate3A_6 = tpu.concatenate %get3A_1, %concatenate3A in 1 : vector<1024x128xf32>, vector<1024x128xf32> -> vector<1024x256xf32>
    %get3A_7 = arith.constant 0 : index
    %get3A_8 = arith.constant 0 : index
    %get3A_9 = vector.load %arg2[%get3A_7, %get3A_8] : memref<256x128xf32, #tpu.memory_space<vmem>>, vector<256x128xf32>
    %dot_general3A = arith.constant dense<0.000000e+00> : vector<1024x128xf32>
    %dot_general3A_10 = tpu.matmul %concatenate3A_6, %get3A_9, %dot_general3A {dimension_numbers = #tpu.dot_dimension_numbers<[1], [0], [0], [1], [0, 0, 1, 1], [], []>, transpose_lhs_hint = false} : vector<1024x256xf32>, vector<256x128xf32>, vector<1024x128xf32> -> vector<1024x128xf32>
    %concatenate3A_11 = tpu.concatenate %concatenate3A_5, %get3A_1 in 1 : vector<1024x128xf32>, vector<1024x128xf32> -> vector<1024x256xf32>
    %get3A_12 = arith.constant 0 : index
    %get3A_13 = arith.constant 0 : index
    %get3A_14 = vector.load %arg3[%get3A_12, %get3A_13] : memref<256x128xf32, #tpu.memory_space<vmem>>, vector<256x128xf32>
    %dot_general3A_15 = arith.constant dense<0.000000e+00> : vector<1024x128xf32>
    %dot_general3A_16 = tpu.matmul %concatenate3A_11, %get3A_14, %dot_general3A_15 {dimension_numbers = #tpu.dot_dimension_numbers<[1], [0], [0], [1], [0, 0, 1, 1], [], []>, transpose_lhs_hint = false} : vector<1024x256xf32>, vector<256x128xf32>, vector<1024x128xf32> -> vector<1024x128xf32>
    %iota3A = tpu.iota {dimensions = array<i32: 0>} : vector<1024x128xi32>
    %and3A = arith.constant 1 : i32
    %and3A_17 = vector.broadcast %and3A : i32 to vector<1024x128xi32>
    %and3A_18 = arith.andi %iota3A, %and3A_17 : vector<1024x128xi32>
    %eq3A = arith.constant 0 : i32
    %eq3A_19 = vector.broadcast %eq3A : i32 to vector<1024x128xi32>
    %eq3A_20 = arith.cmpi eq, %and3A_18, %eq3A_19 : vector<1024x128xi32>
    %select_n3A = arith.select %eq3A_20, %dot_general3A_10, %dot_general3A_16 : vector<1024x128xi1>, vector<1024x128xf32>
    %swap3A = arith.constant 0 : index
    %swap3A_21 = arith.constant 0 : index
    %swap3A_22 = vector.load %arg4[%swap3A, %swap3A_21] : memref<1024x128xf32, #tpu.memory_space<vmem>>, vector<1024x128xf32>
    tpu.vector_store %arg4[%swap3A, %swap3A_21], %select_n3A {strides = array<i32>} : memref<1024x128xf32, #tpu.memory_space<vmem>>, vector<1024x128xf32>,
    return
  }
  func.func @transform_0(%arg0: i32) -> (i32, i32) {
    %c0_i32 = arith.constant 0 : i32
    %c0_i32_0 = arith.constant 0 : i32
    return %arg0, %c0_i32 : i32, i32
  }
  func.func @transform_1(%arg0: i32) -> (i32, i32) {
    %c0_i32 = arith.constant 0 : i32
    %c0_i32_0 = arith.constant 0 : i32
    %c0_i32_1 = arith.constant 0 : i32
    return %c0_i32, %c0_i32_0 : i32, i32
  }
  func.func @transform_2(%arg0: i32) -> (i32, i32) {
    %c0_i32 = arith.constant 0 : i32
    %c0_i32_0 = arith.constant 0 : i32
    %c0_i32_1 = arith.constant 0 : i32
    return %c0_i32, %c0_i32_0 : i32, i32
  }
  func.func @transform_3(%arg0: i32) -> (i32, i32) {
    %c0_i32 = arith.constant 0 : i32
    %c0_i32_0 = arith.constant 0 : i32
    return %arg0, %c0_i32 : i32, i32
  }
}

</mosaic_0001>

<sc_bundles>
// kernel: kernel.4.cloned.1.call-start
scs
__scs_entry_jumppad:
0x0: {  	(pc) =	sbr.rel $0x88, $3  }
0x1: {  	(tag) =	ssettag $0x0;
	lr =	simm.s32 $0x1  }
0x2: {  	[smem:$0x3F9F] =	sst lr;
	_ =	strace $0xD0000000  }
0x3: {  	_ = 	snop  }
0x4: {  	_ = 	snop  }
0x5: {  	_ = 	snop  }
0x6: {  	_ = 	snop  }
0x7: {  	_ = 	snop  }
__scs_overlays_trampoline_lowered:
0x8: {  	[smem:$0x3FAE] =	sst s0  }
0x9: {  	[smem:$0x3FAF] =	sst s1  }
0xa: {  	[smem:$0x3FB0] =	sst s2  }
0xb: {  	[smem:$0x3FB1] =	sst s3  }
0xc: {  	[smem:$0x3FB2] =	sst s4  }
0xd: {  	[smem:$0x3FB3] =	sst s5  }
0xe: {  	[smem:$0x3FB4] =	sst s6  }
0xf: {  	[smem:$0x3FB5] =	sst s7  }
0x10: {  	[smem:$0x3FB6] =	sst s8  }
0x11: {  	[smem:$0x3FB7] =	sst s9;
	s0 =	simm.s32 @!p0 $0x0  }
0x12: {  	s1 =	sld [smem:$0x3F9D];
	s0 =	simm.s32 @p0 $0x1  }
0x13: {  	[smem:$0x3FB8] =	sst s0;
	s0 =	simm.s32 @!p1 $0x0  }
0x14: {  	s2 =	sld [smem:$0x3F9C];
	s0 =	simm.s32 @p1 $0x1  }
0x15: {  	[smem:$0x3FB9] =	sst s0;
	s0 =	simm.s32 @!p2 $0x0  }
0x16: {  	s3 =	sld [smem:$0x3FDB];
	s0 =	simm.s32 @p2 $0x1  }
0x17: {  	s4 =	simm.s32 $0x1BF5;
	[smem:$0x3FBB] =	sst s0  }
0x18: {  	s0 =	sld [smem:$0x3F9E];
	_ =	swait.ge [sflag:s4], $0x0  }
0x19: {  	s7 =	sld [smem:$0x3F9F]  }
0x1a: {  	s8 =	sadd.s32 $0xFFFFE003, lr  }
0x1b: {  	s9 =	sadd.s32 $0xFFFFFEF7, lr;
	s5 =	simm.s32 $0xFFFFFFFF;
	p2 =	slt.u32 s8, $0xFFFFF086  }
0x1c: {  	p1 =	slt.u32 s9, $0xF7A;
	s5 =	simm.s32 @!p2 $0x0  }
0x1d: {  	s5 =	simm.s32 @p1 $0x1;
	p0 =	seq.s32 s7, s2  }
0x1e: {  	s7 =	smul.u32 @!p0 $0xF7A, s2;
	p2 =	seq.s32 @!p0 s5, $0x0  }
0x1f: {  	s9 =	smul.u32 $0xF7A, s1;
	s8 =	simm.s32 @!p0 $0x1BF5;
	p2 =	por !p2, p0  }
0x20: {  	[sflag:s8] =	ssyncset.s32 @!p0 $0xFFFFF086;
	s6 =	sadd.s32 @!p0 s3, s7;
	s7 =	simm.s32 @!p0 $0x108  }
0x21: {  	s3 =	sadd.s32 s3, s9;
	s6 =	sadd.s32 @!p0 $0x88, s6;
	s7 =	simm.s32 @p2 $0x1082  }
0x22: {  	[simem:s7], [sflag:s8] =	dma.local @!p0 [hbm:s6], $0xF7A  }
0x23: {  	s9 =	sor.u32 $0xD0000000, s2;
	s6 =	simm.s32 $0x108;
	_ =	swait.ge @!p0 [sflag:s8], $0x0  }
0x24: {  	s3 =	sadd.s32 $0x88, s3;
	s6 =	simm.s32 @!p1 $0x1082;
	[sflag:s4] =	ssyncset.s32 $0xFFFFF086  }
0x25: {  	[simem:s6], [sflag:s4] =	dma.local [hbm:s3], $0xF7A  }
0x26: {  	[smem:$0x3F9F] =	sst s1;
	(tag) =	ssettag s2;
	_ =	strace s9  }
0x27: {  	s1 =	sld [smem:$0x3FAF]  }
0x28: {  	s2 =	sld [smem:$0x3FB0]  }
0x29: {  	s4 =	sld [smem:$0x3FB2]  }
0x2a: {  	p0 =	seq.s32 s5, $0x0;
	s5 =	sld [smem:$0x3FB3]  }
0x2b: {  	s6 =	sld [smem:$0x3FB4]  }
0x2c: {  	s7 =	sld [smem:$0x3FB5]  }
0x2d: {  	s3 =	simm.s32 $0x108;
	s8 =	sld [smem:$0x3FB6]  }
0x2e: {  	s3 =	simm.s32 @!p0 $0x1082;
	s9 =	sld [smem:$0x3FB7]  }
0x2f: {  	lr =	sadd.s32 s0, s3;
	s0 =	sld [smem:$0x3FAE]  }
0x30: {  	s3 =	sld [smem:$0x3FB1]  }
0x31: {  	[smem:$0x3FBA] =	sst s10  }
0x32: {  	s10 =	sld [smem:$0x3FB8];
	_ =	sdelay $0x3  }
0x33: {  	p0 =	seq.s32 s10, $0x1;
	s10 =	sld [smem:$0x3FBA];
	_ =	sdelay $0x3  }
0x34: {  	[smem:$0x3FBA] =	sst s10  }
0x35: {  	s10 =	sld [smem:$0x3FB9];
	_ =	sdelay $0x3  }
0x36: {  	p1 =	seq.s32 s10, $0x1;
	s10 =	sld [smem:$0x3FBA];
	_ =	sdelay $0x3  }
0x37: {  	[smem:$0x3FBA] =	sst s10  }
0x38: {  	s10 =	sld [smem:$0x3FBB]  }
0x39: {  	_ = 	snop;
	(pc) =	sbr.ind lr, $3  }
0x3a: {  	_ = 	snop  }
0x3b: {  	_ = 	snop  }
0x3c: {  	p2 =	seq.s32 s10, $0x1;
	s10 =	sld [smem:$0x3FBA]  }
0x3d: {  	_ =	shalt  }
0x3e: {  	_ =	shalt  }
0x3f: {  	_ =	shalt  }
0x40: {  	_ =	shalt  }
0x41: {  	_ =	shalt  }
0x42: {  	_ =	shalt  }
0x43: {  	_ =	shalt  }
0x44: {  	_ =	shalt  }
0x45: {  	_ =	shalt  }
0x46: {  	_ =	shalt  }
0x47: {  	_ =	shalt  }
0x48: {  	_ =	shalt  }
0x49: {  	_ =	shalt  }
0x4a: {  	_ =	shalt  }
0x4b: {  	_ =	shalt  }
0x4c: {  	_ =	shalt  }
0x4d: {  	_ =	shalt  }
0x4e: {  	_ =	shalt  }
0x4f: {  	_ =	shalt  }
0x50: {  	_ =	shalt  }
0x51: {  	_ =	shalt  }
0x52: {  	_ =	shalt  }
0x53: {  	_ =	shalt  }
0x54: {  	_ =	shalt  }
0x55: {  	_ =	shalt  }
0x56: {  	_ =	shalt  }
0x57: {  	_ =	shalt  }
0x58: {  	_ =	shalt  }
0x59: {  	_ =	shalt  }
0x5a: {  	_ =	shalt  }
0x5b: {  	_ =	shalt  }
0x5c: {  	_ =	shalt  }
0x5d: {  	_ =	shalt  }
0x5e: {  	_ =	shalt  }
0x5f: {  	_ =	shalt  }
0x60: {  	_ =	shalt  }
0x61: {  	_ =	shalt  }
0x62: {  	_ =	shalt  }
0x63: {  	_ =	shalt  }
0x64: {  	_ =	shalt  }
0x65: {  	_ =	shalt  }
0x66: {  	_ =	shalt  }
0x67: {  	_ =	shalt  }
0x68: {  	_ =	shalt  }
0x69: {  	_ =	shalt  }
0x6a: {  	_ =	shalt  }
0x6b: {  	_ =	shalt  }
0x6c: {  	_ =	shalt  }
0x6d: {  	_ =	shalt  }
0x6e: {  	_ =	shalt  }
0x6f: {  	_ =	shalt  }
0x70: {  	_ =	shalt  }
0x71: {  	_ =	shalt  }
0x72: {  	_ =	shalt  }
0x73: {  	_ =	shalt  }
0x74: {  	_ =	shalt  }
0x75: {  	_ =	shalt  }
0x76: {  	_ =	shalt  }
0x77: {  	_ =	shalt  }
0x78: {  	_ =	shalt  }
0x79: {  	_ =	shalt  }
0x7a: {  	_ =	shalt  }
0x7b: {  	_ =	shalt  }
0x7c: {  	_ =	shalt  }
0x7d: {  	_ =	shalt  }
0x7e: {  	_ =	shalt  }
0x7f: {  	_ =	shalt  }
0x80: {  	_ =	shalt  }
0x81: {  	_ =	shalt  }
0x82: {  	_ =	shalt  }
0x83: {  	_ =	shalt  }
0x84: {  	_ =	shalt  }
0x85: {  	_ =	shalt  }
0x86: {  	_ =	shalt  }
0x87: {  	_ =	shalt  }
.Lfunc_end0:
.L_simem_size_0:
called_computation_lowered:
.L_overlay_start_0:
0x88: {  	s2 =	sld [smem:$0x3FD9]  }
0x89: {  	s3 =	sld [smem:$0x3FFE];
	_ =	sdelay $0x1  }
0x8a: {  	s1 =	srdreg.scid  }
0x8b: {  	s0 =	sand.u32 $0x1, s1  }
0x8c: {  	s14 =	sshll.u32 s0, $0xA;
	s2 =	sadd.s32 s3, s2  }
0x8d: {  	s2 =	sadd.s32 s2, s14  }
0x8e: {  	[smem:$0x3FC6] =	sst s2  }
0x8f: {  	_ = 	snop  }
0x90: {  	s2 =	sld [smem:$0x3FD0];
	_ =	sdelay $0x2  }
0x91: {  	s15 =	simm.s32 $0xA;
	s4 =	simm.s32 $0x10  }
0x92: {  	[smem:s4], [sflag:s15] =	dma.local [hbm:s2], $0x1  }
0x93: {  	_ =	swait.eq [sflag:s15], $0x1  }
0x94: {  	[sflag:s15] =	ssyncset.done $0x0  }
0x95: {  	s16 =	sld [smem:$0x10];
	[sflag:s15] =	ssyncadd.s32 $0xFFFFFFFF  }
0x96: {  	s17 =	sld [smem:$0x11];
	(tm) =	ssettm $0x1  }
0x97: {  	s18 =	sld [smem:$0x3FFB];
	_ =	sdelay $0x3  }
0x98: {  	_ =	strace s18  }
0x99: {  	s4 =	sld [smem:$0x3FFC];
	_ =	sdelay $0x3  }
0x9a: {  	_ =	strace s4  }
0x9b: {  	s4 =	sld [smem:$0x3FFD];
	_ =	sdelay $0x3  }
0x9c: {  	_ =	strace s4  }
0x9d: {  	_ =	strace $0x8FFFFFFF  }
0x9e: {  	s19 =	sld [smem:$0x3FDB];
	_ =	sdelay $0x1  }
0x9f: {  	s5 =	simm.s32 $_scs_section_size  }
0xa0: {  	s6 =	simm.s32 $_size__tile_overlayer_lowered;
	s7 =	simm.s32 $_tile_overlayer_lowered  }
0xa1: {  	s22 =	simm.s32 $0x1BFF;
	s21 =	sshll.u32 s7, $0x1;
	s4 =	sadd.s32 s5, s19  }
0xa2: {  	s8 =	simm.s32 $0x0;
	s20 =	sshll.u32 s6, $0x1;
	s6 =	sadd.s32 s21, s4  }
0xa3: {  	[timem:s8], [sflag:s22] =	dma.local [hbm:s6], s20  }
0xa4: {  	_ =	swait.ge [sflag:s22], s20  }
0xa5: {  	s5 =	ssub.s32 $0x0, s20;
	[sflag:s22] =	ssyncset.done $0x0  }
0xa6: {  	[sflag:s22] =	ssyncadd.s32 s5;
	_ =	sdelay $0x1  }
0xa7: {  	s23 =	simm.s32 $0x1B8B  }
0xa8: {  	_ =	swait.ge [sflag:s23], $0x1  }
0xa9: {  	[sflag:s23] =	ssyncset.done $0x0  }
0xaa: {  	s25 =	simm.s32 $0x1B8E;
	s24 =	sld [smem:$0x3FFE];
	[sflag:s23] =	ssyncadd.s32 $0xFFFFFFFF  }
0xab: {  	s26 =	simm.s32 $execute0_lowered;
	[smem:$0x3FD2] =	sst s25  }
0xac: {  	s6 =	sshll.u32 s26, $0x1;
	_ =	strace $0x80000046;
	[dreg:$0x1] =	wrdreg $0xFFFFFFFF  }
0xad: {  	s28 =	simm.s32 $_size_execute0_lowered;
	s4 =	sadd.s32 s4, s6;
	[dreg:$0x0] =	wrdreg $0x0  }
0xae: {  	s6 =	sshll.u32 s28, $0x1;
	[dreg:$0x2] =	wrdreg s4  }
0xaf: {  	[dreg:$0x3] =	wrdreg s6  }
0xb0: {  	[dreg:$0x4] =	wrdreg $0xC0  }
0xb1: {  	_ =	task [dreg:s8], $0x5FFFF  }
0xb2: {  	[dreg:$0x1] =	wrdreg $0xFFFFFFFF  }
0xb3: {  	[dreg:$0x0] =	wrdreg $0x60  }
0xb4: {  	[dreg:$0x2] =	wrdreg s24  }
0xb5: {  	[dreg:$0x3] =	wrdreg s16  }
0xb6: {  	[dreg:$0x4] =	wrdreg s17  }
0xb7: {  	[dreg:$0x5] =	wrdreg $0x9  }
0xb8: {  	_ =	task.clear_ibuf [dreg:s8], $0x6FFFF;
	_ =	strace $0x90000046  }
0xb9: {  	s29 =	simm.s32 $0x9;
	_ =	strace $0x80000048  }
0xba: {  	_ =	swait.ge [sflag:s29], $0x1  }
0xbb: {  	[sflag:s29] =	ssyncadd.s32 $0xFFFFFFFF  }
0xbc: {  	_ =	strace $0x90000048  }
0xbd: {  	_ =	sfence  }
0xbe: {  	s30 =	sld [smem:$0x0];
	_ =	sdelay $0x2  }
0xbf: {  	s31 =	sshll.u32 s1, $0xD;
	s1 =	sshrl.u32 s1, $0x2  }
0xc0: {  	s3 =	sand.u32 $0x4000, s31;
	s1 =	sadd.s32 s1, s30  }
0xc1: {  	s0 =	sor.u32 s3, s0;
	s1 =	sshll.u32 s1, $0x11  }
0xc2: {  	s0 =	sor.u32 s1, s0  }
0xc3: {  	s0 =	sadd.s32 $0x8F2B, s0  }
0xc4: {  	[sflag:s0] =	ssyncadd.remote.s32 $0x1  }
0xc5: {  	_ =	sfence.sel $0xFFFF  }
0xc6: {  	[dreg:$0x0] =	wrdreg $0xFFFFFFFF;
	(pc) =	sbr.abs _section_cstart, $3  }
0xc7: {  	[dreg:$0x1] =	wrdreg $0xFFFFFFFF  }
0xc8: {  	_ =	task.clear_ibuf [dreg:s8], $0x2FFFF;
	_ =	strace $0x9FFFFFFF  }
0xc9: {  	(tm) =	ssettm $0x7FFFFFFF  }
tec
execute0_lowered:
.L_overlay_start_1:
0x0: {  	(tag) =	ssettag $0x1  }
0x1: {  	s0 =	rddreg [dreg:$0x0]  }
0x2: {  	s1 =	simm.s32 $0x0;
	s24 =	srdreg.scid;
	s2 =	stileid.u32  }
0x3: {  	s14 =	simm.s32 $0x3;
	s18 =	simm.s32 $0x1000;
	s17 =	simm.s32 $0x80  }
0x4: {  	[smem:$0x7FF] =	sst s1;
	s4 =	sadd.s32 $0x40E00, s0;
	s1 =	sand.u32 $0x1, s24  }
0x5: {  	s5 =	sadd.s32 $0x20E00, s0;
	_ =	strace $0x80000047;
	[dreg:$0x4] =	wrdreg s4  }
0x6: {  	s2 =	sshll.u32 s2, $0x10;
	s6 =	sadd.s32 $0xE00, s0;
	[dreg:$0x5] =	wrdreg s5  }
0x7: {  	s9 =	sadd.s32 $0x60E00, s0;
	s3 =	sshll.u32 s1, $0xF;
	[dreg:$0x6] =	wrdreg s6  }
0x8: {  	s23 =	simm.s32 $0xB400;
	[dreg:$0x8] =	wrdreg s9;
	s3 =	sor.u32 s3, s2  }
0x9: {  	v0 =	vlaneseq.u32;
	s2 =	sshrl.u32 s3, $0x3;
	[dreg:$0x7] =	wrdreg s3;
	s31 =	sor.u32 $0x400, s3  }
0xa: {  	v0 =	vmul.u32 $0x8, v0;
	s1 =	ssub.s32 $0x2, s1;
	s26 =	sadd.s32 s4, s2;
	[dreg:$0xc] =	wrdreg s31  }
0xb: {  	s25 =	sshrl.u32 s1, $0x1;
	s28 =	sadd.s32 s5, s2;
	[dreg:$0x9] =	wrdreg s26  }
0xc: {  	v1 =	vimm.f32 $0.0e+00;
	v2 =	vor.u32 $0x1, v0;
	s0 =	ssub.s32 s1, s25;
	s29 =	sadd.s32 s6, s2;
	[dreg:$0xa] =	wrdreg s28  }
0xd: {  	s30 =	simm.s32 $0xC400;
	v3 =	vor.u32 $0x2, v0;
	v4 =	vor.u32 $0x3, v0;
	v5 =	vor.u32 $0x4, v0;
	s0 =	smax.u32 s0, $0x1;
	[dreg:$0xb] =	wrdreg s29  }
0xe: {  	v6 =	vor.u32 $0x5, v0;
	v7 =	vor.u32 $0x6, v0;
	v8 =	vor.u32 $0x7, v0;
	s25 =	simm.s32 $0x2000;
	s1 =	simm.s32 $0x0;
	[dreg:$0xd] =	wrdreg s0  }
.LBB2_1:
0xf: {  	[dreg:$0xe] =	wrdreg s1  }
0x10: {  	s0 =	simm.s32 $0x0;
	s26 =	rddreg [dreg:$0x9]  }
0x11: {  	[tilespmem:s0], [sflag:$0x3] =	stream.linear.gather [hbm4b:s26+s0], $0x200, $0x38;
	[tilespmem:$0x14800] =	vst v63  }
0x12: {  	_ =	swait.ge [sflag:s14], $0x200  }
0x13: {  	[sflag:s14] =	ssyncset.done $0x0  }
0x14: {  	s2 =	simm.s32 $0x200;
	s28 =	rddreg [dreg:$0xa];
	[sflag:s14] =	ssyncadd.s32 $0xFFFFFE00  }
0x15: {  	[tilespmem:s2], [sflag:$0x3] =	stream.linear.gather [hbm4b:s28+s0], $0x200, $0x38;
	[tilespmem:$0x14800] =	vst v63  }
0x16: {  	_ =	swait.ge [sflag:s14], $0x200  }
0x17: {  	[sflag:s14] =	ssyncset.done $0x0  }
0x18: {  	s31 =	simm.s32 $0x400;
	s29 =	rddreg [dreg:$0xb];
	[sflag:s14] =	ssyncadd.s32 $0xFFFFFE00  }
0x19: {  	[tilespmem:s31], [sflag:$0x3] =	stream.linear.gather [hbm4b:s29+s0], $0x200, $0x38;
	[tilespmem:$0x14800] =	vst v63  }
0x1a: {  	_ =	swait.ge [sflag:s14], $0x200  }
0x1b: {  	[sflag:s14] =	ssyncset.done $0x0  }
0x1c: {  	s7 =	simm.s32 $0x0;
	[sflag:s14] =	ssyncadd.s32 $0xFFFFFE00  }
0x1d: {  	v15 =	vld [tilespmem:s7+$0x200]  }
0x1e: {  	v16 =	vld [tilespmem:s7+$0x0]  }
0x1f: {  	s3 =	simm.s32 $0x40;
	s4 =	simm.s32 $0x0;
	v17 =	vld [tilespmem:s7+$0x400]  }
0x20: {  	s8 =	simm.s32 $0x1;
	s10 =	simm.s32 $0x1080;
	v12 =	vor.u32 s4, v2;
	s2 =	simm.s32 $0x80  }
0x21: {  	s11 =	simm.s32 $0x2400;
	s12 =	simm.s32 $0x80;
	s5 =	simm.s32 $0x2000;
	v14 =	vor.u32 s4, v0;
	v13 =	vor.u32 s4, v3;
	v9 =	vor.u32 s2, v2  }
0x22: {  	s6 =	simm.s32 $0x1000;
	s1 =	simm.s32 $0x2400;
	v11 =	vor.u32 s2, v0;
	v10 =	vor.u32 s2, v3;
	s0 =	simm.s32 $0x1080;
	v15 =	vmul.f32 $2.550000000e+02, v15  }
.LBB2_2:
0x23: {  	s8 =	sadd.s32 $0x1, s8;
	s10 =	sadd.s32 $0x80, s10;
	s11 =	sadd.s32 $0x400, s11;
	v16 =	vmul.f32 $2.550000000e+02, v16  }
0x24: {  	p0 =	sne.s32 s12, $0x7C0;
	s13 =	smov.u32 s12;
	s12 =	sadd.s32 $0x40, s12;
	v18 =	vmax.f32 v15, $0.0e+00;
	v17 =	vmul.f32 $2.550000000e+02, v17;
	vm0 =	vge.f32 v15, $0.0e+00  }
0x25: {  	v19 =	vmax.f32 v16, $0.0e+00;
	v18 =	vmin.f32 v18, $2.540000000e+02;
	vm1 =	vle.f32 v16, $2.550000000e+02  }
0x26: {  	vm2 =	vle.f32 v15, $2.550000000e+02;
	v18 =	vtrunc.f32 v18;
	v20 =	vmax.f32 v17, $0.0e+00  }
0x27: {  	v19 =	vmin.f32 v19, $2.540000000e+02;
	v18 =	vcvt.f32.s32 v18;
	v20 =	vmin.f32 v20, $2.540000000e+02  }
0x28: {  	vm3 =	vge.f32 v16, $0.0e+00;
	v19 =	vtrunc.f32 v19;
	v20 =	vtrunc.f32 v20  }
0x29: {  	vm0 =	vmand vm3, vm0;
	v21 =	vcvt.s32.f32 v18;
	v20 =	vcvt.f32.s32 v20  }
0x2a: {  	vm0 =	vmand vm0, vm1;
	vm1 =	vle.f32 v17, $2.550000000e+02;
	v19 =	vcvt.f32.s32 v19  }
0x2b: {  	v18 =	vshll.u32 v18, $0x8;
	v15 =	vsub.f32 v15, v21;
	v21 =	vcvt.s32.f32 v20  }
0x2c: {  	v22 =	vcvt.s32.f32 v19;
	v19 =	vshll.u32 v19, $0x10;
	v23 =	vand.u32 $0x3, v20  }
0x2d: {  	vm3 =	vge.f32 v17, $0.0e+00;
	v21 =	vsub.f32 v17, v21;
	v17 =	vadd.s32 v19, v18  }
0x2e: {  	vm0 =	vmand vm2, vm0;
	v16 =	vsub.f32 v16, v22;
	[tilespmem:s7+$0xE00] =	vst v23;
	v17 =	vadd.s32 v20, v17  }
0x2f: {  	vm0 =	vmand vm3, vm0;
	[tilespmem:s7+$0x800] =	vst v15;
	v15 =	vadd.s32 $0x100, v17;
	v18 =	vadd.s32 $0x10000, v17  }
0x30: {  	vm0 =	vmand vm1, vm0;
	v19 =	vadd.s32 $0x10100, v17;
	[tilespmem:s7+$0xA00] =	vst v21  }
0x31: {  	v20 =	vor.u32 s4, v4;
	v17 =	vshrl.u32 v17, $0x2;
	[tilespmem:s7+$0x600] =	vst v16;
	v16 =	vsel vm0, $0x3F800000, v1  }
0x32: {  	v21 =	vor.u32 s4, v5;
	[tilespmem:s7+$0xC00] =	vst v16;
	v16 =	vmin.u32 v17, $0x3FFFFE  }
0x33: {  	v15 =	vshrl.u32 v15, $0x2;
	v16 =	vadd.s32 $0x1, v16;
	[tilespmem:v14+s18+$0x0] =	vst.idx.msk $0xffff, v17;
	v17 =	vor.u32 s4, v6;
	v14 =	vmovc v11  }
0x34: {  	v11 =	vmin.u32 v15, $0x3FFFFE;
	[tilespmem:v12+s18+$0x0] =	vst.idx.msk $0xffff, v16;
	v16 =	vor.u32 s4, v7;
	v12 =	vmov v9  }
0x35: {  	v9 =	vadd.s32 $0x1, v11;
	v11 =	vshrl.u32 v18, $0x2;
	[tilespmem:v13+s18+$0x0] =	vst.idx.msk $0xffff, v15;
	v15 =	vor.u32 s4, v8;
	v13 =	vmovc v10;
	s4 =	smov.u32 s2  }
0x36: {  	[tilespmem:v20+s18+$0x0] =	vst.idx.msk $0xffff, v9;
	v9 =	vmin.u32 v11, $0x3FFFFE  }
0x37: {  	v10 =	vshrl.u32 v19, $0x2;
	v9 =	vadd.s32 $0x1, v9;
	[tilespmem:v21+s18+$0x0] =	vst.idx.msk $0xffff, v11  }
0x38: {  	s2 =	sshll.u32 s8, $0x7;
	[tilespmem:v17+s18+$0x0] =	vst.idx.msk $0xffff, v9;
	v9 =	vmin.u32 v10, $0x3FFFFE  }
0x39: {  	v11 =	vadd.s32 $0x1, v9;
	[tilespmem:v16+s18+$0x0] =	vst.idx.msk $0xffff, v10  }
0x3a: {  	s7 =	sshra.s32 s3, $0x2;
	s3 =	smov.u32 s13;
	v9 =	vor.u32 s2, v2;
	[tilespmem:v15+s18+$0x0] =	vst.idx.msk $0xffff, v11  }
0x3b: {  	v11 =	vor.u32 s2, v0;
	[tilespmem:s5], [sflag:$0x1] =	stream.indirect.gather [hbm4b:s9+s17], $0x8, s6, s17, $0xb8;
	[tilespmem:$0x14800] =	vst v63  }
0x3c: {  	v10 =	vor.u32 s2, v3;
	s6 =	smov.u32 s0;
	s0 =	smov.u32 s10;
	s5 =	smov.u32 s1;
	v15 =	vld [tilespmem:s7+$0x200]  }
.Ltmp0:
0x3d: {  	s1 =	smov.u32 s11;
	v16 =	vld [tilespmem:s7+$0x0];
	(pc) =	sbr.rel @p0 .LBB2_2-.Ltmp0, $2  }
0x3e: {  	v17 =	vld [tilespmem:s7+$0x400];
	_ =	sdelay $0x2  }
0x3f: {  	s13 =	simm.s32 $0x0;
	v15 =	vmul.f32 $2.550000000e+02, v15  }
0x40: {  	v16 =	vmul.f32 $2.550000000e+02, v16  }
0x41: {  	v18 =	vmax.f32 v15, $0.0e+00;
	v17 =	vmul.f32 $2.550000000e+02, v17  }
0x42: {  	vm0 =	vge.f32 v15, $0.0e+00;
	vm2 =	vle.f32 v15, $2.550000000e+02;
	v19 =	vmax.f32 v16, $0.0e+00  }
0x43: {  	v18 =	vmin.f32 v18, $2.540000000e+02;
	vm1 =	vle.f32 v16, $2.550000000e+02;
	vm3 =	vge.f32 v16, $0.0e+00  }
0x44: {  	v18 =	vtrunc.f32 v18;
	v20 =	vmax.f32 v17, $0.0e+00;
	v19 =	vmin.f32 v19, $2.540000000e+02  }
0x45: {  	vm0 =	vmand vm3, vm0;
	vm8 =	vle.f32 v17, $2.550000000e+02;
	vm9 =	vge.f32 v17, $0.0e+00  }
0x46: {  	v18 =	vcvt.f32.s32 v18;
	v20 =	vmin.f32 v20, $2.540000000e+02;
	v19 =	vtrunc.f32 v19  }
0x47: {  	vm0 =	vmand vm0, vm1;
	v20 =	vtrunc.f32 v20;
	v19 =	vcvt.f32.s32 v19  }
0x48: {  	vm0 =	vmand vm2, vm0;
	v21 =	vcvt.s32.f32 v18;
	v20 =	vcvt.f32.s32 v20  }
0x49: {  	v18 =	vshll.u32 v18, $0x8;
	vm0 =	vmand vm9, vm0;
	v22 =	vcvt.s32.f32 v19  }
0x4a: {  	v19 =	vshll.u32 v19, $0x10;
	vm0 =	vmand vm8, vm0;
	v23 =	vand.u32 $0x3, v20  }
0x4b: {  	v28 =	vsub.f32 v15, v21;
	v29 =	vcvt.s32.f32 v20;
	v32 =	vsel vm0, $0x3F800000, v1;
	[tilespmem:s7+$0xE00] =	vst v23  }
0x4c: {  	v30 =	vadd.s32 v19, v18;
	v16 =	vsub.f32 v16, v22;
	[tilespmem:s7+$0xC00] =	vst v32  }
0x4d: {  	v31 =	vadd.s32 v20, v30;
	v21 =	vsub.f32 v17, v29;
	[tilespmem:s7+$0x800] =	vst v28  }
0x4e: {  	v33 =	vor.u32 s4, v4;
	v17 =	vshrl.u32 v31, $0x2;
	[tilespmem:s7+$0x600] =	vst v16  }
0x4f: {  	v36 =	vor.u32 s4, v5;
	v34 =	vadd.s32 $0x100, v31;
	v35 =	vmin.u32 v17, $0x3FFFFE;
	[tilespmem:s7+$0xA00] =	vst v21  }
0x50: {  	v38 =	vor.u32 s4, v6;
	v37 =	vshrl.u32 v34, $0x2;
	v16 =	vadd.s32 $0x1, v35;
	[tilespmem:v14+s18+$0x0] =	vst.idx.msk $0xffff, v17  }
0x51: {  	v41 =	vor.u32 s4, v7;
	v39 =	vadd.s32 $0x10000, v31;
	v40 =	vmin.u32 v37, $0x3FFFFE;
	[tilespmem:v12+s18+$0x0] =	vst.idx.msk $0xffff, v16  }
0x52: {  	v43 =	vor.u32 s4, v8;
	v42 =	vshrl.u32 v39, $0x2;
	v12 =	vadd.s32 $0x1, v40;
	[tilespmem:v13+s18+$0x0] =	vst.idx.msk $0xffff, v37  }
0x53: {  	v15 =	vadd.s32 $0x10100, v31;
	v44 =	vmin.u32 v42, $0x3FFFFE;
	[tilespmem:v33+s18+$0x0] =	vst.idx.msk $0xffff, v12  }
0x54: {  	v45 =	vshrl.u32 v15, $0x2;
	v12 =	vadd.s32 $0x1, v44;
	[tilespmem:v36+s18+$0x0] =	vst.idx.msk $0xffff, v42  }
0x55: {  	v46 =	vmin.u32 v45, $0x3FFFFE;
	[tilespmem:v38+s18+$0x0] =	vst.idx.msk $0xffff, v12  }
0x56: {  	v12 =	vadd.s32 $0x1, v46;
	[tilespmem:v41+s18+$0x0] =	vst.idx.msk $0xffff, v45  }
0x57: {  	s3 =	sshra.s32 s3, $0x2;
	[tilespmem:v43+s18+$0x0] =	vst.idx.msk $0xffff, v12  }
0x58: {  	[tilespmem:s5], [sflag:$0x1] =	stream.indirect.gather [hbm4b:s9+s17], $0x8, s6, s17, $0xb8;
	[tilespmem:$0x14800] =	vst v63  }
0x59: {  	v12 =	vld [tilespmem:s3+$0x200]  }
0x5a: {  	v13 =	vld [tilespmem:s3+$0x0]  }
0x5b: {  	v14 =	vld [tilespmem:s3+$0x400];
	_ =	sdelay $0x2  }
0x5c: {  	v12 =	vmul.f32 $2.550000000e+02, v12  }
0x5d: {  	v13 =	vmul.f32 $2.550000000e+02, v13  }
0x5e: {  	v14 =	vmul.f32 $2.550000000e+02, v14;
	v47 =	vmax.f32 v12, $0.0e+00  }
0x5f: {  	vm10 =	vge.f32 v12, $0.0e+00;
	v48 =	vmax.f32 v13, $0.0e+00;
	vm11 =	vle.f32 v13, $2.550000000e+02  }
0x60: {  	v49 =	vmax.f32 v14, $0.0e+00;
	vm12 =	vle.f32 v12, $2.550000000e+02;
	vm13 =	vge.f32 v13, $0.0e+00  }
0x61: {  	vm15 =	vge.f32 v14, $0.0e+00;
	v15 =	vmin.f32 v47, $2.540000000e+02;
	v16 =	vmin.f32 v48, $2.540000000e+02  }
0x62: {  	v17 =	vmin.f32 v49, $2.540000000e+02;
	vm0 =	vmand vm13, vm10;
	v15 =	vtrunc.f32 v15  }
0x63: {  	v16 =	vtrunc.f32 v16;
	v17 =	vtrunc.f32 v17;
	vm0 =	vmand vm0, vm11  }
0x64: {  	v15 =	vcvt.f32.s32 v15;
	v17 =	vcvt.f32.s32 v17;
	vm0 =	vmand vm12, vm0  }
0x65: {  	vm14 =	vle.f32 v14, $2.550000000e+02;
	v16 =	vcvt.f32.s32 v16;
	vm0 =	vmand vm15, vm0  }
0x66: {  	v50 =	vcvt.s32.f32 v15;
	v51 =	vcvt.s32.f32 v17;
	v15 =	vshll.u32 v15, $0x8  }
0x67: {  	v52 =	vcvt.s32.f32 v16;
	v53 =	vand.u32 $0x3, v17;
	vm0 =	vmand vm14, vm0  }
0x68: {  	v16 =	vshll.u32 v16, $0x10;
	[tilespmem:s3+$0xE00] =	vst v53;
	v56 =	vsel vm0, $0x3F800000, v1;
	v12 =	vsub.f32 v12, v50  }
0x69: {  	v54 =	vadd.s32 v16, v15;
	v18 =	vsub.f32 v14, v51;
	[tilespmem:s3+$0xC00] =	vst v56  }
0x6a: {  	v13 =	vsub.f32 v13, v52;
	v55 =	vadd.s32 v17, v54;
	[tilespmem:s3+$0x800] =	vst v12  }
0x6b: {  	v57 =	vor.u32 s2, v4;
	v14 =	vshrl.u32 v55, $0x2;
	[tilespmem:s3+$0xA00] =	vst v18  }
0x6c: {  	v60 =	vor.u32 s2, v5;
	v58 =	vadd.s32 $0x100, v55;
	[tilespmem:s3+$0x600] =	vst v13;
	v59 =	vmin.u32 v14, $0x3FFFFE  }
0x6d: {  	v61 =	vor.u32 s2, v6;
	v13 =	vadd.s32 $0x1, v59;
	[tilespmem:v11+s18+$0x0] =	vst.idx.msk $0xffff, v14;
	v11 =	vshrl.u32 v58, $0x2  }
0x6e: {  	v63 =	vor.u32 s2, v7;
	v62 =	vadd.s32 $0x10000, v55;
	[tilespmem:v9+s18+$0x0] =	vst.idx.msk $0xffff, v13;
	v9 =	vmin.u32 v11, $0x3FFFFE  }
0x6f: {  	v9 =	vadd.s32 $0x1, v9;
	[tilespmem:v10+s18+$0x0] =	vst.idx.msk $0xffff, v11;
	v10 =	vshrl.u32 v62, $0x2;
	v11 =	vor.u32 s2, v8  }
0x70: {  	v12 =	vadd.s32 $0x10100, v55;
	[tilespmem:v57+s18+$0x0] =	vst.idx.msk $0xffff, v9;
	v9 =	vmin.u32 v10, $0x3FFFFE  }
0x71: {  	v9 =	vadd.s32 $0x1, v9;
	[tilespmem:v60+s18+$0x0] =	vst.idx.msk $0xffff, v10;
	v10 =	vshrl.u32 v12, $0x2  }
0x72: {  	[tilespmem:v61+s18+$0x0] =	vst.idx.msk $0xffff, v9;
	v9 =	vmin.u32 v10, $0x3FFFFE  }
0x73: {  	v9 =	vadd.s32 $0x1, v9;
	[tilespmem:v63+s18+$0x0] =	vst.idx.msk $0xffff, v10  }
0x74: {  	[tilespmem:v11+s18+$0x0] =	vst.idx.msk $0xffff, v9  }
0x75: {  	[tilespmem:s1], [sflag:$0x1] =	stream.indirect.gather [hbm4b:s9+s17], $0x8, s0, s17, $0xb8;
	[tilespmem:$0x14800] =	vst v63  }
0x76: {  	s0 =	simm.s32 $0x0  }
.LBB2_4:
0x77: {  	s1 =	sshll.u32 s0, $0xA;
	s19 =	rddreg [dreg:$0x7]  }
0x78: {  	[dreg:$0xf] =	wrdreg s0;
	s0 =	sor.u32 s1, s19  }
0x79: {  	s20 =	rddreg [dreg:$0x4];
	s0 =	sshrl.u32 s0, $0x3  }
0x7a: {  	[dreg:$0x11] =	wrdreg s1;
	s2 =	sor.u32 $0x40, s0  }
0x7b: {  	s21 =	simm.s32 $0xA400;
	[dreg:$0x12] =	wrdreg s0;
	s0 =	sadd.s32 s20, s2  }
0x7c: {  	[tilespmem:s21], [sflag:$0x3] =	stream.linear.gather [hbm4b:s0+s13], $0x200, $0x38;
	[tilespmem:$0x14800] =	vst v63  }
0x7d: {  	_ =	swait.ge [sflag:s14], $0x200  }
0x7e: {  	[sflag:s14] =	ssyncset.done $0x0;
	s22 =	rddreg [dreg:$0x5]  }
0x7f: {  	s24 =	simm.s32 $0xA600;
	[sflag:s14] =	ssyncadd.s32 $0xFFFFFE00;
	s0 =	sadd.s32 s22, s2  }
0x80: {  	[tilespmem:s24], [sflag:$0x3] =	stream.linear.gather [hbm4b:s0+s13], $0x200, $0x38;
	[tilespmem:$0x14800] =	vst v63  }
0x81: {  	_ =	swait.ge [sflag:s14], $0x200  }
0x82: {  	s28 =	simm.s32 $0xA800;
	[sflag:s14] =	ssyncset.done $0x0;
	s26 =	rddreg [dreg:$0x6]  }
0x83: {  	[dreg:$0x10] =	wrdreg s2;
	[sflag:s14] =	ssyncadd.s32 $0xFFFFFE00;
	s0 =	sadd.s32 s26, s2  }
0x84: {  	[tilespmem:s28], [sflag:$0x3] =	stream.linear.gather [hbm4b:s0+s13], $0x200, $0x38;
	[tilespmem:$0x14800] =	vst v63  }
0x85: {  	_ =	swait.ge [sflag:s14], $0x200  }
0x86: {  	[sflag:s14] =	ssyncset.done $0x0  }
0x87: {  	s29 =	simm.s32 $0x0;
	[sflag:s14] =	ssyncadd.s32 $0xFFFFFE00  }
0x88: {  	v9 =	vld [tilespmem:s29+$0xA400]  }
0x89: {  	v10 =	vld [tilespmem:s29+$0xA600]  }
0x8a: {  	v11 =	vld [tilespmem:s29+$0xA800];
	_ =	sdelay $0x3  }
0x8b: {  	s31 =	simm.s32 $0x0;
	v9 =	vmul.f32 $2.550000000e+02, v9;
	v10 =	vmul.f32 $2.550000000e+02, v10  }
0x8c: {  	v12 =	vor.u32 s31, v2;
	v13 =	vor.u32 s31, v0;
	v11 =	vmul.f32 $2.550000000e+02, v11  }
0x8d: {  	v14 =	vmax.f32 v9, $0.0e+00;
	vm0 =	vge.f32 v9, $0.0e+00;
	v15 =	vmax.f32 v10, $0.0e+00  }
0x8e: {  	vm1 =	vle.f32 v9, $2.550000000e+02;
	vm2 =	vle.f32 v10, $2.550000000e+02;
	v15 =	vmin.f32 v15, $2.540000000e+02  }
0x8f: {  	v16 =	vmax.f32 v11, $0.0e+00;
	vm3 =	vge.f32 v10, $0.0e+00;
	v15 =	vtrunc.f32 v15  }
0x90: {  	v14 =	vmin.f32 v14, $2.540000000e+02;
	v16 =	vmin.f32 v16, $2.540000000e+02;
	v15 =	vcvt.f32.s32 v15  }
0x91: {  	vm14 =	vge.f32 v11, $0.0e+00;
	v14 =	vtrunc.f32 v14;
	v16 =	vtrunc.f32 v16  }
0x92: {  	vm0 =	vmand vm0, vm3;
	v16 =	vcvt.f32.s32 v16;
	v17 =	vcvt.s32.f32 v15  }
0x93: {  	vm15 =	vle.f32 v11, $2.550000000e+02;
	vm0 =	vmand vm0, vm1;
	v14 =	vcvt.f32.s32 v14  }
0x94: {  	vm0 =	vmand vm2, vm0;
	v10 =	vsub.f32 v10, v17;
	v17 =	vcvt.s32.f32 v16  }
0x95: {  	vm0 =	vmand vm14, vm0;
	v18 =	vcvt.s32.f32 v14;
	v19 =	vand.u32 $0x3, v16  }
0x96: {  	v15 =	vshll.u32 v15, $0x8;
	v14 =	vshll.u32 v14, $0x10;
	[tilespmem:s29+$0xB200] =	vst v19;
	v11 =	vsub.f32 v11, v17  }
0x97: {  	vm0 =	vmand vm15, vm0;
	v9 =	vsub.f32 v9, v18;
	[tilespmem:s29+$0xAC00] =	vst v10;
	v10 =	vadd.s32 v14, v15  }
0x98: {  	v17 =	vor.u32 s31, v3;
	v10 =	vadd.s32 v16, v10;
	[tilespmem:s29+$0xAE00] =	vst v11;
	v11 =	vsel vm0, $0x3F800000, v1  }
0x99: {  	v15 =	vor.u32 s31, v4;
	[tilespmem:s29+$0xB000] =	vst v11;
	v11 =	vshrl.u32 v10, $0x2  }
0x9a: {  	[tilespmem:s29+$0xAA00] =	vst v9;
	v16 =	vor.u32 s31, v5;
	v14 =	vadd.s32 $0x100, v10;
	v9 =	vmin.u32 v11, $0x3FFFFE  }
0x9b: {  	v18 =	vor.u32 s31, v6;
	[tilespmem:v13+s23+$0x0] =	vst.idx.msk $0xffff, v11;
	v11 =	vshrl.u32 v14, $0x2;
	v9 =	vadd.s32 $0x1, v9  }
0x9c: {  	v13 =	vadd.s32 $0x10000, v10;
	[tilespmem:v12+s23+$0x0] =	vst.idx.msk $0xffff, v9;
	v9 =	vmin.u32 v11, $0x3FFFFE  }
0x9d: {  	v9 =	vadd.s32 $0x1, v9;
	[tilespmem:v17+s23+$0x0] =	vst.idx.msk $0xffff, v11;
	v11 =	vshrl.u32 v13, $0x2  }
0x9e: {  	v19 =	vor.u32 s31, v7;
	[tilespmem:v15+s23+$0x0] =	vst.idx.msk $0xffff, v9;
	v9 =	vmin.u32 v11, $0x3FFFFE  }
0x9f: {  	s7 =	simm.s32 $0x80;
	s3 =	simm.s32 $0xB400;
	v15 =	vadd.s32 $0x1, v9;
	[tilespmem:v16+s23+$0x0] =	vst.idx.msk $0xffff, v11  }
0xa0: {  	s10 =	simm.s32 $0xC400;
	s5 =	simm.s32 $0xB480;
	s6 =	simm.s32 $0xC800;
	v10 =	vadd.s32 $0x10100, v10;
	[tilespmem:v18+s23+$0x0] =	vst.idx.msk $0xffff, v15;
	v15 =	vor.u32 s31, v8  }
0xa1: {  	s8 =	simm.s32 $0x80;
	s11 =	simm.s32 $0x2;
	s0 =	simm.s32 $0x100;
	v14 =	vor.u32 s7, v0;
	v12 =	vor.u32 s7, v2;
	v17 =	vshrl.u32 v10, $0x2  }
0xa2: {  	s12 =	simm.s32 $0xB500;
	s4 =	simm.s32 $0x10;
	s1 =	simm.s32 $0xB500;
	v13 =	vor.u32 s7, v3;
	v10 =	vor.u32 s0, v3;
	v16 =	vmin.u32 v17, $0x3FFFFE  }
0xa3: {  	s2 =	simm.s32 $0xCC00;
	s13 =	simm.s32 $0xCC00;
	s14 =	simm.s32 $0xC0;
	v9 =	vor.u32 s0, v2;
	v11 =	vor.u32 s0, v0;
	v16 =	vadd.s32 $0x1, v16;
	[tilespmem:v19+s23+$0x0] =	vst.idx.msk $0xffff, v17  }
.LBB2_5:
0xa4: {  	s11 =	sadd.s32 $0x1, s11  }
0xa5: {  	s12 =	sadd.s32 $0x80, s12;
	s13 =	sadd.s32 $0x400, s13;
	[tilespmem:v15+s23+$0x0] =	vst.idx.msk $0xffff, v16;
	s15 =	smov.u32 s14  }
0xa6: {  	[tilespmem:s10], [sflag:$0x2] =	stream.indirect.gather [hbm4b:s9+s17], $0x8, s3, s17, $0xb8;
	[tilespmem:$0x14800] =	vst v63  }
0xa7: {  	p0 =	sne.s32 s14, $0x7C0;
	s14 =	sadd.s32 $0x40, s14;
	s3 =	smov.u32 s5;
	v15 =	vld [tilespmem:s4+$0xA400]  }
0xa8: {  	s5 =	smov.u32 s1;
	s1 =	smov.u32 s12;
	s10 =	smov.u32 s6;
	v16 =	vld [tilespmem:s4+$0xA600]  }
0xa9: {  	s6 =	smov.u32 s2;
	s2 =	smov.u32 s13  }
0xaa: {  	v17 =	vld [tilespmem:s4+$0xA800];
	_ =	sdelay $0x1  }
0xab: {  	v15 =	vmul.f32 $2.550000000e+02, v15  }
0xac: {  	v16 =	vmul.f32 $2.550000000e+02, v16  }
0xad: {  	v18 =	vmax.f32 v15, $0.0e+00;
	vm0 =	vge.f32 v15, $0.0e+00;
	vm1 =	vle.f32 v15, $2.550000000e+02  }
0xae: {  	v19 =	vmax.f32 v16, $0.0e+00;
	v17 =	vmul.f32 $2.550000000e+02, v17;
	vm2 =	vle.f32 v16, $2.550000000e+02  }
0xaf: {  	v20 =	vor.u32 s7, v6;
	v18 =	vmin.f32 v18, $2.540000000e+02;
	v19 =	vmin.f32 v19, $2.540000000e+02  }
0xb0: {  	vm3 =	vge.f32 v16, $0.0e+00;
	v19 =	vtrunc.f32 v19;
	v21 =	vmax.f32 v17, $0.0e+00  }
0xb1: {  	vm0 =	vmand vm0, vm3;
	v19 =	vcvt.f32.s32 v19;
	v21 =	vmin.f32 v21, $2.540000000e+02  }
0xb2: {  	v18 =	vtrunc.f32 v18;
	vm3 =	vge.f32 v17, $0.0e+00;
	v21 =	vtrunc.f32 v21  }
0xb3: {  	v22 =	vcvt.s32.f32 v19;
	v21 =	vcvt.f32.s32 v21;
	v19 =	vshll.u32 v19, $0x8  }
0xb4: {  	v23 =	vor.u32 s7, v5;
	v18 =	vcvt.f32.s32 v18;
	vm0 =	vmand vm0, vm1  }
0xb5: {  	vm1 =	vle.f32 v17, $2.550000000e+02;
	v16 =	vsub.f32 v16, v22;
	v22 =	vcvt.s32.f32 v21  }
0xb6: {  	vm0 =	vmand vm2, vm0;
	v24 =	vcvt.s32.f32 v18;
	v25 =	vand.u32 $0x3, v21  }
0xb7: {  	vm0 =	vmand vm3, vm0;
	v18 =	vshll.u32 v18, $0x10;
	v17 =	vsub.f32 v17, v22;
	[tilespmem:s4+$0xB200] =	vst v25  }
0xb8: {  	vm0 =	vmand vm1, vm0;
	v15 =	vsub.f32 v15, v24;
	[tilespmem:s4+$0xAC00] =	vst v16;
	v16 =	vadd.s32 v18, v19  }
0xb9: {  	v18 =	vor.u32 s7, v4;
	[tilespmem:s4+$0xAE00] =	vst v17;
	v17 =	vsel vm0, $0x3F800000, v1;
	v16 =	vadd.s32 v21, v16  }
0xba: {  	s16 =	sshll.u32 s11, $0x7;
	[tilespmem:s4+$0xB000] =	vst v17;
	v17 =	vshrl.u32 v16, $0x2;
	v19 =	vadd.s32 $0x100, v16;
	v21 =	vadd.s32 $0x10000, v16  }
0xbb: {  	v22 =	vor.u32 s16, v2;
	v16 =	vadd.s32 $0x10100, v16;
	[tilespmem:s4+$0xAA00] =	vst v15;
	v15 =	vmin.u32 v17, $0x3FFFFE  }
0xbc: {  	v15 =	vadd.s32 $0x1, v15;
	[tilespmem:v14+s23+$0x0] =	vst.idx.msk $0xffff, v17;
	v17 =	vshrl.u32 v19, $0x2;
	v14 =	vmovc v11;
	v11 =	vor.u32 s16, v0  }
0xbd: {  	v24 =	vor.u32 s7, v7;
	v19 =	vor.u32 s16, v3;
	[tilespmem:v12+s23+$0x0] =	vst.idx.msk $0xffff, v15;
	v15 =	vmin.u32 v17, $0x3FFFFE;
	v12 =	vmovc v9;
	v9 =	vmovc v22  }
.Ltmp1:
0xbe: {  	v22 =	vadd.s32 $0x1, v15;
	[tilespmem:v13+s23+$0x0] =	vst.idx.msk $0xffff, v17;
	v17 =	vshrl.u32 v21, $0x2;
	v15 =	vor.u32 s7, v8;
	v13 =	vmovc v10;
	v10 =	vmovc v19;
	s7 =	smov.u32 s0;
	s0 =	smov.u32 s16;
	(pc) =	sbr.rel @p0 .LBB2_5-.Ltmp1, $4  }
0xbf: {  	[tilespmem:v18+s23+$0x0] =	vst.idx.msk $0xffff, v22;
	v18 =	vmin.u32 v17, $0x3FFFFE  }
0xc0: {  	v18 =	vadd.s32 $0x1, v18;
	[tilespmem:v23+s23+$0x0] =	vst.idx.msk $0xffff, v17;
	v17 =	vshrl.u32 v16, $0x2  }
0xc1: {  	[tilespmem:v20+s23+$0x0] =	vst.idx.msk $0xffff, v18;
	v16 =	vmin.u32 v17, $0x3FFFFE  }
0xc2: {  	s4 =	sshra.s32 s8, $0x2;
	s8 =	smov.u32 s15;
	v16 =	vadd.s32 $0x1, v16;
	[tilespmem:v24+s23+$0x0] =	vst.idx.msk $0xffff, v17  }
0xc3: {  	_ =	sdelay $0x3  }
0xc4: {  	[tilespmem:v15+s23+$0x0] =	vst.idx.msk $0xffff, v16  }
0xc5: {  	[tilespmem:s10], [sflag:$0x2] =	stream.indirect.gather [hbm4b:s9+s17], $0x8, s3, s17, $0xb8;
	[tilespmem:$0x14800] =	vst v63  }
0xc6: {  	v15 =	vld [tilespmem:s4+$0xA400]  }
0xc7: {  	v16 =	vld [tilespmem:s4+$0xA600]  }
0xc8: {  	v17 =	vld [tilespmem:s4+$0xA800];
	_ =	sdelay $0x3  }
0xc9: {  	v15 =	vmul.f32 $2.550000000e+02, v15;
	v16 =	vmul.f32 $2.550000000e+02, v16  }
0xca: {  	v17 =	vmul.f32 $2.550000000e+02, v17  }
0xcb: {  	v18 =	vmax.f32 v15, $0.0e+00;
	vm0 =	vge.f32 v15, $0.0e+00;
	v19 =	vmax.f32 v16, $0.0e+00  }
0xcc: {  	vm1 =	vle.f32 v15, $2.550000000e+02;
	vm2 =	vle.f32 v16, $2.550000000e+02;
	v19 =	vmin.f32 v19, $2.540000000e+02  }
0xcd: {  	v20 =	vmax.f32 v17, $0.0e+00;
	vm3 =	vge.f32 v16, $0.0e+00;
	v19 =	vtrunc.f32 v19  }
0xce: {  	v18 =	vmin.f32 v18, $2.540000000e+02;
	v20 =	vmin.f32 v20, $2.540000000e+02;
	v19 =	vcvt.f32.s32 v19  }
0xcf: {  	vm8 =	vge.f32 v17, $0.0e+00;
	v18 =	vtrunc.f32 v18;
	v20 =	vtrunc.f32 v20  }
0xd0: {  	vm0 =	vmand vm0, vm3;
	v20 =	vcvt.f32.s32 v20;
	v21 =	vcvt.s32.f32 v19  }
0xd1: {  	vm9 =	vle.f32 v17, $2.550000000e+02;
	vm0 =	vmand vm0, vm1;
	v18 =	vcvt.f32.s32 v18  }
0xd2: {  	vm0 =	vmand vm2, vm0;
	v16 =	vsub.f32 v16, v21;
	v21 =	vcvt.s32.f32 v20  }
0xd3: {  	vm0 =	vmand vm8, vm0;
	v19 =	vshll.u32 v19, $0x8;
	v23 =	vand.u32 $0x3, v20  }
0xd4: {  	v22 =	vcvt.s32.f32 v18;
	v18 =	vshll.u32 v18, $0x10;
	[tilespmem:s4+$0xB200] =	vst v23;
	v17 =	vsub.f32 v17, v21  }
0xd5: {  	vm0 =	vmand vm9, vm0;
	[tilespmem:s4+$0xAC00] =	vst v16;
	v16 =	vadd.s32 v18, v19  }
0xd6: {  	v15 =	vsub.f32 v15, v22;
	v16 =	vadd.s32 v20, v16;
	[tilespmem:s4+$0xAE00] =	vst v17;
	v17 =	vsel vm0, $0x3F800000, v1  }
0xd7: {  	v18 =	vor.u32 s7, v4;
	[tilespmem:s4+$0xB000] =	vst v17;
	v17 =	vshrl.u32 v16, $0x2  }
0xd8: {  	v19 =	vor.u32 s7, v5;
	[tilespmem:s4+$0xAA00] =	vst v15;
	v20 =	vadd.s32 $0x100, v16;
	v15 =	vmin.u32 v17, $0x3FFFFE  }
0xd9: {  	v21 =	vor.u32 s7, v6;
	[tilespmem:v14+s23+$0x0] =	vst.idx.msk $0xffff, v17;
	v14 =	vshrl.u32 v20, $0x2;
	v15 =	vadd.s32 $0x1, v15  }
0xda: {  	v17 =	vadd.s32 $0x10000, v16;
	[tilespmem:v12+s23+$0x0] =	vst.idx.msk $0xffff, v15;
	v12 =	vmin.u32 v14, $0x3FFFFE;
	v15 =	vor.u32 s7, v7  }
0xdb: {  	v12 =	vadd.s32 $0x1, v12;
	[tilespmem:v13+s23+$0x0] =	vst.idx.msk $0xffff, v14;
	v13 =	vshrl.u32 v17, $0x2;
	v14 =	vor.u32 s7, v8  }
0xdc: {  	v16 =	vadd.s32 $0x10100, v16;
	[tilespmem:v18+s23+$0x0] =	vst.idx.msk $0xffff, v12;
	v12 =	vmin.u32 v13, $0x3FFFFE  }
0xdd: {  	v12 =	vadd.s32 $0x1, v12;
	[tilespmem:v19+s23+$0x0] =	vst.idx.msk $0xffff, v13;
	v13 =	vshrl.u32 v16, $0x2  }
0xde: {  	[tilespmem:v21+s23+$0x0] =	vst.idx.msk $0xffff, v12;
	v12 =	vmin.u32 v13, $0x3FFFFE  }
0xdf: {  	v12 =	vadd.s32 $0x1, v12;
	[tilespmem:v15+s23+$0x0] =	vst.idx.msk $0xffff, v13  }
0xe0: {  	s26 =	sshra.s32 s8, $0x2;
	[tilespmem:v14+s23+$0x0] =	vst.idx.msk $0xffff, v12  }
0xe1: {  	[tilespmem:s6], [sflag:$0x2] =	stream.indirect.gather [hbm4b:s9+s17], $0x8, s5, s17, $0xb8;
	[tilespmem:$0x14800] =	vst v63  }
0xe2: {  	v12 =	vld [tilespmem:s26+$0xA400]  }
0xe3: {  	v13 =	vld [tilespmem:s26+$0xA600]  }
0xe4: {  	v14 =	vld [tilespmem:s26+$0xA800];
	_ =	sdelay $0x3  }
0xe5: {  	v12 =	vmul.f32 $2.550000000e+02, v12;
	v13 =	vmul.f32 $2.550000000e+02, v13  }
0xe6: {  	v14 =	vmul.f32 $2.550000000e+02, v14  }
0xe7: {  	v15 =	vmax.f32 v12, $0.0e+00;
	vm10 =	vge.f32 v12, $0.0e+00;
	v16 =	vmax.f32 v13, $0.0e+00  }
0xe8: {  	vm11 =	vle.f32 v12, $2.550000000e+02;
	vm12 =	vle.f32 v13, $2.550000000e+02;
	v16 =	vmin.f32 v16, $2.540000000e+02  }
0xe9: {  	v17 =	vmax.f32 v14, $0.0e+00;
	vm13 =	vge.f32 v13, $0.0e+00;
	v16 =	vtrunc.f32 v16  }
0xea: {  	v15 =	vmin.f32 v15, $2.540000000e+02;
	v17 =	vmin.f32 v17, $2.540000000e+02;
	v16 =	vcvt.f32.s32 v16  }
0xeb: {  	vm14 =	vge.f32 v14, $0.0e+00;
	v15 =	vtrunc.f32 v15;
	v17 =	vtrunc.f32 v17  }
0xec: {  	vm0 =	vmand vm10, vm13;
	v17 =	vcvt.f32.s32 v17;
	v18 =	vcvt.s32.f32 v16  }
0xed: {  	vm15 =	vle.f32 v14, $2.550000000e+02;
	vm0 =	vmand vm0, vm11;
	v15 =	vcvt.f32.s32 v15  }
0xee: {  	vm0 =	vmand vm12, vm0;
	v13 =	vsub.f32 v13, v18;
	v18 =	vcvt.s32.f32 v17  }
0xef: {  	vm0 =	vmand vm14, vm0;
	v16 =	vshll.u32 v16, $0x8;
	v20 =	vand.u32 $0x3, v17  }
0xf0: {  	v19 =	vcvt.s32.f32 v15;
	v15 =	vshll.u32 v15, $0x10;
	[tilespmem:s26+$0xB200] =	vst v20;
	v14 =	vsub.f32 v14, v18  }
0xf1: {  	vm0 =	vmand vm15, vm0;
	[tilespmem:s26+$0xAC00] =	vst v13;
	v13 =	vadd.s32 v15, v16  }
0xf2: {  	v12 =	vsub.f32 v12, v19;
	v13 =	vadd.s32 v17, v13;
	[tilespmem:s26+$0xAE00] =	vst v14;
	v14 =	vsel vm0, $0x3F800000, v1  }
0xf3: {  	v15 =	vor.u32 s0, v4;
	[tilespmem:s26+$0xB000] =	vst v14;
	v14 =	vshrl.u32 v13, $0x2  }
0xf4: {  	v16 =	vor.u32 s0, v5;
	[tilespmem:s26+$0xAA00] =	vst v12;
	v17 =	vadd.s32 $0x100, v13;
	v12 =	vmin.u32 v14, $0x3FFFFE  }
0xf5: {  	v18 =	vor.u32 s0, v6;
	[tilespmem:v11+s23+$0x0] =	vst.idx.msk $0xffff, v14;
	v11 =	vshrl.u32 v17, $0x2;
	v12 =	vadd.s32 $0x1, v12  }
0xf6: {  	v14 =	vadd.s32 $0x10000, v13;
	[tilespmem:v9+s23+$0x0] =	vst.idx.msk $0xffff, v12;
	v9 =	vmin.u32 v11, $0x3FFFFE;
	v12 =	vor.u32 s0, v7  }
0xf7: {  	v9 =	vadd.s32 $0x1, v9;
	[tilespmem:v10+s23+$0x0] =	vst.idx.msk $0xffff, v11;
	v10 =	vshrl.u32 v14, $0x2;
	v11 =	vor.u32 s0, v8  }
0xf8: {  	v13 =	vadd.s32 $0x10100, v13;
	[tilespmem:v15+s23+$0x0] =	vst.idx.msk $0xffff, v9;
	v9 =	vmin.u32 v10, $0x3FFFFE  }
0xf9: {  	v9 =	vadd.s32 $0x1, v9;
	[tilespmem:v16+s23+$0x0] =	vst.idx.msk $0xffff, v10;
	v10 =	vshrl.u32 v13, $0x2  }
0xfa: {  	[tilespmem:v18+s23+$0x0] =	vst.idx.msk $0xffff, v9;
	v9 =	vmin.u32 v10, $0x3FFFFE  }
0xfb: {  	v9 =	vadd.s32 $0x1, v9;
	[tilespmem:v12+s23+$0x0] =	vst.idx.msk $0xffff, v10  }
0xfc: {  	s3 =	simm.s32 $0x1;
	[tilespmem:v11+s23+$0x0] =	vst.idx.msk $0xffff, v9  }
0xfd: {  	[tilespmem:s2], [sflag:$0x2] =	stream.indirect.gather [hbm4b:s9+s17], $0x8, s1, s17, $0xb8;
	[tilespmem:$0x14800] =	vst v63  }
0xfe: {  	_ =	swait.ge [sflag:s3], $0x8000  }
0xff: {  	[sflag:s3] =	ssyncset.done $0x0  }
0x100: {  	s4 =	simm.s32 $0xE00;
	[sflag:s3] =	ssyncadd.s32 $0xFFFF8000  }
0x101: {  	v10 =	vld [tilespmem:s4+$0x0]  }
0x102: {  	s5 =	simm.s32 $0x0  }
0x103: {  	v15 =	vor.u32 s5, v5  }
0x104: {  	v16 =	vor.u32 s5, v7;
	v20 =	vshll.u32 v15, $0x3  }
0x105: {  	v18 =	vshll.u32 v16, $0x3;
	v12 =	vor.u32 s5, v0;
	v11 =	vor.u32 s5, v3  }
0x106: {  	s6 =	simm.s32 $0x600;
	s26 =	simm.s32 $0x80;
	v14 =	vshll.u32 v12, $0x3;
	v17 =	vadd.s32 $0x1, v10;
	v10 =	vshll.u32 v10, $0x1  }
0x107: {  	s7 =	simm.s32 $0x800;
	v9 =	vor.u32 s26, v0;
	v13 =	vshll.u32 v11, $0x3;
	v21 =	vld [tilespmem:s6+$0x0];
	v19 =	vand.u32 $0xFFFFFFF8, v10  }
0x108: {  	v24 =	vld [tilespmem:s7+$0x0];
	v10 =	vand.u32 $0x6, v10;
	v22 =	vshll.u32 v17, $0x1;
	v14 =	vadd.s32 v14, v19  }
0x109: {  	v17 =	vshrl.u32 v17, $0x2;
	v23 =	vor.u32 $0x1, v10;
	v25 =	vor.u32 v10, v14  }
0x10a: {  	s8 =	simm.s32 $0xA00;
	v12 =	vadd.s32 v12, v17;
	v13 =	vadd.s32 v13, v19;
	v14 =	vor.u32 v23, v14  }
0x10b: {  	v26 =	vld [tilespmem:s8+$0x0];
	v22 =	vand.u32 $0x6, v22;
	v12 =	vshll.u32 v12, $0x3;
	v29 =	vor.u32 v10, v13  }
0x10c: {  	v30 =	vsub.f32 $1.000000000e+00, v21;
	v27 =	vor.u32 $0x1, v22;
	v28 =	vor.u32 v22, v12  }
0x10d: {  	v31 =	vsub.f32 $1.000000000e+00, v24;
	v11 =	vadd.s32 v11, v17;
	v12 =	vor.u32 v27, v12  }
0x10e: {  	v15 =	vadd.s32 v15, v17;
	v20 =	vadd.s32 v20, v19;
	v13 =	vor.u32 v23, v13;
	v25 =	vld.idx.msk [tilespmem:v25+s25+$0x0], $0xffff  }
0x10f: {  	v16 =	vadd.s32 v16, v17;
	v11 =	vshll.u32 v11, $0x3;
	v34 =	vor.u32 v10, v20;
	v14 =	vld.idx.msk [tilespmem:v14+s25+$0x0], $0xffff  }
0x110: {  	v17 =	vsub.f32 $1.000000000e+00, v26;
	v33 =	vmul.f32 v31, v30;
	v32 =	vor.u32 v22, v11;
	v29 =	vld.idx.msk [tilespmem:v29+s25+$0x0], $0xffff  }
0x111: {  	v30 =	vmul.f32 v24, v30;
	v18 =	vadd.s32 v18, v19;
	v11 =	vor.u32 v27, v11;
	v28 =	vld.idx.msk [tilespmem:v28+s25+$0x0], $0xffff  }
0x112: {  	v15 =	vshll.u32 v15, $0x3;
	v10 =	vor.u32 v10, v18;
	v36 =	vmul.f32 v17, v33;
	v12 =	vld.idx.msk [tilespmem:v12+s25+$0x0], $0xffff  }
0x113: {  	v20 =	vor.u32 v23, v20;
	v16 =	vshll.u32 v16, $0x3;
	v18 =	vor.u32 v23, v18;
	v13 =	vld.idx.msk [tilespmem:v13+s25+$0x0], $0xffff  }
0x114: {  	v35 =	vor.u32 v22, v15;
	v19 =	vmul.f32 v33, v26;
	v23 =	vld.idx.msk [tilespmem:v34+s25+$0x0], $0xffff;
	v25 =	vmul.f32 v25, v36  }
0x115: {  	v15 =	vor.u32 v27, v15;
	v22 =	vor.u32 v22, v16;
	v32 =	vld.idx.msk [tilespmem:v32+s25+$0x0], $0xffff;
	v14 =	vmul.f32 v14, v36  }
0x116: {  	v57 =	vmul.f32 v17, v30;
	v11 =	vld.idx.msk [tilespmem:v11+s25+$0x0], $0xffff;
	v28 =	vmul.f32 v28, v19;
	v25 =	vadd.f32 $0.0e+00, v25  }
0x117: {  	v31 =	vmul.f32 v31, v21;
	v10 =	vld.idx.msk [tilespmem:v10+s25+$0x0], $0xffff;
	v12 =	vmul.f32 v12, v19;
	v14 =	vadd.f32 $0.0e+00, v14  }
0x118: {  	v59 =	vmul.f32 v26, v30;
	v58 =	vmul.f32 v29, v57;
	v19 =	vld.idx.msk [tilespmem:v20+s25+$0x0], $0xffff;
	v20 =	vadd.f32 v28, v25  }
0x119: {  	v16 =	vor.u32 v27, v16;
	v60 =	vld.idx.msk [tilespmem:v35+s25+$0x0], $0xffff;
	v13 =	vmul.f32 v13, v57;
	v12 =	vadd.f32 v12, v14  }
0x11a: {  	v61 =	vld.idx.msk [tilespmem:v15+s25+$0x0], $0xffff;
	v15 =	vmul.f32 v32, v59;
	v14 =	vadd.f32 v58, v20;
	v20 =	vmul.f32 v17, v31  }
0x11b: {  	v21 =	vmul.f32 v24, v21;
	v22 =	vld.idx.msk [tilespmem:v22+s25+$0x0], $0xffff;
	v11 =	vmul.f32 v11, v59;
	v12 =	vadd.f32 v13, v12  }
0x11c: {  	s20 =	simm.s32 $0xA210;
	s28 =	simm.s32 $0xC10;
	v13 =	vld.idx.msk [tilespmem:v18+s25+$0x0], $0xffff;
	v15 =	vadd.f32 v15, v14;
	v18 =	vmul.f32 v23, v20;
	v23 =	vmul.f32 v31, v26  }
0x11d: {  	s29 =	simm.s32 $0xE10;
	s21 =	simm.s32 $0xA010;
	s24 =	simm.s32 $0x610;
	v17 =	vmul.f32 v17, v21;
	v11 =	vadd.f32 v11, v12;
	v12 =	vmul.f32 v19, v20  }
0x11e: {  	s22 =	simm.s32 $0x100;
	s16 =	simm.s32 $0xA220;
	s13 =	simm.s32 $0xC20;
	v21 =	vmul.f32 v26, v21;
	v20 =	vld.idx.msk [tilespmem:v16+s25+$0x0], $0xffff;
	v18 =	vadd.f32 v18, v15;
	v19 =	vmul.f32 v60, v23  }
0x11f: {  	s31 =	simm.s32 $0xE20;
	s14 =	simm.s32 $0x820;
	s12 =	simm.s32 $0xA20;
	v14 =	vor.u32 s26, v3;
	v12 =	vadd.f32 v12, v11;
	v16 =	vmul.f32 v61, v23  }
0x120: {  	s11 =	simm.s32 $0xA230;
	s15 =	simm.s32 $0xC30;
	s9 =	simm.s32 $0xC00;
	v22 =	vmul.f32 v22, v21;
	v18 =	vadd.f32 v19, v18;
	v19 =	vmul.f32 v10, v17  }
0x121: {  	s19 =	simm.s32 $0xA030;
	s10 =	simm.s32 $0xE30;
	s0 =	simm.s32 $0xA20;
	v11 =	vor.u32 s22, v0;
	v62 =	vmul.f32 v13, v17;
	v23 =	vadd.f32 v16, v12;
	v17 =	vld [tilespmem:s9+$0x0]  }
0x122: {  	s5 =	simm.s32 $0xA000;
	s17 =	simm.s32 $0xA020;
	s2 =	simm.s32 $0x620;
	v15 =	vshll.u32 v14, $0x3;
	v13 =	vshll.u32 v11, $0x3;
	v63 =	vadd.f32 v19, v18  }
0x123: {  	s1 =	simm.s32 $0x820;
	s3 =	simm.s32 $0x620;
	s6 =	simm.s32 $0xA200;
	v10 =	vor.u32 s22, v3;
	v18 =	vadd.f32 v62, v23;
	v19 =	vmul.f32 v20, v21  }
0x124: {  	s7 =	simm.s32 $0x810;
	s8 =	simm.s32 $0xA10;
	s4 =	simm.s32 $0x180;
	v16 =	vshll.u32 v9, $0x3;
	v12 =	vshll.u32 v10, $0x3;
	v20 =	vadd.f32 v22, v63  }
.LBB2_7:
0x125: {  	s3 =	sadd.s32 $0x10, s3;
	s14 =	sadd.s32 $0x10, s14;
	s12 =	sadd.s32 $0x10, s12;
	v18 =	vadd.f32 v19, v18  }
0x126: {  	p0 =	sne.s32 s4, $0xF80;
	s9 =	smov.u32 s4;
	s4 =	sadd.s32 $0x80, s4;
	v19 =	vmul.f32 v20, v17  }
0x127: {  	v17 =	vmul.f32 v18, v17  }
0x128: {  	[tilespmem:s5+$0x0] =	vst v19;
	s5 =	smov.u32 s21;
	s21 =	smov.u32 s17;
	s17 =	smov.u32 s19  }
0x129: {  	[tilespmem:s6+$0x0] =	vst v17;
	s6 =	smov.u32 s20;
	s20 =	smov.u32 s16;
	s16 =	smov.u32 s11  }
0x12a: {  	v18 =	vld [tilespmem:s29+$0x0];
	s29 =	smov.u32 s31;
	s31 =	smov.u32 s10  }
0x12b: {  	v20 =	vor.u32 s9, v3;
	v19 =	vor.u32 s9, v0  }
0x12c: {  	v21 =	vshll.u32 v20, $0x3;
	v17 =	vld [tilespmem:s8+$0x0];
	s8 =	smov.u32 s0;
	s0 =	smov.u32 s12;
	_ =	sdelay $0x1  }
0x12d: {  	v23 =	vor.u32 s26, v5;
	v24 =	vor.u32 s26, v7;
	s26 =	smov.u32 s22;
	s22 =	smov.u32 s9;
	v22 =	vshll.u32 v19, $0x3  }
0x12e: {  	v26 =	vshll.u32 v24, $0x3;
	v25 =	vadd.s32 $0x1, v18;
	v18 =	vshll.u32 v18, $0x1  }
0x12f: {  	v28 =	vshll.u32 v23, $0x3;
	v27 =	vand.u32 $0xFFFFFFF8, v18;
	v18 =	vand.u32 $0x6, v18  }
0x130: {  	v30 =	vshll.u32 v25, $0x1;
	v29 =	vld [tilespmem:s24+$0x0];
	v31 =	vadd.s32 v16, v27;
	v32 =	vor.u32 $0x1, v18;
	v16 =	vmovc v13;
	v13 =	vmovc v22;
	s24 =	smov.u32 s2;
	s2 =	smov.u32 s3  }
0x131: {  	v25 =	vshrl.u32 v25, $0x2;
	v22 =	vld [tilespmem:s7+$0x0];
	v33 =	vor.u32 v18, v31;
	v31 =	vor.u32 v32, v31;
	s7 =	smov.u32 s1;
	s1 =	smov.u32 s14  }
0x132: {  	v30 =	vand.u32 $0x6, v30;
	v34 =	vadd.s32 v9, v25;
	v36 =	vadd.s32 v14, v25;
	v9 =	vmovc v11;
	v11 =	vmovc v19  }
0x133: {  	v14 =	vmovc v10;
	v10 =	vmovc v20;
	v19 =	vshll.u32 v34, $0x3;
	v34 =	vor.u32 $0x1, v30;
	v35 =	vshll.u32 v36, $0x3  }
0x134: {  	v36 =	vadd.s32 v15, v27;
	v15 =	vmovc v12;
	v20 =	vor.u32 v30, v19;
	v19 =	vor.u32 v34, v19  }
0x135: {  	v12 =	vmovc v21;
	v37 =	vor.u32 v18, v36;
	v36 =	vor.u32 v32, v36;
	v38 =	vor.u32 v30, v35  }
0x136: {  	v23 =	vadd.s32 v23, v25;
	v21 =	vsub.f32 $1.000000000e+00, v29;
	v39 =	vsub.f32 $1.000000000e+00, v22  }
0x137: {  	v28 =	vadd.s32 v28, v27;
	v24 =	vadd.s32 v24, v25;
	v23 =	vshll.u32 v23, $0x3;
	v33 =	vld.idx.msk [tilespmem:v33+s25+$0x0], $0xffff  }
0x138: {  	v25 =	vsub.f32 $1.000000000e+00, v17;
	v40 =	vmul.f32 v39, v21;
	v31 =	vld.idx.msk [tilespmem:v31+s25+$0x0], $0xffff;
	v21 =	vmul.f32 v22, v21  }
0x139: {  	v41 =	vor.u32 v18, v28;
	v35 =	vor.u32 v34, v35;
	v42 =	vor.u32 v30, v23;
	v20 =	vld.idx.msk [tilespmem:v20+s25+$0x0], $0xffff  }
0x13a: {  	v28 =	vor.u32 v32, v28;
	v39 =	vmul.f32 v39, v29;
	v43 =	vmul.f32 v25, v40;
	v19 =	vld.idx.msk [tilespmem:v19+s25+$0x0], $0xffff  }
0x13b: {  	v26 =	vadd.s32 v26, v27;
	v24 =	vshll.u32 v24, $0x3;
	v22 =	vmul.f32 v22, v29;
	v37 =	vld.idx.msk [tilespmem:v37+s25+$0x0], $0xffff  }
0x13c: {  	v23 =	vor.u32 v34, v23;
	v30 =	vor.u32 v30, v24;
	v27 =	vmul.f32 v40, v17;
	v29 =	vld.idx.msk [tilespmem:v36+s25+$0x0], $0xffff  }
0x13d: {  	v18 =	vor.u32 v18, v26;
	v26 =	vor.u32 v32, v26;
	v33 =	vmul.f32 v33, v43;
	v36 =	vld.idx.msk [tilespmem:v38+s25+$0x0], $0xffff  }
0x13e: {  	v24 =	vor.u32 v34, v24;
	v31 =	vmul.f32 v31, v43;
	v32 =	vld.idx.msk [tilespmem:v35+s25+$0x0], $0xffff  }
0x13f: {  	v34 =	vmul.f32 v25, v21;
	v33 =	vadd.f32 $0.0e+00, v33;
	v20 =	vmul.f32 v20, v27;
	v35 =	vld.idx.msk [tilespmem:v41+s25+$0x0], $0xffff  }
0x140: {  	v31 =	vadd.f32 $0.0e+00, v31;
	v19 =	vmul.f32 v19, v27;
	v27 =	vld.idx.msk [tilespmem:v28+s25+$0x0], $0xffff  }
0x141: {  	v21 =	vmul.f32 v17, v21;
	v20 =	vadd.f32 v20, v33;
	v28 =	vmul.f32 v37, v34;
	v33 =	vld.idx.msk [tilespmem:v42+s25+$0x0], $0xffff  }
0x142: {  	v19 =	vadd.f32 v19, v31;
	v29 =	vmul.f32 v29, v34;
	v23 =	vld.idx.msk [tilespmem:v23+s25+$0x0], $0xffff  }
0x143: {  	v31 =	vmul.f32 v25, v39;
	v20 =	vadd.f32 v28, v20;
	v28 =	vmul.f32 v36, v21;
	v18 =	vld.idx.msk [tilespmem:v18+s25+$0x0], $0xffff  }
0x144: {  	v19 =	vadd.f32 v29, v19;
	v21 =	vmul.f32 v32, v21;
	v26 =	vld.idx.msk [tilespmem:v26+s25+$0x0], $0xffff  }
0x145: {  	v29 =	vmul.f32 v39, v17;
	v20 =	vadd.f32 v28, v20;
	v28 =	vmul.f32 v35, v31;
	v30 =	vld.idx.msk [tilespmem:v30+s25+$0x0], $0xffff  }
0x146: {  	v19 =	vadd.f32 v21, v19;
	v21 =	vmul.f32 v27, v31;
	v24 =	vld.idx.msk [tilespmem:v24+s25+$0x0], $0xffff  }
0x147: {  	v25 =	vmul.f32 v25, v22;
	v20 =	vadd.f32 v28, v20;
	v27 =	vmul.f32 v33, v29  }
0x148: {  	v19 =	vadd.f32 v21, v19;
	v21 =	vmul.f32 v23, v29  }
.Ltmp2:
0x149: {  	v22 =	vmul.f32 v17, v22;
	v20 =	vadd.f32 v27, v20;
	v18 =	vmul.f32 v18, v25;
	(pc) =	sbr.rel @p0 .LBB2_7-.Ltmp2, $4  }
0x14a: {  	v19 =	vadd.f32 v21, v19;
	v21 =	vmul.f32 v26, v25;
	v17 =	vld [tilespmem:s28+$0x0];
	s28 =	smov.u32 s13;
	s13 =	smov.u32 s15  }
0x14b: {  	v20 =	vadd.f32 v18, v20;
	v23 =	vmul.f32 v30, v22  }
0x14c: {  	s11 =	sadd.s32 $0x10, s11;
	v18 =	vadd.f32 v21, v19;
	v19 =	vmul.f32 v24, v22  }
0x14d: {  	s19 =	sadd.s32 $0x10, s19;
	s10 =	sadd.s32 $0x10, s10;
	s15 =	sadd.s32 $0x10, s15;
	v20 =	vadd.f32 v23, v20  }
0x14e: {  	v18 =	vadd.f32 v19, v18  }
0x14f: {  	v50 =	vmul.f32 v20, v17  }
0x150: {  	v51 =	vmul.f32 v18, v17  }
0x151: {  	[tilespmem:s5+$0x0] =	vst v50  }
0x152: {  	[tilespmem:s6+$0x0] =	vst v51  }
0x153: {  	v17 =	vld [tilespmem:s29+$0x0]  }
0x154: {  	v23 =	vld [tilespmem:s24+$0x0]  }
0x155: {  	v26 =	vld [tilespmem:s7+$0x0];
	_ =	sdelay $0x1  }
0x156: {  	v52 =	vor.u32 s26, v5;
	v53 =	vor.u32 s26, v7  }
0x157: {  	v21 =	vshll.u32 v53, $0x3;
	v24 =	vshll.u32 v52, $0x3  }
0x158: {  	v29 =	vld [tilespmem:s8+$0x0];
	v54 =	vadd.s32 $0x1, v17;
	v17 =	vshll.u32 v17, $0x1;
	v33 =	vsub.f32 $1.000000000e+00, v23  }
0x159: {  	v34 =	vsub.f32 $1.000000000e+00, v26;
	v22 =	vand.u32 $0xFFFFFFF8, v17;
	v17 =	vand.u32 $0x6, v17  }
0x15a: {  	v25 =	vshll.u32 v54, $0x1;
	v20 =	vshrl.u32 v54, $0x2;
	v16 =	vadd.s32 v16, v22  }
0x15b: {  	v27 =	vor.u32 $0x1, v17;
	v9 =	vadd.s32 v9, v20;
	v28 =	vor.u32 v17, v16  }
0x15c: {  	v25 =	vand.u32 $0x6, v25;
	v16 =	vor.u32 v27, v16;
	v9 =	vshll.u32 v9, $0x3  }
0x15d: {  	v55 =	vsub.f32 $1.000000000e+00, v29;
	v30 =	vor.u32 $0x1, v25;
	v31 =	vor.u32 v25, v9  }
0x15e: {  	v14 =	vadd.s32 v14, v20;
	v15 =	vadd.s32 v15, v22;
	v9 =	vor.u32 v30, v9  }
0x15f: {  	v18 =	vadd.s32 v52, v20;
	v24 =	vadd.s32 v24, v22;
	v32 =	vor.u32 v17, v15  }
0x160: {  	v19 =	vadd.s32 v53, v20;
	v14 =	vshll.u32 v14, $0x3;
	v15 =	vor.u32 v27, v15;
	v28 =	vld.idx.msk [tilespmem:v28+s25+$0x0], $0xffff  }
0x161: {  	v36 =	vmul.f32 v34, v33;
	v33 =	vmul.f32 v26, v33;
	v35 =	vor.u32 v25, v14;
	v16 =	vld.idx.msk [tilespmem:v16+s25+$0x0], $0xffff  }
0x162: {  	v34 =	vmul.f32 v34, v23;
	v21 =	vadd.s32 v21, v22;
	v14 =	vor.u32 v30, v14;
	v31 =	vld.idx.msk [tilespmem:v31+s25+$0x0], $0xffff  }
0x163: {  	v18 =	vshll.u32 v18, $0x3;
	v37 =	vor.u32 v17, v24;
	v39 =	vmul.f32 v55, v36;
	v9 =	vld.idx.msk [tilespmem:v9+s25+$0x0], $0xffff  }
0x164: {  	v24 =	vor.u32 v27, v24;
	v19 =	vshll.u32 v19, $0x3;
	v17 =	vor.u32 v17, v21;
	v32 =	vld.idx.msk [tilespmem:v32+s25+$0x0], $0xffff  }
0x165: {  	v38 =	vor.u32 v25, v18;
	v56 =	vmul.f32 v36, v29;
	v15 =	vld.idx.msk [tilespmem:v15+s25+$0x0], $0xffff;
	v28 =	vmul.f32 v28, v39  }
0x166: {  	v21 =	vor.u32 v27, v21;
	v18 =	vor.u32 v30, v18;
	v35 =	vld.idx.msk [tilespmem:v35+s25+$0x0], $0xffff;
	v16 =	vmul.f32 v16, v39  }
0x167: {  	v57 =	vmul.f32 v55, v33;
	v14 =	vld.idx.msk [tilespmem:v14+s25+$0x0], $0xffff;
	v31 =	vmul.f32 v31, v56;
	v28 =	vadd.f32 $0.0e+00, v28  }
0x168: {  	v25 =	vor.u32 v25, v19;
	v58 =	vld.idx.msk [tilespmem:v37+s25+$0x0], $0xffff;
	v9 =	vmul.f32 v9, v56;
	v16 =	vadd.f32 $0.0e+00, v16  }
0x169: {  	v62 =	vmul.f32 v29, v33;
	v59 =	vld.idx.msk [tilespmem:v24+s25+$0x0], $0xffff;
	v61 =	vmul.f32 v32, v57;
	v60 =	vadd.f32 v31, v28  }
0x16a: {  	v19 =	vor.u32 v30, v19;
	v63 =	vld.idx.msk [tilespmem:v38+s25+$0x0], $0xffff;
	v15 =	vmul.f32 v15, v57;
	v9 =	vadd.f32 v9, v16  }
0x16b: {  	v36 =	vmul.f32 v55, v34;
	v32 =	vld.idx.msk [tilespmem:v18+s25+$0x0], $0xffff;
	v35 =	vmul.f32 v35, v62;
	v33 =	vadd.f32 v61, v60  }
0x16c: {  	v23 =	vmul.f32 v26, v23;
	v17 =	vld.idx.msk [tilespmem:v17+s25+$0x0], $0xffff;
	v14 =	vmul.f32 v14, v62;
	v9 =	vadd.f32 v15, v9  }
0x16d: {  	v37 =	vld.idx.msk [tilespmem:v21+s25+$0x0], $0xffff;
	v38 =	vmul.f32 v58, v36;
	v39 =	vmul.f32 v34, v29;
	v18 =	vadd.f32 v35, v33  }
0x16e: {  	v25 =	vld.idx.msk [tilespmem:v25+s25+$0x0], $0xffff;
	v40 =	vmul.f32 v59, v36;
	v9 =	vadd.f32 v14, v9  }
0x16f: {  	v20 =	vmul.f32 v55, v23;
	v19 =	vld.idx.msk [tilespmem:v19+s25+$0x0], $0xffff;
	v41 =	vmul.f32 v63, v39;
	v18 =	vadd.f32 v38, v18  }
0x170: {  	v42 =	vmul.f32 v32, v39;
	v9 =	vadd.f32 v40, v9  }
0x171: {  	v44 =	vmul.f32 v29, v23;
	v17 =	vmul.f32 v17, v20;
	v43 =	vadd.f32 v41, v18  }
0x172: {  	v45 =	vld [tilespmem:s28+$0x0];
	v46 =	vmul.f32 v37, v20;
	v9 =	vadd.f32 v42, v9  }
0x173: {  	v48 =	vmul.f32 v25, v44;
	v47 =	vadd.f32 v17, v43  }
0x174: {  	v49 =	vmul.f32 v19, v44;
	v9 =	vadd.f32 v46, v9  }
0x175: {  	v15 =	vadd.f32 v48, v47  }
0x176: {  	v9 =	vadd.f32 v49, v9  }
0x177: {  	v50 =	vmul.f32 v15, v45  }
0x178: {  	v9 =	vmul.f32 v9, v45  }
0x179: {  	[tilespmem:s21+$0x0] =	vst v50  }
0x17a: {  	[tilespmem:s20+$0x0] =	vst v9  }
0x17b: {  	v9 =	vld [tilespmem:s31+$0x0]  }
0x17c: {  	v19 =	vld [tilespmem:s2+$0x0]  }
0x17d: {  	v58 =	vld [tilespmem:s1+$0x0];
	_ =	sdelay $0x1  }
0x17e: {  	v51 =	vor.u32 s22, v5;
	v52 =	vor.u32 s22, v7  }
0x17f: {  	v54 =	vshll.u32 v52, $0x3;
	v56 =	vshll.u32 v51, $0x3  }
0x180: {  	v25 =	vld [tilespmem:s0+$0x0];
	v53 =	vadd.s32 $0x1, v9;
	v9 =	vshll.u32 v9, $0x1;
	v36 =	vsub.f32 $1.000000000e+00, v19  }
0x181: {  	v37 =	vsub.f32 $1.000000000e+00, v58;
	v55 =	vand.u32 $0xFFFFFFF8, v9;
	v9 =	vand.u32 $0x6, v9  }
0x182: {  	v57 =	vshll.u32 v53, $0x1;
	v16 =	vshrl.u32 v53, $0x2;
	v13 =	vadd.s32 v13, v55  }
0x183: {  	v59 =	vor.u32 $0x1, v9;
	v11 =	vadd.s32 v11, v16;
	v60 =	vor.u32 v9, v13  }
0x184: {  	v21 =	vand.u32 $0x6, v57;
	v13 =	vor.u32 v59, v13;
	v11 =	vshll.u32 v11, $0x3  }
0x185: {  	v39 =	vsub.f32 $1.000000000e+00, v25;
	v61 =	vor.u32 $0x1, v21;
	v62 =	vor.u32 v21, v11  }
0x186: {  	v10 =	vadd.s32 v10, v16;
	v12 =	vadd.s32 v12, v55;
	v11 =	vor.u32 v61, v11  }
0x187: {  	v14 =	vadd.s32 v51, v16;
	v20 =	vadd.s32 v56, v55;
	v63 =	vor.u32 v9, v12  }
0x188: {  	v15 =	vadd.s32 v52, v16;
	v10 =	vshll.u32 v10, $0x3;
	v12 =	vor.u32 v59, v12;
	v24 =	vld.idx.msk [tilespmem:v60+s25+$0x0], $0xffff  }
0x189: {  	v40 =	vmul.f32 v37, v36;
	v29 =	vmul.f32 v58, v36;
	v38 =	vor.u32 v21, v10;
	v13 =	vld.idx.msk [tilespmem:v13+s25+$0x0], $0xffff  }
0x18a: {  	v30 =	vmul.f32 v37, v19;
	v17 =	vadd.s32 v54, v55;
	v10 =	vor.u32 v61, v10;
	v27 =	vld.idx.msk [tilespmem:v62+s25+$0x0], $0xffff  }
0x18b: {  	v14 =	vshll.u32 v14, $0x3;
	v41 =	vor.u32 v9, v20;
	v43 =	vmul.f32 v39, v40;
	v11 =	vld.idx.msk [tilespmem:v11+s25+$0x0], $0xffff  }
0x18c: {  	v20 =	vor.u32 v59, v20;
	v15 =	vshll.u32 v15, $0x3;
	v9 =	vor.u32 v9, v17;
	v28 =	vld.idx.msk [tilespmem:v63+s25+$0x0], $0xffff  }
0x18d: {  	v42 =	vor.u32 v21, v14;
	v44 =	vmul.f32 v40, v25;
	v12 =	vld.idx.msk [tilespmem:v12+s25+$0x0], $0xffff;
	v24 =	vmul.f32 v24, v43  }
0x18e: {  	v17 =	vor.u32 v59, v17;
	v14 =	vor.u32 v61, v14;
	v31 =	vld.idx.msk [tilespmem:v38+s25+$0x0], $0xffff;
	v13 =	vmul.f32 v13, v43  }
0x18f: {  	v45 =	vmul.f32 v39, v29;
	v10 =	vld.idx.msk [tilespmem:v10+s25+$0x0], $0xffff;
	v27 =	vmul.f32 v27, v44;
	v24 =	vadd.f32 $0.0e+00, v24  }
0x190: {  	v21 =	vor.u32 v21, v15;
	v46 =	vld.idx.msk [tilespmem:v41+s25+$0x0], $0xffff;
	v11 =	vmul.f32 v11, v44;
	v13 =	vadd.f32 $0.0e+00, v13  }
0x191: {  	v50 =	vmul.f32 v25, v29;
	v47 =	vld.idx.msk [tilespmem:v20+s25+$0x0], $0xffff;
	v49 =	vmul.f32 v28, v45;
	v48 =	vadd.f32 v27, v24  }
0x192: {  	v15 =	vor.u32 v61, v15;
	v51 =	vld.idx.msk [tilespmem:v42+s25+$0x0], $0xffff;
	v12 =	vmul.f32 v12, v45;
	v11 =	vadd.f32 v11, v13  }
0x193: {  	v55 =	vmul.f32 v39, v30;
	v52 =	vld.idx.msk [tilespmem:v14+s25+$0x0], $0xffff;
	v54 =	vmul.f32 v31, v50;
	v53 =	vadd.f32 v49, v48  }
0x194: {  	v19 =	vmul.f32 v58, v19;
	v9 =	vld.idx.msk [tilespmem:v9+s25+$0x0], $0xffff;
	v10 =	vmul.f32 v10, v50;
	v11 =	vadd.f32 v12, v11  }
0x195: {  	v58 =	vmul.f32 v30, v25;
	v56 =	vld.idx.msk [tilespmem:v17+s25+$0x0], $0xffff;
	v57 =	vmul.f32 v46, v55;
	v14 =	vadd.f32 v54, v53  }
0x196: {  	v21 =	vld.idx.msk [tilespmem:v21+s25+$0x0], $0xffff;
	v10 =	vadd.f32 v10, v11;
	v11 =	vmul.f32 v47, v55  }
0x197: {  	v16 =	vmul.f32 v39, v19;
	v15 =	vld.idx.msk [tilespmem:v15+s25+$0x0], $0xffff;
	v59 =	vmul.f32 v51, v58;
	v14 =	vadd.f32 v57, v14  }
0x198: {  	v10 =	vadd.f32 v11, v10;
	v11 =	vmul.f32 v52, v58  }
0x199: {  	v61 =	vmul.f32 v25, v19;
	v9 =	vmul.f32 v9, v16;
	v60 =	vadd.f32 v59, v14  }
0x19a: {  	v62 =	vld [tilespmem:s13+$0x0];
	v10 =	vadd.f32 v11, v10;
	v11 =	vmul.f32 v56, v16  }
0x19b: {  	v63 =	vmul.f32 v21, v61;
	v9 =	vadd.f32 v9, v60  }
0x19c: {  	v10 =	vadd.f32 v11, v10;
	v11 =	vmul.f32 v15, v61  }
0x19d: {  	v9 =	vadd.f32 v63, v9  }
0x19e: {  	v10 =	vadd.f32 v11, v10  }
0x19f: {  	v9 =	vmul.f32 v9, v62  }
0x1a0: {  	s4 =	rddreg [dreg:$0x12];
	v10 =	vmul.f32 v10, v62  }
0x1a1: {  	s26 =	simm.s32 $0xA000;
	s22 =	rddreg [dreg:$0x1];
	[tilespmem:s17+$0x0] =	vst v9  }
0x1a2: {  	s3 =	simm.s32 $0x3;
	s24 =	simm.s32 $0x0;
	s0 =	sadd.s32 s22, s4;
	[tilespmem:s16+$0x0] =	vst v10  }
0x1a3: {  	[hbm4b:s0+s24] =	stream.linear.scatter [tilespmem:s26], [sflag:$0x3], $0x200, $0x38;
	[tilespmem:$0x14800] =	vst v63  }
0x1a4: {  	_ =	swait.ge [sflag:s3], $0x200  }
0x1a5: {  	[sflag:s3] =	ssyncset.done $0x0  }
0x1a6: {  	[sflag:s3] =	ssyncadd.s32 $0xFFFFFE00  }
0x1a7: {  	s28 =	rddreg [dreg:$0x2]  }
0x1a8: {  	s29 =	simm.s32 $0xA200;
	s0 =	sadd.s32 s28, s4  }
0x1a9: {  	[hbm4b:s0+s24] =	stream.linear.scatter [tilespmem:s29], [sflag:$0x3], $0x200, $0x38;
	[tilespmem:$0x14800] =	vst v63  }
0x1aa: {  	_ =	swait.ge [sflag:s3], $0x200  }
0x1ab: {  	s31 =	rddreg [dreg:$0xf]  }
0x1ac: {  	p0 =	seq.s32 s31, $0x1F  }
.Ltmp3:
0x1ad: {  	_ = 	snop;
	(pc) =	sbr.rel @p0 .LBB2_12-.Ltmp3, $3  }
0x1ae: {  	_ =	sdelay $0x1  }
0x1af: {  	[sflag:s3] =	ssyncset.done $0x0  }
0x1b0: {  	[sflag:s3] =	ssyncadd.s32 $0xFFFFFE00  }
0x1b1: {  	s0 =	rddreg [dreg:$0xc]  }
0x1b2: {  	s1 =	rddreg [dreg:$0x11]  }
0x1b3: {  	s0 =	sadd.s32 s1, s0  }
0x1b4: {  	s22 =	rddreg [dreg:$0x4];
	s0 =	sshrl.u32 s0, $0x3  }
0x1b5: {  	s2 =	simm.s32 $0x0;
	s1 =	sadd.s32 s22, s0  }
0x1b6: {  	[tilespmem:s2], [sflag:$0x3] =	stream.linear.gather [hbm4b:s1+s2], $0x200, $0x38;
	[tilespmem:$0x14800] =	vst v63  }
0x1b7: {  	_ =	swait.ge [sflag:s3], $0x200  }
0x1b8: {  	[sflag:s3] =	ssyncset.done $0x0;
	s24 =	rddreg [dreg:$0x5]  }
0x1b9: {  	s4 =	simm.s32 $0x200;
	[sflag:s3] =	ssyncadd.s32 $0xFFFFFE00;
	s1 =	sadd.s32 s24, s0  }
0x1ba: {  	[tilespmem:s4], [sflag:$0x3] =	stream.linear.gather [hbm4b:s1+s2], $0x200, $0x38;
	[tilespmem:$0x14800] =	vst v63  }
0x1bb: {  	_ =	swait.ge [sflag:s3], $0x200  }
0x1bc: {  	[sflag:s3] =	ssyncset.done $0x0;
	s26 =	rddreg [dreg:$0x6]  }
0x1bd: {  	s28 =	simm.s32 $0x400;
	[sflag:s3] =	ssyncadd.s32 $0xFFFFFE00;
	s0 =	sadd.s32 s26, s0  }
0x1be: {  	[tilespmem:s28], [sflag:$0x3] =	stream.linear.gather [hbm4b:s0+s2], $0x200, $0x38;
	[tilespmem:$0x14800] =	vst v63  }
0x1bf: {  	_ =	swait.ge [sflag:s3], $0x200  }
0x1c0: {  	[sflag:s3] =	ssyncset.done $0x0  }
0x1c1: {  	s29 =	simm.s32 $0x0;
	[sflag:s3] =	ssyncadd.s32 $0xFFFFFE00  }
0x1c2: {  	v9 =	vld [tilespmem:s29+$0x0]  }
0x1c3: {  	v10 =	vld [tilespmem:s29+$0x200]  }
0x1c4: {  	v11 =	vld [tilespmem:s29+$0x400];
	_ =	sdelay $0x3  }
0x1c5: {  	s31 =	simm.s32 $0x0;
	v9 =	vmul.f32 $2.550000000e+02, v9;
	v10 =	vmul.f32 $2.550000000e+02, v10  }
0x1c6: {  	v12 =	vor.u32 s31, v2;
	v13 =	vor.u32 s31, v0;
	v11 =	vmul.f32 $2.550000000e+02, v11  }
0x1c7: {  	v14 =	vmax.f32 v9, $0.0e+00;
	vm0 =	vge.f32 v9, $0.0e+00;
	v15 =	vmax.f32 v10, $0.0e+00  }
0x1c8: {  	vm1 =	vle.f32 v9, $2.550000000e+02;
	vm2 =	vle.f32 v10, $2.550000000e+02;
	v15 =	vmin.f32 v15, $2.540000000e+02  }
0x1c9: {  	v16 =	vmax.f32 v11, $0.0e+00;
	vm3 =	vge.f32 v10, $0.0e+00;
	v15 =	vtrunc.f32 v15  }
0x1ca: {  	v14 =	vmin.f32 v14, $2.540000000e+02;
	v16 =	vmin.f32 v16, $2.540000000e+02;
	v15 =	vcvt.f32.s32 v15  }
0x1cb: {  	vm14 =	vge.f32 v11, $0.0e+00;
	v14 =	vtrunc.f32 v14;
	v16 =	vtrunc.f32 v16  }
0x1cc: {  	vm0 =	vmand vm0, vm3;
	v16 =	vcvt.f32.s32 v16;
	v17 =	vcvt.s32.f32 v15  }
0x1cd: {  	vm15 =	vle.f32 v11, $2.550000000e+02;
	vm0 =	vmand vm0, vm1;
	v14 =	vcvt.f32.s32 v14  }
0x1ce: {  	vm0 =	vmand vm2, vm0;
	v10 =	vsub.f32 v10, v17;
	v17 =	vcvt.s32.f32 v16  }
0x1cf: {  	vm0 =	vmand vm14, vm0;
	v18 =	vcvt.s32.f32 v14;
	v19 =	vand.u32 $0x3, v16  }
0x1d0: {  	v15 =	vshll.u32 v15, $0x8;
	v14 =	vshll.u32 v14, $0x10;
	[tilespmem:s29+$0xE00] =	vst v19;
	v11 =	vsub.f32 v11, v17  }
0x1d1: {  	vm0 =	vmand vm15, vm0;
	v9 =	vsub.f32 v9, v18;
	[tilespmem:s29+$0x800] =	vst v10;
	v10 =	vadd.s32 v14, v15  }
0x1d2: {  	v17 =	vor.u32 s31, v3;
	v10 =	vadd.s32 v16, v10;
	[tilespmem:s29+$0xA00] =	vst v11;
	v11 =	vsel vm0, $0x3F800000, v1  }
0x1d3: {  	v15 =	vor.u32 s31, v4;
	[tilespmem:s29+$0xC00] =	vst v11;
	v11 =	vshrl.u32 v10, $0x2  }
0x1d4: {  	[tilespmem:s29+$0x600] =	vst v9;
	v16 =	vor.u32 s31, v5;
	v14 =	vadd.s32 $0x100, v10;
	v9 =	vmin.u32 v11, $0x3FFFFE  }
0x1d5: {  	v18 =	vor.u32 s31, v6;
	[tilespmem:v13+s18+$0x0] =	vst.idx.msk $0xffff, v11;
	v11 =	vshrl.u32 v14, $0x2;
	v9 =	vadd.s32 $0x1, v9  }
0x1d6: {  	v13 =	vadd.s32 $0x10000, v10;
	[tilespmem:v12+s18+$0x0] =	vst.idx.msk $0xffff, v9;
	v9 =	vmin.u32 v11, $0x3FFFFE  }
0x1d7: {  	v9 =	vadd.s32 $0x1, v9;
	[tilespmem:v17+s18+$0x0] =	vst.idx.msk $0xffff, v11;
	v11 =	vshrl.u32 v13, $0x2  }
0x1d8: {  	s6 =	simm.s32 $0x80;
	v19 =	vor.u32 s31, v7;
	[tilespmem:v15+s18+$0x0] =	vst.idx.msk $0xffff, v9;
	v9 =	vmin.u32 v11, $0x3FFFFE  }
0x1d9: {  	s10 =	simm.s32 $0x2000;
	s5 =	simm.s32 $0x2400;
	s7 =	simm.s32 $0x80;
	v15 =	vadd.s32 $0x1, v9;
	[tilespmem:v16+s18+$0x0] =	vst.idx.msk $0xffff, v11  }
0x1da: {  	s11 =	simm.s32 $0x2;
	s12 =	simm.s32 $0x1100;
	s13 =	simm.s32 $0x2800;
	v10 =	vadd.s32 $0x10100, v10;
	[tilespmem:v18+s18+$0x0] =	vst.idx.msk $0xffff, v15;
	v15 =	vor.u32 s31, v8  }
0x1db: {  	s14 =	simm.s32 $0xC0;
	s8 =	simm.s32 $0x10;
	s0 =	simm.s32 $0x100;
	v14 =	vor.u32 s6, v0;
	v12 =	vor.u32 s6, v2;
	v17 =	vshrl.u32 v10, $0x2  }
0x1dc: {  	s17 =	simm.s32 $0x80;
	s4 =	simm.s32 $0x1080;
	s1 =	simm.s32 $0x1100;
	v13 =	vor.u32 s6, v3;
	v10 =	vor.u32 s0, v3;
	v16 =	vmin.u32 v17, $0x3FFFFE  }
0x1dd: {  	s2 =	simm.s32 $0x2800;
	s16 =	rddreg [dreg:$0x8];
	s3 =	simm.s32 $0x1000;
	v9 =	vor.u32 s0, v2;
	v11 =	vor.u32 s0, v0;
	v16 =	vadd.s32 $0x1, v16;
	[tilespmem:v19+s18+$0x0] =	vst.idx.msk $0xffff, v17  }
.LBB2_10:
0x1de: {  	s11 =	sadd.s32 $0x1, s11  }
0x1df: {  	s12 =	sadd.s32 $0x80, s12;
	s13 =	sadd.s32 $0x400, s13;
	[tilespmem:v15+s18+$0x0] =	vst.idx.msk $0xffff, v16;
	s15 =	smov.u32 s14  }
0x1e0: {  	[tilespmem:s10], [sflag:$0x1] =	stream.indirect.gather [hbm4b:s16+s17], $0x8, s3, s17, $0xb8;
	[tilespmem:$0x14800] =	vst v63  }
0x1e1: {  	p0 =	sne.s32 s14, $0x7C0;
	s14 =	sadd.s32 $0x40, s14;
	s3 =	smov.u32 s4;
	v15 =	vld [tilespmem:s8+$0x0]  }
0x1e2: {  	s4 =	smov.u32 s1;
	s1 =	smov.u32 s12;
	s10 =	smov.u32 s5;
	v16 =	vld [tilespmem:s8+$0x200]  }
0x1e3: {  	s5 =	smov.u32 s2;
	s2 =	smov.u32 s13  }
0x1e4: {  	v17 =	vld [tilespmem:s8+$0x400];
	_ =	sdelay $0x1  }
0x1e5: {  	v15 =	vmul.f32 $2.550000000e+02, v15  }
0x1e6: {  	v16 =	vmul.f32 $2.550000000e+02, v16  }
0x1e7: {  	v18 =	vmax.f32 v15, $0.0e+00;
	vm0 =	vge.f32 v15, $0.0e+00;
	vm1 =	vle.f32 v15, $2.550000000e+02  }
0x1e8: {  	v19 =	vmax.f32 v16, $0.0e+00;
	v17 =	vmul.f32 $2.550000000e+02, v17;
	vm2 =	vle.f32 v16, $2.550000000e+02  }
0x1e9: {  	v20 =	vor.u32 s6, v6;
	v18 =	vmin.f32 v18, $2.540000000e+02;
	v19 =	vmin.f32 v19, $2.540000000e+02  }
0x1ea: {  	vm3 =	vge.f32 v16, $0.0e+00;
	v19 =	vtrunc.f32 v19;
	v21 =	vmax.f32 v17, $0.0e+00  }
0x1eb: {  	vm0 =	vmand vm0, vm3;
	v19 =	vcvt.f32.s32 v19;
	v21 =	vmin.f32 v21, $2.540000000e+02  }
0x1ec: {  	v18 =	vtrunc.f32 v18;
	vm3 =	vge.f32 v17, $0.0e+00;
	v21 =	vtrunc.f32 v21  }
0x1ed: {  	v22 =	vcvt.s32.f32 v19;
	v21 =	vcvt.f32.s32 v21;
	v19 =	vshll.u32 v19, $0x8  }
0x1ee: {  	v23 =	vor.u32 s6, v5;
	v18 =	vcvt.f32.s32 v18;
	vm0 =	vmand vm0, vm1  }
0x1ef: {  	vm1 =	vle.f32 v17, $2.550000000e+02;
	v16 =	vsub.f32 v16, v22;
	v22 =	vcvt.s32.f32 v21  }
0x1f0: {  	vm0 =	vmand vm2, vm0;
	v24 =	vcvt.s32.f32 v18;
	v25 =	vand.u32 $0x3, v21  }
0x1f1: {  	vm0 =	vmand vm3, vm0;
	v18 =	vshll.u32 v18, $0x10;
	v17 =	vsub.f32 v17, v22;
	[tilespmem:s8+$0xE00] =	vst v25  }
0x1f2: {  	vm0 =	vmand vm1, vm0;
	v15 =	vsub.f32 v15, v24;
	[tilespmem:s8+$0x800] =	vst v16;
	v16 =	vadd.s32 v18, v19  }
0x1f3: {  	v18 =	vor.u32 s6, v4;
	[tilespmem:s8+$0xA00] =	vst v17;
	v17 =	vsel vm0, $0x3F800000, v1;
	v16 =	vadd.s32 v21, v16  }
0x1f4: {  	s9 =	sshll.u32 s11, $0x7;
	[tilespmem:s8+$0xC00] =	vst v17;
	v17 =	vshrl.u32 v16, $0x2;
	v19 =	vadd.s32 $0x100, v16;
	v21 =	vadd.s32 $0x10000, v16  }
0x1f5: {  	v22 =	vor.u32 s9, v2;
	v16 =	vadd.s32 $0x10100, v16;
	[tilespmem:s8+$0x600] =	vst v15;
	v15 =	vmin.u32 v17, $0x3FFFFE  }
0x1f6: {  	v15 =	vadd.s32 $0x1, v15;
	[tilespmem:v14+s18+$0x0] =	vst.idx.msk $0xffff, v17;
	v17 =	vshrl.u32 v19, $0x2;
	v14 =	vmovc v11;
	v11 =	vor.u32 s9, v0  }
0x1f7: {  	v24 =	vor.u32 s6, v7;
	v19 =	vor.u32 s9, v3;
	[tilespmem:v12+s18+$0x0] =	vst.idx.msk $0xffff, v15;
	v15 =	vmin.u32 v17, $0x3FFFFE;
	v12 =	vmovc v9;
	v9 =	vmovc v22  }
.Ltmp4:
0x1f8: {  	v22 =	vadd.s32 $0x1, v15;
	[tilespmem:v13+s18+$0x0] =	vst.idx.msk $0xffff, v17;
	v17 =	vshrl.u32 v21, $0x2;
	v15 =	vor.u32 s6, v8;
	v13 =	vmovc v10;
	v10 =	vmovc v19;
	s6 =	smov.u32 s0;
	s0 =	smov.u32 s9;
	(pc) =	sbr.rel @p0 .LBB2_10-.Ltmp4, $4  }
0x1f9: {  	[tilespmem:v18+s18+$0x0] =	vst.idx.msk $0xffff, v22;
	v18 =	vmin.u32 v17, $0x3FFFFE  }
0x1fa: {  	v18 =	vadd.s32 $0x1, v18;
	[tilespmem:v23+s18+$0x0] =	vst.idx.msk $0xffff, v17;
	v17 =	vshrl.u32 v16, $0x2  }
0x1fb: {  	[tilespmem:v20+s18+$0x0] =	vst.idx.msk $0xffff, v18;
	v16 =	vmin.u32 v17, $0x3FFFFE  }
0x1fc: {  	s8 =	sshra.s32 s7, $0x2;
	s7 =	smov.u32 s15;
	v16 =	vadd.s32 $0x1, v16;
	[tilespmem:v24+s18+$0x0] =	vst.idx.msk $0xffff, v17  }
0x1fd: {  	_ =	sdelay $0x3  }
0x1fe: {  	[tilespmem:v15+s18+$0x0] =	vst.idx.msk $0xffff, v16  }
0x1ff: {  	[tilespmem:s10], [sflag:$0x1] =	stream.indirect.gather [hbm4b:s16+s17], $0x8, s3, s17, $0xb8;
	[tilespmem:$0x14800] =	vst v63  }
0x200: {  	v15 =	vld [tilespmem:s8+$0x0]  }
0x201: {  	v16 =	vld [tilespmem:s8+$0x200]  }
0x202: {  	v17 =	vld [tilespmem:s8+$0x400];
	_ =	sdelay $0x2  }
0x203: {  	v15 =	vmul.f32 $2.550000000e+02, v15  }
0x204: {  	v16 =	vmul.f32 $2.550000000e+02, v16  }
0x205: {  	v17 =	vmul.f32 $2.550000000e+02, v17;
	v18 =	vmax.f32 v15, $0.0e+00  }
0x206: {  	vm0 =	vge.f32 v15, $0.0e+00;
	v19 =	vmax.f32 v16, $0.0e+00;
	vm1 =	vle.f32 v15, $2.550000000e+02  }
0x207: {  	vm2 =	vle.f32 v16, $2.550000000e+02;
	v20 =	vmax.f32 v17, $0.0e+00;
	vm3 =	vge.f32 v16, $0.0e+00  }
0x208: {  	vm8 =	vge.f32 v17, $0.0e+00;
	v19 =	vmin.f32 v19, $2.540000000e+02;
	v18 =	vmin.f32 v18, $2.540000000e+02  }
0x209: {  	v20 =	vmin.f32 v20, $2.540000000e+02;
	vm0 =	vmand vm0, vm3;
	v19 =	vtrunc.f32 v19  }
0x20a: {  	v18 =	vtrunc.f32 v18;
	v20 =	vtrunc.f32 v20;
	vm0 =	vmand vm0, vm1  }
0x20b: {  	v19 =	vcvt.f32.s32 v19;
	v20 =	vcvt.f32.s32 v20;
	vm0 =	vmand vm2, vm0  }
0x20c: {  	vm9 =	vle.f32 v17, $2.550000000e+02;
	v18 =	vcvt.f32.s32 v18;
	vm0 =	vmand vm8, vm0  }
0x20d: {  	v21 =	vcvt.s32.f32 v19;
	v19 =	vshll.u32 v19, $0x8;
	v31 =	vcvt.s32.f32 v20  }
0x20e: {  	v22 =	vcvt.s32.f32 v18;
	v23 =	vand.u32 $0x3, v20;
	vm0 =	vmand vm9, vm0  }
0x20f: {  	v18 =	vshll.u32 v18, $0x10;
	[tilespmem:s8+$0xE00] =	vst v23;
	v33 =	vsel vm0, $0x3F800000, v1;
	v16 =	vsub.f32 v16, v21  }
0x210: {  	v32 =	vadd.s32 v18, v19;
	v17 =	vsub.f32 v17, v31;
	[tilespmem:s8+$0xC00] =	vst v33  }
0x211: {  	v15 =	vsub.f32 v15, v22;
	[tilespmem:s8+$0x800] =	vst v16;
	v16 =	vadd.s32 v20, v32  }
0x212: {  	v34 =	vor.u32 s6, v4;
	[tilespmem:s8+$0xA00] =	vst v17;
	v35 =	vshrl.u32 v16, $0x2  }
0x213: {  	v36 =	vor.u32 s6, v5;
	[tilespmem:s8+$0x600] =	vst v15;
	v20 =	vadd.s32 $0x100, v16;
	v37 =	vmin.u32 v35, $0x3FFFFE  }
0x214: {  	v38 =	vor.u32 s6, v6;
	[tilespmem:v14+s18+$0x0] =	vst.idx.msk $0xffff, v35;
	v39 =	vshrl.u32 v20, $0x2;
	v15 =	vadd.s32 $0x1, v37  }
0x215: {  	v42 =	vor.u32 s6, v7;
	v40 =	vadd.s32 $0x10000, v16;
	v41 =	vmin.u32 v39, $0x3FFFFE;
	[tilespmem:v12+s18+$0x0] =	vst.idx.msk $0xffff, v15  }
0x216: {  	v44 =	vor.u32 s6, v8;
	v43 =	vshrl.u32 v40, $0x2;
	v12 =	vadd.s32 $0x1, v41;
	[tilespmem:v13+s18+$0x0] =	vst.idx.msk $0xffff, v39  }
0x217: {  	v16 =	vadd.s32 $0x10100, v16;
	v45 =	vmin.u32 v43, $0x3FFFFE;
	[tilespmem:v34+s18+$0x0] =	vst.idx.msk $0xffff, v12  }
0x218: {  	v46 =	vshrl.u32 v16, $0x2;
	v12 =	vadd.s32 $0x1, v45;
	[tilespmem:v36+s18+$0x0] =	vst.idx.msk $0xffff, v43  }
0x219: {  	v47 =	vmin.u32 v46, $0x3FFFFE;
	[tilespmem:v38+s18+$0x0] =	vst.idx.msk $0xffff, v12  }
0x21a: {  	v12 =	vadd.s32 $0x1, v47;
	[tilespmem:v42+s18+$0x0] =	vst.idx.msk $0xffff, v46  }
0x21b: {  	s31 =	sshra.s32 s7, $0x2;
	[tilespmem:v44+s18+$0x0] =	vst.idx.msk $0xffff, v12  }
0x21c: {  	[tilespmem:s5], [sflag:$0x1] =	stream.indirect.gather [hbm4b:s16+s17], $0x8, s4, s17, $0xb8;
	[tilespmem:$0x14800] =	vst v63  }
0x21d: {  	v12 =	vld [tilespmem:s31+$0x0]  }
0x21e: {  	v13 =	vld [tilespmem:s31+$0x200]  }
0x21f: {  	v14 =	vld [tilespmem:s31+$0x400];
	_ =	sdelay $0x2  }
0x220: {  	v12 =	vmul.f32 $2.550000000e+02, v12  }
0x221: {  	v13 =	vmul.f32 $2.550000000e+02, v13  }
0x222: {  	v14 =	vmul.f32 $2.550000000e+02, v14;
	v48 =	vmax.f32 v12, $0.0e+00  }
0x223: {  	vm10 =	vge.f32 v12, $0.0e+00;
	v49 =	vmax.f32 v13, $0.0e+00;
	vm11 =	vle.f32 v12, $2.550000000e+02  }
0x224: {  	vm12 =	vle.f32 v13, $2.550000000e+02;
	v50 =	vmax.f32 v14, $0.0e+00;
	vm13 =	vge.f32 v13, $0.0e+00  }
0x225: {  	vm14 =	vge.f32 v14, $0.0e+00;
	v16 =	vmin.f32 v49, $2.540000000e+02;
	v15 =	vmin.f32 v48, $2.540000000e+02  }
0x226: {  	v17 =	vmin.f32 v50, $2.540000000e+02;
	vm0 =	vmand vm10, vm13;
	v16 =	vtrunc.f32 v16  }
0x227: {  	v15 =	vtrunc.f32 v15;
	v17 =	vtrunc.f32 v17;
	vm0 =	vmand vm0, vm11  }
0x228: {  	v16 =	vcvt.f32.s32 v16;
	v17 =	vcvt.f32.s32 v17;
	vm0 =	vmand vm12, vm0  }
0x229: {  	vm15 =	vle.f32 v14, $2.550000000e+02;
	v15 =	vcvt.f32.s32 v15;
	vm0 =	vmand vm14, vm0  }
0x22a: {  	v51 =	vcvt.s32.f32 v16;
	v16 =	vshll.u32 v16, $0x8;
	v52 =	vcvt.s32.f32 v17  }
0x22b: {  	v53 =	vcvt.s32.f32 v15;
	v54 =	vand.u32 $0x3, v17;
	vm0 =	vmand vm15, vm0  }
0x22c: {  	v15 =	vshll.u32 v15, $0x10;
	[tilespmem:s31+$0xE00] =	vst v54;
	v56 =	vsel vm0, $0x3F800000, v1;
	v13 =	vsub.f32 v13, v51  }
0x22d: {  	v55 =	vadd.s32 v15, v16;
	v14 =	vsub.f32 v14, v52;
	[tilespmem:s31+$0xC00] =	vst v56  }
0x22e: {  	v12 =	vsub.f32 v12, v53;
	[tilespmem:s31+$0x800] =	vst v13;
	v13 =	vadd.s32 v17, v55  }
0x22f: {  	v57 =	vor.u32 s0, v4;
	[tilespmem:s31+$0xA00] =	vst v14;
	v58 =	vshrl.u32 v13, $0x2  }
0x230: {  	v59 =	vor.u32 s0, v5;
	[tilespmem:s31+$0x600] =	vst v12;
	v17 =	vadd.s32 $0x100, v13;
	v60 =	vmin.u32 v58, $0x3FFFFE  }
0x231: {  	v61 =	vor.u32 s0, v6;
	[tilespmem:v11+s18+$0x0] =	vst.idx.msk $0xffff, v58;
	v11 =	vshrl.u32 v17, $0x2;
	v12 =	vadd.s32 $0x1, v60  }
0x232: {  	v63 =	vor.u32 s0, v7;
	v62 =	vadd.s32 $0x10000, v13;
	[tilespmem:v9+s18+$0x0] =	vst.idx.msk $0xffff, v12;
	v9 =	vmin.u32 v11, $0x3FFFFE  }
0x233: {  	v9 =	vadd.s32 $0x1, v9;
	[tilespmem:v10+s18+$0x0] =	vst.idx.msk $0xffff, v11;
	v10 =	vshrl.u32 v62, $0x2;
	v11 =	vor.u32 s0, v8  }
0x234: {  	v13 =	vadd.s32 $0x10100, v13;
	[tilespmem:v57+s18+$0x0] =	vst.idx.msk $0xffff, v9;
	v9 =	vmin.u32 v10, $0x3FFFFE  }
0x235: {  	v9 =	vadd.s32 $0x1, v9;
	[tilespmem:v59+s18+$0x0] =	vst.idx.msk $0xffff, v10;
	v10 =	vshrl.u32 v13, $0x2  }
0x236: {  	[tilespmem:v61+s18+$0x0] =	vst.idx.msk $0xffff, v9;
	v9 =	vmin.u32 v10, $0x3FFFFE  }
0x237: {  	v9 =	vadd.s32 $0x1, v9;
	[tilespmem:v63+s18+$0x0] =	vst.idx.msk $0xffff, v10  }
0x238: {  	[tilespmem:v11+s18+$0x0] =	vst.idx.msk $0xffff, v9  }
0x239: {  	[tilespmem:s2], [sflag:$0x1] =	stream.indirect.gather [hbm4b:s16+s17], $0x8, s1, s17, $0xb8;
	[tilespmem:$0x14800] =	vst v63  }
.LBB2_12:
0x23a: {  	s0 =	simm.s32 $0x2  }
0x23b: {  	_ =	swait.ge [sflag:s0], $0x8000  }
0x23c: {  	[sflag:s0] =	ssyncset.done $0x0  }
0x23d: {  	s5 =	simm.s32 $0xB200;
	[sflag:s0] =	ssyncadd.s32 $0xFFFF8000  }
0x23e: {  	v10 =	vld [tilespmem:s5+$0x0];
	_ =	sdelay $0x1  }
0x23f: {  	s6 =	simm.s32 $0x0;
	s21 =	simm.s32 $0x80  }
0x240: {  	v11 =	vor.u32 s6, v3;
	v12 =	vor.u32 s6, v0;
	v9 =	vor.u32 s21, v0  }
0x241: {  	v15 =	vor.u32 s6, v5;
	v16 =	vor.u32 s6, v7;
	v13 =	vshll.u32 v11, $0x3  }
0x242: {  	s7 =	simm.s32 $0xAA00;
	v14 =	vshll.u32 v12, $0x3;
	v17 =	vadd.s32 $0x1, v10;
	v10 =	vshll.u32 v10, $0x1  }
0x243: {  	s1 =	simm.s32 $0xAC00;
	v18 =	vshll.u32 v16, $0x3;
	v20 =	vshll.u32 v15, $0x3;
	v21 =	vld [tilespmem:s7+$0x0];
	v19 =	vand.u32 $0xFFFFFFF8, v10  }
0x244: {  	v24 =	vld [tilespmem:s1+$0x0];
	v10 =	vand.u32 $0x6, v10;
	v22 =	vshll.u32 v17, $0x1;
	v14 =	vadd.s32 v14, v19  }
0x245: {  	v17 =	vshrl.u32 v17, $0x2;
	v23 =	vor.u32 $0x1, v10;
	v25 =	vor.u32 v10, v14  }
0x246: {  	s8 =	simm.s32 $0xAE00;
	v12 =	vadd.s32 v12, v17;
	v13 =	vadd.s32 v13, v19;
	v14 =	vor.u32 v23, v14  }
0x247: {  	v26 =	vld [tilespmem:s8+$0x0];
	v22 =	vand.u32 $0x6, v22;
	v12 =	vshll.u32 v12, $0x3;
	v29 =	vor.u32 v10, v13  }
0x248: {  	v30 =	vsub.f32 $1.000000000e+00, v21;
	v27 =	vor.u32 $0x1, v22;
	v28 =	vor.u32 v22, v12  }
0x249: {  	v31 =	vsub.f32 $1.000000000e+00, v24;
	v11 =	vadd.s32 v11, v17;
	v12 =	vor.u32 v27, v12  }
0x24a: {  	v15 =	vadd.s32 v15, v17;
	v20 =	vadd.s32 v20, v19;
	v13 =	vor.u32 v23, v13;
	v25 =	vld.idx.msk [tilespmem:v25+s30+$0x0], $0xffff  }
0x24b: {  	v16 =	vadd.s32 v16, v17;
	v11 =	vshll.u32 v11, $0x3;
	v34 =	vor.u32 v10, v20;
	v14 =	vld.idx.msk [tilespmem:v14+s30+$0x0], $0xffff  }
0x24c: {  	v17 =	vsub.f32 $1.000000000e+00, v26;
	v33 =	vmul.f32 v31, v30;
	v32 =	vor.u32 v22, v11;
	v29 =	vld.idx.msk [tilespmem:v29+s30+$0x0], $0xffff  }
0x24d: {  	v30 =	vmul.f32 v24, v30;
	v18 =	vadd.s32 v18, v19;
	v11 =	vor.u32 v27, v11;
	v28 =	vld.idx.msk [tilespmem:v28+s30+$0x0], $0xffff  }
0x24e: {  	v15 =	vshll.u32 v15, $0x3;
	v10 =	vor.u32 v10, v18;
	v36 =	vmul.f32 v17, v33;
	v12 =	vld.idx.msk [tilespmem:v12+s30+$0x0], $0xffff  }
0x24f: {  	v20 =	vor.u32 v23, v20;
	v16 =	vshll.u32 v16, $0x3;
	v18 =	vor.u32 v23, v18;
	v13 =	vld.idx.msk [tilespmem:v13+s30+$0x0], $0xffff  }
0x250: {  	v35 =	vor.u32 v22, v15;
	v19 =	vmul.f32 v33, v26;
	v23 =	vld.idx.msk [tilespmem:v34+s30+$0x0], $0xffff;
	v25 =	vmul.f32 v25, v36  }
0x251: {  	v15 =	vor.u32 v27, v15;
	v22 =	vor.u32 v22, v16;
	v32 =	vld.idx.msk [tilespmem:v32+s30+$0x0], $0xffff;
	v14 =	vmul.f32 v14, v36  }
0x252: {  	v57 =	vmul.f32 v17, v30;
	v11 =	vld.idx.msk [tilespmem:v11+s30+$0x0], $0xffff;
	v28 =	vmul.f32 v28, v19;
	v25 =	vadd.f32 $0.0e+00, v25  }
0x253: {  	v31 =	vmul.f32 v31, v21;
	v10 =	vld.idx.msk [tilespmem:v10+s30+$0x0], $0xffff;
	v12 =	vmul.f32 v12, v19;
	v14 =	vadd.f32 $0.0e+00, v14  }
0x254: {  	v59 =	vmul.f32 v26, v30;
	v58 =	vmul.f32 v29, v57;
	v19 =	vld.idx.msk [tilespmem:v20+s30+$0x0], $0xffff;
	v20 =	vadd.f32 v28, v25  }
0x255: {  	v16 =	vor.u32 v27, v16;
	v60 =	vld.idx.msk [tilespmem:v35+s30+$0x0], $0xffff;
	v13 =	vmul.f32 v13, v57;
	v12 =	vadd.f32 v12, v14  }
0x256: {  	v61 =	vld.idx.msk [tilespmem:v15+s30+$0x0], $0xffff;
	v15 =	vmul.f32 v32, v59;
	v14 =	vadd.f32 v58, v20;
	v20 =	vmul.f32 v17, v31  }
0x257: {  	v21 =	vmul.f32 v24, v21;
	v22 =	vld.idx.msk [tilespmem:v22+s30+$0x0], $0xffff;
	v11 =	vmul.f32 v11, v59;
	v12 =	vadd.f32 v13, v12  }
0x258: {  	s9 =	simm.s32 $0xB000;
	s16 =	simm.s32 $0x14610;
	v13 =	vld.idx.msk [tilespmem:v18+s30+$0x0], $0xffff;
	v15 =	vadd.f32 v15, v14;
	v18 =	vmul.f32 v23, v20;
	v23 =	vmul.f32 v31, v26  }
0x259: {  	s22 =	simm.s32 $0xB010;
	s28 =	simm.s32 $0xB210;
	s17 =	simm.s32 $0x14410;
	v17 =	vmul.f32 v17, v21;
	v11 =	vadd.f32 v11, v12;
	v12 =	vmul.f32 v19, v20  }
0x25a: {  	s24 =	simm.s32 $0xAA10;
	s20 =	simm.s32 $0x100;
	s4 =	simm.s32 $0x14620;
	v21 =	vmul.f32 v26, v21;
	v20 =	vld.idx.msk [tilespmem:v16+s30+$0x0], $0xffff;
	v18 =	vadd.f32 v18, v15;
	v19 =	vmul.f32 v60, v23  }
0x25b: {  	s13 =	simm.s32 $0xB020;
	s26 =	simm.s32 $0xB220;
	s14 =	simm.s32 $0x14420;
	v14 =	vor.u32 s21, v3;
	v12 =	vadd.f32 v12, v11;
	v16 =	vmul.f32 v61, v23  }
0x25c: {  	s3 =	simm.s32 $0xAA20;
	s29 =	simm.s32 $0xAC20;
	s12 =	simm.s32 $0xAE20;
	v22 =	vmul.f32 v22, v21;
	v18 =	vadd.f32 v19, v18;
	v19 =	vmul.f32 v10, v17  }
0x25d: {  	s31 =	simm.s32 $0x180;
	s11 =	simm.s32 $0x14630;
	s15 =	simm.s32 $0xB030;
	v11 =	vor.u32 s20, v0;
	v62 =	vmul.f32 v13, v17;
	v23 =	vadd.f32 v16, v12;
	v17 =	vld [tilespmem:s9+$0x0]  }
0x25e: {  	s10 =	simm.s32 $0xB230;
	s19 =	simm.s32 $0x14430;
	s2 =	simm.s32 $0xAA20;
	v15 =	vshll.u32 v14, $0x3;
	v13 =	vshll.u32 v11, $0x3;
	v63 =	vadd.f32 v19, v18  }
0x25f: {  	s6 =	simm.s32 $0x14600;
	s0 =	simm.s32 $0xAE20;
	s5 =	simm.s32 $0x14400;
	v10 =	vor.u32 s20, v3;
	v18 =	vadd.f32 v62, v23;
	v19 =	vmul.f32 v20, v21  }
0x260: {  	s7 =	simm.s32 $0xAC10;
	s8 =	simm.s32 $0xAE10;
	s1 =	simm.s32 $0xAC20;
	v16 =	vshll.u32 v9, $0x3;
	v12 =	vshll.u32 v10, $0x3;
	v20 =	vadd.f32 v22, v63  }
.LBB2_13:
0x261: {  	s3 =	sadd.s32 $0x10, s3;
	s29 =	sadd.s32 $0x10, s29;
	s12 =	sadd.s32 $0x10, s12;
	v18 =	vadd.f32 v19, v18  }
0x262: {  	p0 =	sne.s32 s31, $0xF80;
	s9 =	smov.u32 s31;
	s31 =	sadd.s32 $0x80, s31;
	v19 =	vmul.f32 v20, v17  }
0x263: {  	v17 =	vmul.f32 v18, v17  }
0x264: {  	[tilespmem:s5+$0x0] =	vst v19;
	s5 =	smov.u32 s17;
	s17 =	smov.u32 s14;
	s14 =	smov.u32 s19  }
0x265: {  	[tilespmem:s6+$0x0] =	vst v17;
	s6 =	smov.u32 s16;
	s16 =	smov.u32 s4;
	s4 =	smov.u32 s11  }
0x266: {  	v18 =	vld [tilespmem:s28+$0x0];
	s28 =	smov.u32 s26;
	s26 =	smov.u32 s10  }
0x267: {  	v20 =	vor.u32 s9, v3;
	v19 =	vor.u32 s9, v0  }
0x268: {  	v21 =	vshll.u32 v20, $0x3;
	v17 =	vld [tilespmem:s8+$0x0];
	s8 =	smov.u32 s0;
	s0 =	smov.u32 s12;
	_ =	sdelay $0x1  }
0x269: {  	v23 =	vor.u32 s21, v5;
	v24 =	vor.u32 s21, v7;
	s21 =	smov.u32 s20;
	s20 =	smov.u32 s9;
	v22 =	vshll.u32 v19, $0x3  }
0x26a: {  	v26 =	vshll.u32 v24, $0x3;
	v25 =	vadd.s32 $0x1, v18;
	v18 =	vshll.u32 v18, $0x1  }
0x26b: {  	v28 =	vshll.u32 v23, $0x3;
	v27 =	vand.u32 $0xFFFFFFF8, v18;
	v18 =	vand.u32 $0x6, v18  }
0x26c: {  	v30 =	vshll.u32 v25, $0x1;
	v29 =	vld [tilespmem:s24+$0x0];
	v31 =	vadd.s32 v16, v27;
	v32 =	vor.u32 $0x1, v18;
	v16 =	vmovc v13;
	v13 =	vmovc v22;
	s24 =	smov.u32 s2;
	s2 =	smov.u32 s3  }
0x26d: {  	v25 =	vshrl.u32 v25, $0x2;
	v22 =	vld [tilespmem:s7+$0x0];
	v33 =	vor.u32 v18, v31;
	v31 =	vor.u32 v32, v31;
	s7 =	smov.u32 s1;
	s1 =	smov.u32 s29  }
0x26e: {  	v30 =	vand.u32 $0x6, v30;
	v34 =	vadd.s32 v9, v25;
	v36 =	vadd.s32 v14, v25;
	v9 =	vmovc v11;
	v11 =	vmovc v19  }
0x26f: {  	v14 =	vmovc v10;
	v10 =	vmovc v20;
	v19 =	vshll.u32 v34, $0x3;
	v34 =	vor.u32 $0x1, v30;
	v35 =	vshll.u32 v36, $0x3  }
0x270: {  	v36 =	vadd.s32 v15, v27;
	v15 =	vmovc v12;
	v20 =	vor.u32 v30, v19;
	v19 =	vor.u32 v34, v19  }
0x271: {  	v12 =	vmovc v21;
	v37 =	vor.u32 v18, v36;
	v36 =	vor.u32 v32, v36;
	v38 =	vor.u32 v30, v35  }
0x272: {  	v23 =	vadd.s32 v23, v25;
	v21 =	vsub.f32 $1.000000000e+00, v29;
	v39 =	vsub.f32 $1.000000000e+00, v22  }
0x273: {  	v28 =	vadd.s32 v28, v27;
	v24 =	vadd.s32 v24, v25;
	v23 =	vshll.u32 v23, $0x3;
	v33 =	vld.idx.msk [tilespmem:v33+s30+$0x0], $0xffff  }
0x274: {  	v25 =	vsub.f32 $1.000000000e+00, v17;
	v40 =	vmul.f32 v39, v21;
	v31 =	vld.idx.msk [tilespmem:v31+s30+$0x0], $0xffff;
	v21 =	vmul.f32 v22, v21  }
0x275: {  	v41 =	vor.u32 v18, v28;
	v35 =	vor.u32 v34, v35;
	v42 =	vor.u32 v30, v23;
	v20 =	vld.idx.msk [tilespmem:v20+s30+$0x0], $0xffff  }
0x276: {  	v28 =	vor.u32 v32, v28;
	v39 =	vmul.f32 v39, v29;
	v43 =	vmul.f32 v25, v40;
	v19 =	vld.idx.msk [tilespmem:v19+s30+$0x0], $0xffff  }
0x277: {  	v26 =	vadd.s32 v26, v27;
	v24 =	vshll.u32 v24, $0x3;
	v22 =	vmul.f32 v22, v29;
	v37 =	vld.idx.msk [tilespmem:v37+s30+$0x0], $0xffff  }
0x278: {  	v23 =	vor.u32 v34, v23;
	v30 =	vor.u32 v30, v24;
	v27 =	vmul.f32 v40, v17;
	v29 =	vld.idx.msk [tilespmem:v36+s30+$0x0], $0xffff  }
0x279: {  	v18 =	vor.u32 v18, v26;
	v26 =	vor.u32 v32, v26;
	v33 =	vmul.f32 v33, v43;
	v36 =	vld.idx.msk [tilespmem:v38+s30+$0x0], $0xffff  }
0x27a: {  	v24 =	vor.u32 v34, v24;
	v31 =	vmul.f32 v31, v43;
	v32 =	vld.idx.msk [tilespmem:v35+s30+$0x0], $0xffff  }
0x27b: {  	v34 =	vmul.f32 v25, v21;
	v33 =	vadd.f32 $0.0e+00, v33;
	v20 =	vmul.f32 v20, v27;
	v35 =	vld.idx.msk [tilespmem:v41+s30+$0x0], $0xffff  }
0x27c: {  	v31 =	vadd.f32 $0.0e+00, v31;
	v19 =	vmul.f32 v19, v27;
	v27 =	vld.idx.msk [tilespmem:v28+s30+$0x0], $0xffff  }
0x27d: {  	v21 =	vmul.f32 v17, v21;
	v20 =	vadd.f32 v20, v33;
	v28 =	vmul.f32 v37, v34;
	v33 =	vld.idx.msk [tilespmem:v42+s30+$0x0], $0xffff  }
0x27e: {  	v19 =	vadd.f32 v19, v31;
	v29 =	vmul.f32 v29, v34;
	v23 =	vld.idx.msk [tilespmem:v23+s30+$0x0], $0xffff  }
0x27f: {  	v31 =	vmul.f32 v25, v39;
	v20 =	vadd.f32 v28, v20;
	v28 =	vmul.f32 v36, v21;
	v18 =	vld.idx.msk [tilespmem:v18+s30+$0x0], $0xffff  }
0x280: {  	v19 =	vadd.f32 v29, v19;
	v21 =	vmul.f32 v32, v21;
	v26 =	vld.idx.msk [tilespmem:v26+s30+$0x0], $0xffff  }
0x281: {  	v29 =	vmul.f32 v39, v17;
	v20 =	vadd.f32 v28, v20;
	v28 =	vmul.f32 v35, v31;
	v30 =	vld.idx.msk [tilespmem:v30+s30+$0x0], $0xffff  }
0x282: {  	v19 =	vadd.f32 v21, v19;
	v21 =	vmul.f32 v27, v31;
	v24 =	vld.idx.msk [tilespmem:v24+s30+$0x0], $0xffff  }
0x283: {  	v25 =	vmul.f32 v25, v22;
	v20 =	vadd.f32 v28, v20;
	v27 =	vmul.f32 v33, v29  }
0x284: {  	v19 =	vadd.f32 v21, v19;
	v21 =	vmul.f32 v23, v29  }
.Ltmp5:
0x285: {  	v22 =	vmul.f32 v17, v22;
	v20 =	vadd.f32 v27, v20;
	v18 =	vmul.f32 v18, v25;
	(pc) =	sbr.rel @p0 .LBB2_13-.Ltmp5, $4  }
0x286: {  	v19 =	vadd.f32 v21, v19;
	v21 =	vmul.f32 v26, v25;
	v17 =	vld [tilespmem:s22+$0x0];
	s22 =	smov.u32 s13;
	s13 =	smov.u32 s15  }
0x287: {  	v20 =	vadd.f32 v18, v20;
	v23 =	vmul.f32 v30, v22  }
0x288: {  	s11 =	sadd.s32 $0x10, s11;
	v18 =	vadd.f32 v21, v19;
	v19 =	vmul.f32 v24, v22  }
0x289: {  	s19 =	sadd.s32 $0x10, s19;
	s10 =	sadd.s32 $0x10, s10;
	s15 =	sadd.s32 $0x10, s15;
	v20 =	vadd.f32 v23, v20  }
0x28a: {  	v18 =	vadd.f32 v19, v18  }
0x28b: {  	v50 =	vmul.f32 v20, v17  }
0x28c: {  	v51 =	vmul.f32 v18, v17  }
0x28d: {  	[tilespmem:s5+$0x0] =	vst v50  }
0x28e: {  	[tilespmem:s6+$0x0] =	vst v51  }
0x28f: {  	v17 =	vld [tilespmem:s28+$0x0]  }
0x290: {  	v23 =	vld [tilespmem:s24+$0x0]  }
0x291: {  	v26 =	vld [tilespmem:s7+$0x0];
	_ =	sdelay $0x1  }
0x292: {  	v52 =	vor.u32 s21, v5;
	v53 =	vor.u32 s21, v7  }
0x293: {  	v21 =	vshll.u32 v53, $0x3;
	v24 =	vshll.u32 v52, $0x3  }
0x294: {  	v29 =	vld [tilespmem:s8+$0x0];
	v54 =	vadd.s32 $0x1, v17;
	v17 =	vshll.u32 v17, $0x1;
	v33 =	vsub.f32 $1.000000000e+00, v23  }
0x295: {  	v34 =	vsub.f32 $1.000000000e+00, v26;
	v22 =	vand.u32 $0xFFFFFFF8, v17;
	v17 =	vand.u32 $0x6, v17  }
0x296: {  	v25 =	vshll.u32 v54, $0x1;
	v20 =	vshrl.u32 v54, $0x2;
	v16 =	vadd.s32 v16, v22  }
0x297: {  	v27 =	vor.u32 $0x1, v17;
	v9 =	vadd.s32 v9, v20;
	v28 =	vor.u32 v17, v16  }
0x298: {  	v25 =	vand.u32 $0x6, v25;
	v16 =	vor.u32 v27, v16;
	v9 =	vshll.u32 v9, $0x3  }
0x299: {  	v55 =	vsub.f32 $1.000000000e+00, v29;
	v30 =	vor.u32 $0x1, v25;
	v31 =	vor.u32 v25, v9  }
0x29a: {  	v14 =	vadd.s32 v14, v20;
	v15 =	vadd.s32 v15, v22;
	v9 =	vor.u32 v30, v9  }
0x29b: {  	v18 =	vadd.s32 v52, v20;
	v24 =	vadd.s32 v24, v22;
	v32 =	vor.u32 v17, v15  }
0x29c: {  	v19 =	vadd.s32 v53, v20;
	v14 =	vshll.u32 v14, $0x3;
	v15 =	vor.u32 v27, v15;
	v28 =	vld.idx.msk [tilespmem:v28+s30+$0x0], $0xffff  }
0x29d: {  	v36 =	vmul.f32 v34, v33;
	v33 =	vmul.f32 v26, v33;
	v35 =	vor.u32 v25, v14;
	v16 =	vld.idx.msk [tilespmem:v16+s30+$0x0], $0xffff  }
0x29e: {  	v34 =	vmul.f32 v34, v23;
	v21 =	vadd.s32 v21, v22;
	v14 =	vor.u32 v30, v14;
	v31 =	vld.idx.msk [tilespmem:v31+s30+$0x0], $0xffff  }
0x29f: {  	v18 =	vshll.u32 v18, $0x3;
	v37 =	vor.u32 v17, v24;
	v39 =	vmul.f32 v55, v36;
	v9 =	vld.idx.msk [tilespmem:v9+s30+$0x0], $0xffff  }
0x2a0: {  	v24 =	vor.u32 v27, v24;
	v19 =	vshll.u32 v19, $0x3;
	v17 =	vor.u32 v17, v21;
	v32 =	vld.idx.msk [tilespmem:v32+s30+$0x0], $0xffff  }
0x2a1: {  	v38 =	vor.u32 v25, v18;
	v56 =	vmul.f32 v36, v29;
	v15 =	vld.idx.msk [tilespmem:v15+s30+$0x0], $0xffff;
	v28 =	vmul.f32 v28, v39  }
0x2a2: {  	v21 =	vor.u32 v27, v21;
	v18 =	vor.u32 v30, v18;
	v35 =	vld.idx.msk [tilespmem:v35+s30+$0x0], $0xffff;
	v16 =	vmul.f32 v16, v39  }
0x2a3: {  	v57 =	vmul.f32 v55, v33;
	v14 =	vld.idx.msk [tilespmem:v14+s30+$0x0], $0xffff;
	v31 =	vmul.f32 v31, v56;
	v28 =	vadd.f32 $0.0e+00, v28  }
0x2a4: {  	v25 =	vor.u32 v25, v19;
	v58 =	vld.idx.msk [tilespmem:v37+s30+$0x0], $0xffff;
	v9 =	vmul.f32 v9, v56;
	v16 =	vadd.f32 $0.0e+00, v16  }
0x2a5: {  	v62 =	vmul.f32 v29, v33;
	v59 =	vld.idx.msk [tilespmem:v24+s30+$0x0], $0xffff;
	v61 =	vmul.f32 v32, v57;
	v60 =	vadd.f32 v31, v28  }
0x2a6: {  	v19 =	vor.u32 v30, v19;
	v63 =	vld.idx.msk [tilespmem:v38+s30+$0x0], $0xffff;
	v15 =	vmul.f32 v15, v57;
	v9 =	vadd.f32 v9, v16  }
0x2a7: {  	v36 =	vmul.f32 v55, v34;
	v32 =	vld.idx.msk [tilespmem:v18+s30+$0x0], $0xffff;
	v35 =	vmul.f32 v35, v62;
	v33 =	vadd.f32 v61, v60  }
0x2a8: {  	v23 =	vmul.f32 v26, v23;
	v17 =	vld.idx.msk [tilespmem:v17+s30+$0x0], $0xffff;
	v14 =	vmul.f32 v14, v62;
	v9 =	vadd.f32 v15, v9  }
0x2a9: {  	v37 =	vld.idx.msk [tilespmem:v21+s30+$0x0], $0xffff;
	v38 =	vmul.f32 v58, v36;
	v39 =	vmul.f32 v34, v29;
	v18 =	vadd.f32 v35, v33  }
0x2aa: {  	v25 =	vld.idx.msk [tilespmem:v25+s30+$0x0], $0xffff;
	v40 =	vmul.f32 v59, v36;
	v9 =	vadd.f32 v14, v9  }
0x2ab: {  	v20 =	vmul.f32 v55, v23;
	v19 =	vld.idx.msk [tilespmem:v19+s30+$0x0], $0xffff;
	v41 =	vmul.f32 v63, v39;
	v18 =	vadd.f32 v38, v18  }
0x2ac: {  	v42 =	vmul.f32 v32, v39;
	v9 =	vadd.f32 v40, v9  }
0x2ad: {  	v44 =	vmul.f32 v29, v23;
	v17 =	vmul.f32 v17, v20;
	v43 =	vadd.f32 v41, v18  }
0x2ae: {  	v45 =	vld [tilespmem:s22+$0x0];
	v46 =	vmul.f32 v37, v20;
	v9 =	vadd.f32 v42, v9  }
0x2af: {  	v48 =	vmul.f32 v25, v44;
	v47 =	vadd.f32 v17, v43  }
0x2b0: {  	v49 =	vmul.f32 v19, v44;
	v9 =	vadd.f32 v46, v9  }
0x2b1: {  	v15 =	vadd.f32 v48, v47  }
0x2b2: {  	v9 =	vadd.f32 v49, v9  }
0x2b3: {  	v50 =	vmul.f32 v15, v45  }
0x2b4: {  	v9 =	vmul.f32 v9, v45  }
0x2b5: {  	[tilespmem:s17+$0x0] =	vst v50  }
0x2b6: {  	[tilespmem:s16+$0x0] =	vst v9  }
0x2b7: {  	v9 =	vld [tilespmem:s26+$0x0]  }
0x2b8: {  	v19 =	vld [tilespmem:s2+$0x0]  }
0x2b9: {  	v58 =	vld [tilespmem:s1+$0x0];
	_ =	sdelay $0x1  }
0x2ba: {  	v51 =	vor.u32 s20, v5;
	v52 =	vor.u32 s20, v7  }
0x2bb: {  	v54 =	vshll.u32 v52, $0x3;
	v56 =	vshll.u32 v51, $0x3  }
0x2bc: {  	v25 =	vld [tilespmem:s0+$0x0];
	v53 =	vadd.s32 $0x1, v9;
	v9 =	vshll.u32 v9, $0x1;
	v36 =	vsub.f32 $1.000000000e+00, v19  }
0x2bd: {  	v37 =	vsub.f32 $1.000000000e+00, v58;
	v55 =	vand.u32 $0xFFFFFFF8, v9;
	v9 =	vand.u32 $0x6, v9  }
0x2be: {  	v57 =	vshll.u32 v53, $0x1;
	v16 =	vshrl.u32 v53, $0x2;
	v13 =	vadd.s32 v13, v55  }
0x2bf: {  	v59 =	vor.u32 $0x1, v9;
	v11 =	vadd.s32 v11, v16;
	v60 =	vor.u32 v9, v13  }
0x2c0: {  	v21 =	vand.u32 $0x6, v57;
	v13 =	vor.u32 v59, v13;
	v11 =	vshll.u32 v11, $0x3  }
0x2c1: {  	v39 =	vsub.f32 $1.000000000e+00, v25;
	v61 =	vor.u32 $0x1, v21;
	v62 =	vor.u32 v21, v11  }
0x2c2: {  	v10 =	vadd.s32 v10, v16;
	v12 =	vadd.s32 v12, v55;
	v11 =	vor.u32 v61, v11  }
0x2c3: {  	v14 =	vadd.s32 v51, v16;
	v20 =	vadd.s32 v56, v55;
	v63 =	vor.u32 v9, v12  }
0x2c4: {  	v15 =	vadd.s32 v52, v16;
	v10 =	vshll.u32 v10, $0x3;
	v12 =	vor.u32 v59, v12;
	v24 =	vld.idx.msk [tilespmem:v60+s30+$0x0], $0xffff  }
0x2c5: {  	v40 =	vmul.f32 v37, v36;
	v29 =	vmul.f32 v58, v36;
	v38 =	vor.u32 v21, v10;
	v13 =	vld.idx.msk [tilespmem:v13+s30+$0x0], $0xffff  }
0x2c6: {  	v30 =	vmul.f32 v37, v19;
	v17 =	vadd.s32 v54, v55;
	v10 =	vor.u32 v61, v10;
	v27 =	vld.idx.msk [tilespmem:v62+s30+$0x0], $0xffff  }
0x2c7: {  	v14 =	vshll.u32 v14, $0x3;
	v41 =	vor.u32 v9, v20;
	v43 =	vmul.f32 v39, v40;
	v11 =	vld.idx.msk [tilespmem:v11+s30+$0x0], $0xffff  }
0x2c8: {  	v20 =	vor.u32 v59, v20;
	v15 =	vshll.u32 v15, $0x3;
	v9 =	vor.u32 v9, v17;
	v28 =	vld.idx.msk [tilespmem:v63+s30+$0x0], $0xffff  }
0x2c9: {  	v42 =	vor.u32 v21, v14;
	v44 =	vmul.f32 v40, v25;
	v12 =	vld.idx.msk [tilespmem:v12+s30+$0x0], $0xffff;
	v24 =	vmul.f32 v24, v43  }
0x2ca: {  	v17 =	vor.u32 v59, v17;
	v14 =	vor.u32 v61, v14;
	v31 =	vld.idx.msk [tilespmem:v38+s30+$0x0], $0xffff;
	v13 =	vmul.f32 v13, v43  }
0x2cb: {  	v45 =	vmul.f32 v39, v29;
	v10 =	vld.idx.msk [tilespmem:v10+s30+$0x0], $0xffff;
	v27 =	vmul.f32 v27, v44;
	v24 =	vadd.f32 $0.0e+00, v24  }
0x2cc: {  	v21 =	vor.u32 v21, v15;
	v46 =	vld.idx.msk [tilespmem:v41+s30+$0x0], $0xffff;
	v11 =	vmul.f32 v11, v44;
	v13 =	vadd.f32 $0.0e+00, v13  }
0x2cd: {  	v50 =	vmul.f32 v25, v29;
	v47 =	vld.idx.msk [tilespmem:v20+s30+$0x0], $0xffff;
	v49 =	vmul.f32 v28, v45;
	v48 =	vadd.f32 v27, v24  }
0x2ce: {  	v15 =	vor.u32 v61, v15;
	v51 =	vld.idx.msk [tilespmem:v42+s30+$0x0], $0xffff;
	v12 =	vmul.f32 v12, v45;
	v11 =	vadd.f32 v11, v13  }
0x2cf: {  	v55 =	vmul.f32 v39, v30;
	v52 =	vld.idx.msk [tilespmem:v14+s30+$0x0], $0xffff;
	v54 =	vmul.f32 v31, v50;
	v53 =	vadd.f32 v49, v48  }
0x2d0: {  	v19 =	vmul.f32 v58, v19;
	v9 =	vld.idx.msk [tilespmem:v9+s30+$0x0], $0xffff;
	v10 =	vmul.f32 v10, v50;
	v11 =	vadd.f32 v12, v11  }
0x2d1: {  	v58 =	vmul.f32 v30, v25;
	v56 =	vld.idx.msk [tilespmem:v17+s30+$0x0], $0xffff;
	v57 =	vmul.f32 v46, v55;
	v14 =	vadd.f32 v54, v53  }
0x2d2: {  	v21 =	vld.idx.msk [tilespmem:v21+s30+$0x0], $0xffff;
	v10 =	vadd.f32 v10, v11;
	v11 =	vmul.f32 v47, v55  }
0x2d3: {  	v16 =	vmul.f32 v39, v19;
	v15 =	vld.idx.msk [tilespmem:v15+s30+$0x0], $0xffff;
	v59 =	vmul.f32 v51, v58;
	v14 =	vadd.f32 v57, v14  }
0x2d4: {  	v10 =	vadd.f32 v11, v10;
	v11 =	vmul.f32 v52, v58  }
0x2d5: {  	v61 =	vmul.f32 v25, v19;
	v9 =	vmul.f32 v9, v16;
	v60 =	vadd.f32 v59, v14  }
0x2d6: {  	v62 =	vld [tilespmem:s13+$0x0];
	v10 =	vadd.f32 v11, v10;
	v11 =	vmul.f32 v56, v16  }
0x2d7: {  	v63 =	vmul.f32 v21, v61;
	v9 =	vadd.f32 v9, v60  }
0x2d8: {  	v10 =	vadd.f32 v11, v10;
	v11 =	vmul.f32 v15, v61  }
0x2d9: {  	v9 =	vadd.f32 v63, v9  }
0x2da: {  	v10 =	vadd.f32 v11, v10  }
0x2db: {  	v9 =	vmul.f32 v9, v62  }
0x2dc: {  	s3 =	rddreg [dreg:$0x10];
	v10 =	vmul.f32 v10, v62  }
0x2dd: {  	s22 =	rddreg [dreg:$0x1];
	s24 =	simm.s32 $0x0;
	[tilespmem:s14+$0x0] =	vst v9  }
0x2de: {  	s0 =	sadd.s32 s22, s3;
	s26 =	simm.s32 $0x14400;
	s14 =	simm.s32 $0x3;
	[tilespmem:s4+$0x0] =	vst v10  }
0x2df: {  	[hbm4b:s0+s24] =	stream.linear.scatter [tilespmem:s26], [sflag:$0x3], $0x200, $0x38;
	[tilespmem:$0x14800] =	vst v63  }
0x2e0: {  	_ =	swait.ge [sflag:s14], $0x200  }
0x2e1: {  	[sflag:s14] =	ssyncset.done $0x0  }
0x2e2: {  	[sflag:s14] =	ssyncadd.s32 $0xFFFFFE00  }
0x2e3: {  	s28 =	rddreg [dreg:$0x2]  }
0x2e4: {  	s29 =	simm.s32 $0x14600;
	s0 =	sadd.s32 s28, s3  }
0x2e5: {  	[hbm4b:s0+s24] =	stream.linear.scatter [tilespmem:s29], [sflag:$0x3], $0x200, $0x38;
	[tilespmem:$0x14800] =	vst v63  }
0x2e6: {  	_ =	swait.ge [sflag:s14], $0x200  }
0x2e7: {  	s31 =	rddreg [dreg:$0xf]  }
0x2e8: {  	s0 =	sadd.s32 $0x1, s31  }
0x2e9: {  	p0 =	sne.s32 s0, $0x20  }
.Ltmp6:
0x2ea: {  	_ = 	snop;
	(pc) =	sbr.rel @p0 .LBB2_4-.Ltmp6, $3  }
0x2eb: {  	_ =	sdelay $0x1  }
0x2ec: {  	s17 =	simm.s32 $0x80;
	[sflag:s14] =	ssyncset.done $0x0  }
0x2ed: {  	s13 =	simm.s32 $0x0;
	s9 =	rddreg [dreg:$0x8];
	[sflag:s14] =	ssyncadd.s32 $0xFFFFFE00  }
0x2ee: {  	s1 =	rddreg [dreg:$0xe]  }
0x2ef: {  	s0 =	rddreg [dreg:$0xd];
	s1 =	sadd.s32 $0x1, s1  }
0x2f0: {  	p0 =	sne.s32 s1, s0  }
.Ltmp7:
0x2f1: {  	_ = 	snop;
	(pc) =	sbr.rel @p0 .LBB2_1-.Ltmp7, $1  }
0x2f2: {  	_ =	sdelay $0x3  }
0x2f3: {  	_ =	sfence.sel $0x180000  }
0x2f4: {  	[bflag:$0x0] =	sbarrier.arrive $0xFFFF  }
0x2f5: {  	_ =	strace $0x90000047  }
0x2f6: {  	s0 =	stileid.u32;
	[bflag:$0x2] =	sbarrier.arrive $0xFFFF  }
0x2f7: {  	p0 =	sne.s32 s0, $0x0;
	s0 =	rddreg [dreg:$0x3]  }
0x2f8: {  	s0 =	sadd.s32 @!p0 $0x100000, s0  }
0x2f9: {  	[sflag:s0] =	ssyncadd.tile.s32 @!p0 $0x1;
	_ =	shalt  }
.Lfunc_end2:
_tile_overlayer_lowered:
.L_overlay_start_2:
0x2fa: {  	(tag) =	ssettag $0x2  }
0x2fb: {  	s0 =	rddreg [dreg:$0x0];
	s2 =	stileid.u32  }
0x2fc: {  	s1 =	rddreg [dreg:$0x1];
	p0 =	sne.s32 s2, $0x0  }
0x2fd: {  	s3 =	rddreg [dreg:$0x2];
	[bflag:$0x3] =	sbarrier.arrive $0xFFFF;
	s2 =	simm.s32 @!p0 $0x1C03  }
0x2fe: {  	[timem:s3], [sflag:s2] =	dma.local @!p0 [hbm:s0], s1  }
0x2ff: {  	s0 =	simm.s32 @!p0 $0x3  }
0x300: {  	_ =	swait.ge @!p0 [sflag:s0], s1  }
0x301: {  	s1 =	ssub.s32 @!p0 $0x0, s1;
	[sflag:s0] =	ssyncset.done @!p0 $0x0  }
0x302: {  	[sflag:s0] =	ssyncadd.s32 @!p0 s1  }
0x303: {  	[bflag:$0x3] =	sbarrier.arrive $0xFFFF  }
0x304: {  	_ =	shalt  }

</sc_bundles>
